<compile_context>
chip_gen: v7x
topology: tpu7x:2x2x1
jax: 0.10.2.dev20260603
libtpu: 0.0.44.dev20260713+nightly
codegen_flags: <defaults>
</compile_context>

<pallas_src>
import jax
import jax.numpy as jnp
import numpy as np
from jax import lax
from jax.experimental import pallas as pl
from jax.experimental.pallas import tpu as pltpu
from jax.experimental.pallas import tpu_sc as plsc

_N = 10000
_E = 320000
_D = 128
_NC = 2
_NS = 16
_NW = _NC * _NS
_EBLK = 128
_BPW = 80
_EPAD = _BPW * _NW * _EBLK
_EPW = _EPAD // _NW
_NPAD = 10240
_RPS = _NPAD // _NS
_NBUF = 5

_PAD_EDGES = np.stack([
    (np.arange(_EPAD - _E) * 7) % _N,
    _N + np.arange(_EPAD - _E) % (_NPAD - _N),
]).astype(np.int32)

_mesh = plsc.VectorSubcoreMesh(
    core_axis_name="c", subcore_axis_name="s", num_cores=_NC, num_subcores=_NS
)


def _deg_body(ei_hbm, out_hbm, idx_v, loc_v):
    c = lax.axis_index("c")
    s = lax.axis_index("s")
    wid = c * _NS + s

    def zero_body(i, carry):
        loc_v[pl.ds(i * 16, 16)] = jnp.zeros((16,), jnp.float32)
        return carry

    lax.fori_loop(0, _NPAD // 16, zero_body, 0)

    pltpu.sync_copy(ei_hbm.at[1, pl.ds(wid * _BPW, _BPW)], idx_v)
    ones = jnp.ones((16,), jnp.float32)

    def hist_body(i, carry):
        r = i // 8
        k = i % 8
        idx = idx_v[r, pl.ds(k * 16, 16)]
        plsc.addupdate_scatter(loc_v, [idx], ones)
        return carry

    lax.fori_loop(0, _EPW // 16, hist_body, 0)
    pltpu.sync_copy(loc_v, out_hbm.at[wid])


_deg_call = pl.kernel(
    _deg_body,
    out_type=jax.ShapeDtypeStruct((_NW, _NPAD), jnp.float32),
    mesh=_mesh,
    compiler_params=pltpu.CompilerParams(needs_layout_passes=False),
    scratch_types=[
        pltpu.VMEM((_BPW, _EBLK), jnp.int32),
        pltpu.VMEM((_NPAD,), jnp.float32),
    ],
)


def _scatter_body(hp_hbm, ei_hbm, out_hbm,
                  srcix_v, dstix_v, zbuf_v, r0, r1, r2, r3, r4,
                  g0, g1, g2, g3, g4, s0, s1, s2, s3, s4, acc_sh):
    rows = (r0, r1, r2, r3, r4)
    gsems = (g0, g1, g2, g3, g4)
    ssems = (s0, s1, s2, s3, s4)
    c = lax.axis_index("c")
    s = lax.axis_index("s")
    wid = c * _NS + s

    pltpu.sync_copy(ei_hbm.at[0, pl.ds(wid * _BPW, _BPW)], srcix_v)
    pltpu.sync_copy(ei_hbm.at[1, pl.ds(wid * _BPW, _BPW)], dstix_v)

    zero32 = jnp.zeros((32,), jnp.bfloat16)

    def zrow(r, carry):
        for k in range(4):
            zbuf_v[r, pl.ds(k * 32, 32)] = zero32
        return carry

    lax.fori_loop(0, _EBLK, zrow, 0)
    for k in range(_RPS // _EBLK):
        pltpu.sync_copy(zbuf_v, acc_sh.at[pl.ds(s * _RPS + k * _EBLK, _EBLK)])
    plsc.subcore_barrier()

    for b in range(_NBUF):
        pltpu.async_copy(hp_hbm.at[srcix_v.at[b]], rows[b], gsems[b])

    nsteps = _BPW // _NBUF

    def step(si, carry):
        for b in range(_NBUF):
            j = si * _NBUF + b
            pltpu.make_async_copy(hp_hbm.at[srcix_v.at[j]],
                                  rows[b], gsems[b]).wait()
            sc = pltpu.async_copy(rows[b], acc_sh.at[dstix_v.at[j]],
                                  ssems[b], add=True)

            @pl.when(si < nsteps - 1)
            def _():
                sc.wait()
                pltpu.async_copy(hp_hbm.at[srcix_v.at[j + _NBUF]],
                                 rows[b], gsems[b])

        return carry

    lax.fori_loop(0, nsteps, step, 0)
    for b in range(_NBUF):
        pltpu.make_async_copy(rows[b], acc_sh.at[dstix_v.at[0]],
                              ssems[b]).wait()
    plsc.subcore_barrier()
    pltpu.sync_copy(acc_sh.at[pl.ds(s * _RPS, _RPS)],
                    out_hbm.at[c, pl.ds(s * _RPS, _RPS)])


_scatter_call = pl.kernel(
    _scatter_body,
    out_type=jax.ShapeDtypeStruct((_NC, _NPAD, _D), jnp.bfloat16),
    mesh=_mesh,
    compiler_params=pltpu.CompilerParams(
        needs_layout_passes=False, use_tc_tiling_on_sc=False),
    scratch_types=[
        pltpu.VMEM((_BPW, _EBLK), jnp.int32),
        pltpu.VMEM((_BPW, _EBLK), jnp.int32),
        pltpu.VMEM((_EBLK, _D), jnp.bfloat16),
        pltpu.VMEM((_EBLK, _D), jnp.bfloat16),
        pltpu.VMEM((_EBLK, _D), jnp.bfloat16),
        pltpu.VMEM((_EBLK, _D), jnp.bfloat16),
        pltpu.VMEM((_EBLK, _D), jnp.bfloat16),
        pltpu.VMEM((_EBLK, _D), jnp.bfloat16),
        pltpu.SemaphoreType.DMA,
        pltpu.SemaphoreType.DMA,
        pltpu.SemaphoreType.DMA,
        pltpu.SemaphoreType.DMA,
        pltpu.SemaphoreType.DMA,
        pltpu.SemaphoreType.DMA,
        pltpu.SemaphoreType.DMA,
        pltpu.SemaphoreType.DMA,
        pltpu.SemaphoreType.DMA,
        pltpu.SemaphoreType.DMA,
        pltpu.VMEM_SHARED((_NPAD, _D), jnp.bfloat16),
    ],
)


_RB = 1024
_GRID = 10


def _dinv_col(deg_blk):
    dcol = lax.dot_general(deg_blk, jnp.ones((_NW, 1), jnp.float32),
                           (((0,), (0,)), ((), ())),
                           preferred_element_type=jnp.float32)
    return lax.rsqrt(dcol + 1.0)


def _tc_first_body(x_ref, deg_ref, gb_ref, w_ref, hp_ref, dinvb_ref):
    dinv = _dinv_col(deg_ref[...])
    h = x_ref[...] * gb_ref[0:1, :] + gb_ref[1:2, :]
    hp = jnp.dot(h, w_ref[...], preferred_element_type=jnp.float32)
    hp_ref[...] = (hp * dinv).astype(jnp.bfloat16)
    dinvb_ref[...] = (dinv * jnp.ones((1, _D), jnp.float32)).astype(
        jnp.bfloat16)


def _tc_first(x, deg_p, gb, w1):
    return pl.pallas_call(
        _tc_first_body,
        grid=(_GRID,),
        in_specs=[
            pl.BlockSpec((_RB, _D), lambda i: (i, 0)),
            pl.BlockSpec((_NW, _RB), lambda i: (0, i)),
            pl.BlockSpec((2, _D), lambda i: (0, 0)),
            pl.BlockSpec((_D, _D), lambda i: (0, 0)),
        ],
        out_specs=[
            pl.BlockSpec((_RB, _D), lambda i: (i, 0)),
            pl.BlockSpec((_RB, _D), lambda i: (i, 0)),
        ],
        out_shape=[
            jax.ShapeDtypeStruct((_N, _D), jnp.bfloat16),
            jax.ShapeDtypeStruct((_N, _D), jnp.bfloat16),
        ],
    )(x, deg_p, gb, w1)


def _tc_mid_body(acc_ref, hp_ref, dinvb_ref, b_ref, w_ref, out_ref):
    dinv = dinvb_ref[...].astype(jnp.float32)
    tot = (acc_ref[0].astype(jnp.float32) + acc_ref[1].astype(jnp.float32)
           + hp_ref[...].astype(jnp.float32))
    z = tot * dinv + b_ref[...]
    h = jnp.maximum(z, 0.0)
    hp = jnp.dot(h, w_ref[...], preferred_element_type=jnp.float32) * dinv
    out_ref[...] = hp.astype(jnp.bfloat16)


def _tc_mid(acc_p, hp, dinvb, b, w_next):
    return pl.pallas_call(
        _tc_mid_body,
        grid=(_GRID,),
        in_specs=[
            pl.BlockSpec((_NC, _RB, _D), lambda i: (0, i, 0)),
            pl.BlockSpec((_RB, _D), lambda i: (i, 0)),
            pl.BlockSpec((_RB, _D), lambda i: (i, 0)),
            pl.BlockSpec((1, _D), lambda i: (0, 0)),
            pl.BlockSpec((_D, _D), lambda i: (0, 0)),
        ],
        out_specs=pl.BlockSpec((_RB, _D), lambda i: (i, 0)),
        out_shape=jax.ShapeDtypeStruct((_N, _D), jnp.bfloat16),
    )(acc_p, hp, dinvb, b, w_next)


def _tc_final_body(acc_ref, hp_ref, dinvb_ref, b_ref, wl_ref, bl_ref,
                   out_ref, sum_ref):
    i = pl.program_id(0)
    dinv = dinvb_ref[...].astype(jnp.float32)
    tot = (acc_ref[0].astype(jnp.float32) + acc_ref[1].astype(jnp.float32)
           + hp_ref[...].astype(jnp.float32))
    z = tot * dinv + b_ref[...]
    h = jnp.maximum(z, 0.0)
    rowid = lax.broadcasted_iota(jnp.int32, (_RB, _D), 0)
    h = jnp.where(rowid < _N - i * _RB, h, 0.0)
    part = jnp.sum(h, axis=0, keepdims=True)

    @pl.when(i == 0)
    def _():
        sum_ref[...] = part

    @pl.when(i > 0)
    def _():
        sum_ref[...] += part

    @pl.when(i == _GRID - 1)
    def _():
        m = sum_ref[...] * (1.0 / _N)
        logits = jnp.dot(m, wl_ref[...], preferred_element_type=jnp.float32)
        logits = logits + bl_ref[...]
        zmax = jnp.max(logits, axis=1, keepdims=True)
        e = jnp.exp(logits - zmax)
        out_ref[...] = e / jnp.sum(e, axis=1, keepdims=True)


def _tc_final(acc_p, hp, dinvb, b, wl, bl):
    return pl.pallas_call(
        _tc_final_body,
        grid=(_GRID,),
        in_specs=[
            pl.BlockSpec((_NC, _RB, _D), lambda i: (0, i, 0)),
            pl.BlockSpec((_RB, _D), lambda i: (i, 0)),
            pl.BlockSpec((_RB, _D), lambda i: (i, 0)),
            pl.BlockSpec((1, _D), lambda i: (0, 0)),
            pl.BlockSpec((_D, 2), lambda i: (0, 0)),
            pl.BlockSpec((1, 2), lambda i: (0, 0)),
        ],
        out_specs=pl.BlockSpec((1, 2), lambda i: (0, 0)),
        out_shape=jax.ShapeDtypeStruct((1, 2), jnp.float32),
        scratch_shapes=[pltpu.VMEM((1, _D), jnp.float32)],
    )(acc_p, hp, dinvb, b, wl, bl)


def kernel(x, edge_index, bn_gamma, bn_beta, W1, b1, W2, b2, W3, b3, Wl, bl):
    ei = edge_index.astype(jnp.int32)
    ei_p = jnp.concatenate(
        [ei, jnp.asarray(_PAD_EDGES)], axis=1).reshape(2, _NW * _BPW, _EBLK)

    eps = 1e-5
    gb = jnp.stack([bn_gamma * (1.0 / jnp.sqrt(1.0 + eps)), bn_beta])

    deg_p = _deg_call(ei_p)

    hp1, dinvb = _tc_first(x, deg_p, gb, W1)
    acc1 = _scatter_call(hp1, ei_p)
    hp2 = _tc_mid(acc1, hp1, dinvb, b1.reshape(1, _D), W2)
    acc2 = _scatter_call(hp2, ei_p)
    hp3 = _tc_mid(acc2, hp2, dinvb, b2.reshape(1, _D), W3)
    acc3 = _scatter_call(hp3, ei_p)
    return _tc_final(acc3, hp3, dinvb, b3.reshape(1, _D), Wl,
                     bl.reshape(1, 2))

# --- scband reference (transcript-rebuilt; emitter-appended) ---
"""Pipeline reference for scband-simple-gnn-36893769073203 (READ-ONLY COPY).

The authoritative reference and input builder live on the scoring server;
editing this copy changes nothing except your own understanding.
"""

import jax, jax.numpy as jnp
import numpy as np

N = 10000
E = 320000
D = 128
F1 = 128
F2 = 128
F3 = 128
FOUT = 2


def setup_inputs(seed: int = 0) -> dict:
    key = jax.random.key(seed)
    ks = jax.random.split(key, 12)
    x = jax.random.normal(ks[0], (N, D), dtype=jnp.float32)
    edge_index = jax.random.randint(ks[1], (2, E), 0, N)
    def glorot(k, shape):
        fan_in = shape[0]
        return jax.random.normal(k, shape, dtype=jnp.float32) / np.sqrt(fan_in)
    return {
        "x": x,
        "edge_index": edge_index,
        "bn_gamma": jnp.ones((D,), dtype=jnp.float32),
        "bn_beta": jnp.zeros((D,), dtype=jnp.float32),
        "W1": glorot(ks[2], (D, F1)),
        "b1": jnp.zeros((F1,), dtype=jnp.float32),
        "W2": glorot(ks[3], (F1, F2)),
        "b2": jnp.zeros((F2,), dtype=jnp.float32),
        "W3": glorot(ks[4], (F2, F3)),
        "b3": jnp.zeros((F3,), dtype=jnp.float32),
        "Wl": glorot(ks[5], (F3, FOUT)),
        "bl": jnp.zeros((FOUT,), dtype=jnp.float32),
    }


def gcn_conv(x, edge_index, W, b):
    # GCNConv: symmetric-normalized aggregation with self-loops
    n = x.shape[0]
    loop = jnp.arange(n, dtype=edge_index.dtype)
    src = jnp.concatenate([edge_index[0], loop])
    dst = jnp.concatenate([edge_index[1], loop])
    deg = jnp.zeros((n,), dtype=x.dtype).at[dst].add(1.0)
    dinv = jnp.where(deg > 0, 1.0 / jnp.sqrt(jnp.where(deg > 0, deg, 1.0)), 0.0)
    h = x @ W
    coef = (dinv[src] * dinv[dst])[:, None]
    out = jnp.zeros_like(h).at[dst].add(h[src] * coef)
    return out + b


def reference(x, edge_index, bn_gamma, bn_beta, W1, b1, W2, b2, W3, b3, Wl, bl):
    # single-graph pass (node_list/edge_list of length 1); eval mode -> dropout is identity
    eps = 1e-5
    h = x * (bn_gamma / np.sqrt(1.0 + eps)) + bn_beta  # eval-mode BatchNorm, running stats (0, 1)
    h = jax.nn.relu(gcn_conv(h, edge_index, W1, b1))
    h = jax.nn.relu(gcn_conv(h, edge_index, W2, b2))
    h = jax.nn.relu(gcn_conv(h, edge_index, W3, b3))
    h = jnp.mean(h, axis=0, keepdims=True)  # MeanAggregation over nodes
    out = h @ Wl + bl
    return jax.nn.softmax(out, axis=1)

if __name__ == "__main__":
    import jax
    _d = setup_inputs()
    print(jax.jit(kernel)(*tuple(_d.values())))

</pallas_src>

<mosaic_0001>
#map = affine_map<(d0, d1) -> (0, 0, 0)>
#map1 = affine_map<(d0, d1) -> (0, 0)>
module attributes {stable_mosaic.version = 14 : i64} {
  func.func @_deg_body(%arg0: i32, %arg1: i32, %arg2: memref<2x2560x128xi32, #tpu.memory_space<hbm>>, %arg3: memref<32x10240xf32, #tpu.memory_space<hbm>>, %arg4: memref<80x128xi32, #tpu.memory_space<vmem>>, %arg5: memref<10240xf32, #tpu.memory_space<vmem>>) attributes {dimension_semantics = [#tpu.dimension_semantics<core_parallel>, #tpu.dimension_semantics<subcore_parallel>], iteration_bounds = array<i64: 2, 16>, scalar_prefetch = 0 : i64, scratch_operands = 2 : i64, tpu.core_type = #tpu.core_type<sc_vector_subcore>, window_params = [{transform_indices = #map}, {transform_indices = #map1}]} {
    %mul3A = arith.constant 16 : i32
    %mul3A_0 = arith.muli %arg0, %mul3A : i32
    %add3A = arith.addi %mul3A_0, %arg1 : i32
    %scan3A = arith.constant 0 : i32
    %scan3A_1 = arith.constant 0 : i32
    %scan3A_2 = arith.constant 640 : i32
    %scan3A_3 = arith.addi %scan3A_1, %scan3A_2 : i32
    %scan3A_4 = arith.constant 1 : i32
    scf.for %scan3A_15 = %scan3A_1 to %scan3A_3 step %scan3A_4  : i32 {
      %broadcast_in_dim3A_16 = arith.constant 0.000000e+00 : f32
      %broadcast_in_dim3A_17 = vector.broadcast %broadcast_in_dim3A_16 : f32 to vector<16xf32>
      %mul3A_18 = arith.constant 16 : i32
      %mul3A_19 = arith.muli %scan3A_15, %mul3A_18 : i32
      %swap3A = arith.index_cast %mul3A_19 : i32 to index
      %swap3A_20 = tpu.vector_load %arg5[%swap3A] {strides = array<i32>} : memref<10240xf32, #tpu.memory_space<vmem>>, vector<16xf32>,
      tpu.vector_store %arg5[%swap3A], %broadcast_in_dim3A_17 {strides = array<i32>} : memref<10240xf32, #tpu.memory_space<vmem>>, vector<16xf32>,
    }
    %scan3A_5 = arith.constant 640 : i32
    %mul3A_6 = arith.constant 80 : i32
    %mul3A_7 = arith.muli %add3A, %mul3A_6 : i32
    %run_scoped3A = arith.constant 1 : i32
    "tpu.region"() ({
      %run_scoped3A_15 = tpu.sem_alloc : memref<!tpu.dma_semaphore, #tpu.memory_space<semaphore_mem>>
      %dma_start3A = arith.constant 0 : i32
      %dma_start3A_16 = tpu.memref_slice %arg2[%run_scoped3A, %mul3A_7, %dma_start3A] : memref<2x2560x128xi32, #tpu.memory_space<hbm>> -> memref<1x80x128xi32, #tpu.memory_space<hbm>>
      %dma_start3A_17 = tpu.memref_squeeze %dma_start3A_16 : memref<1x80x128xi32, #tpu.memory_space<hbm>> -> memref<80x128xi32, #tpu.memory_space<hbm>>
      %dma_start3A_18 = arith.constant 0 : i32
      %dma_start3A_19 = tpu.memref_slice %arg2[%run_scoped3A, %mul3A_7, %dma_start3A_18] : memref<2x2560x128xi32, #tpu.memory_space<hbm>> -> memref<1x80x128xi32, #tpu.memory_space<hbm>>
      %dma_start3A_20 = tpu.memref_squeeze %dma_start3A_19 : memref<1x80x128xi32, #tpu.memory_space<hbm>> -> memref<80x128xi32, #tpu.memory_space<hbm>>
      tpu.enqueue_dma source(%dma_start3A_20 : memref<80x128xi32, #tpu.memory_space<hbm>>) target(%arg4 : memref<80x128xi32, #tpu.memory_space<vmem>>) target_semaphore(%run_scoped3A_15 : memref<!tpu.dma_semaphore, #tpu.memory_space<semaphore_mem>>)
      %dma_wait3A = arith.constant 0 : i32
      %dma_wait3A_21 = tpu.memref_slice %arg2[%run_scoped3A, %mul3A_7, %dma_wait3A] : memref<2x2560x128xi32, #tpu.memory_space<hbm>> -> memref<1x80x128xi32, #tpu.memory_space<hbm>>
      %dma_wait3A_22 = tpu.memref_squeeze %dma_wait3A_21 : memref<1x80x128xi32, #tpu.memory_space<hbm>> -> memref<80x128xi32, #tpu.memory_space<hbm>>
      %dma_wait3A_23 = arith.constant 0 : i32
      %dma_wait3A_24 = tpu.memref_slice %arg2[%run_scoped3A, %mul3A_7, %dma_wait3A_23] : memref<2x2560x128xi32, #tpu.memory_space<hbm>> -> memref<1x80x128xi32, #tpu.memory_space<hbm>>
      %dma_wait3A_25 = tpu.memref_squeeze %dma_wait3A_24 : memref<1x80x128xi32, #tpu.memory_space<hbm>> -> memref<80x128xi32, #tpu.memory_space<hbm>>
      tpu.wait_dma2 semaphore(%run_scoped3A_15 : memref<!tpu.dma_semaphore, #tpu.memory_space<semaphore_mem>>) src(%dma_wait3A_25 : memref<80x128xi32, #tpu.memory_space<hbm>>) dst(%arg4 : memref<80x128xi32, #tpu.memory_space<vmem>>)
      tpu.yield
    }) : () -> ()
    %broadcast_in_dim3A = arith.constant 1.000000e+00 : f32
    %broadcast_in_dim3A_8 = vector.broadcast %broadcast_in_dim3A : f32 to vector<16xf32>
    %scan3A_9 = arith.constant 0 : i32
    %scan3A_10 = arith.constant 0 : i32
    %scan3A_11 = arith.constant 640 : i32
    %scan3A_12 = arith.addi %scan3A_10, %scan3A_11 : i32
    %scan3A_13 = arith.constant 1 : i32
    scf.for %scan3A_15 = %scan3A_10 to %scan3A_12 step %scan3A_13  : i32 {
      %jit3A = arith.constant 8 : i32
      %div3A = arith.divsi %scan3A_15, %jit3A : i32
      %sign3A = arith.constant 0 : i32
      %sign3A_16 = arith.cmpi sgt, %scan3A_15, %sign3A : i32
      %sign3A_17 = arith.extui %sign3A_16 : i1 to i32
      %sign3A_18 = arith.constant 0 : i32
      %sign3A_19 = arith.cmpi slt, %scan3A_15, %sign3A_18 : i32
      %sign3A_20 = arith.extui %sign3A_19 : i1 to i32
      %sign3A_21 = arith.subi %sign3A_17, %sign3A_20 : i32
      %sign3A_22 = arith.constant 0 : i32
      %sign3A_23 = arith.cmpi sgt, %jit3A, %sign3A_22 : i32
      %sign3A_24 = arith.extui %sign3A_23 : i1 to i32
      %sign3A_25 = arith.constant 0 : i32
      %sign3A_26 = arith.cmpi slt, %jit3A, %sign3A_25 : i32
      %sign3A_27 = arith.extui %sign3A_26 : i1 to i32
      %sign3A_28 = arith.subi %sign3A_24, %sign3A_27 : i32
      %ne3A = arith.cmpi ne, %sign3A_21, %sign3A_28 : i32
      %rem3A = arith.remsi %scan3A_15, %jit3A : i32
      %ne3A_29 = arith.constant 0 : i32
      %ne3A_30 = arith.cmpi ne, %rem3A, %ne3A_29 : i32
      %and3A = arith.andi %ne3A, %ne3A_30 : i1
      %sub3A = arith.constant 1 : i32
      %sub3A_31 = arith.subi %div3A, %sub3A : i32
      %select_n3A = arith.select %and3A, %sub3A_31, %div3A : i32
      %jit3A_32 = arith.constant 8 : i32
      %eq3A = arith.constant 0 : i32
      %eq3A_33 = arith.cmpi eq, %jit3A_32, %eq3A : i32
      %jit3A_34 = arith.constant 1 : i32
      %select_n3A_35 = arith.select %eq3A_33, %jit3A_34, %jit3A_32 : i32
      %rem3A_36 = arith.remsi %scan3A_15, %select_n3A_35 : i32
      %ne3A_37 = arith.constant 0 : i32
      %ne3A_38 = arith.cmpi ne, %rem3A_36, %ne3A_37 : i32
      %lt3A = arith.constant 0 : i32
      %lt3A_39 = arith.cmpi slt, %rem3A_36, %lt3A : i32
      %lt3A_40 = arith.constant 0 : i32
      %lt3A_41 = arith.cmpi slt, %select_n3A_35, %lt3A_40 : i32
      %ne3A_42 = arith.xori %lt3A_39, %lt3A_41 : i1
      %and3A_43 = arith.andi %ne3A_42, %ne3A_38 : i1
      %add3A_44 = arith.addi %rem3A_36, %select_n3A_35 : i32
      %select_n3A_45 = arith.select %and3A_43, %add3A_44, %rem3A_36 : i32
      %mul3A_46 = arith.constant 16 : i32
      %mul3A_47 = arith.muli %select_n3A_45, %mul3A_46 : i32
      %get3A = arith.index_cast %select_n3A : i32 to index
      %get3A_48 = arith.index_cast %mul3A_47 : i32 to index
      %get3A_49 = tpu.vector_load %arg4[%get3A, %get3A_48] {strides = array<i32>} : memref<80x128xi32, #tpu.memory_space<vmem>>, vector<16xi32>,
      tpu.vector_store_idx %arg5[%get3A_49], %broadcast_in_dim3A_8 {add = true} : memref<10240xf32, #tpu.memory_space<vmem>>[vector<16xi32>], vector<16xf32>,
    }
    %scan3A_14 = arith.constant 640 : i32
    "tpu.region"() ({
      %run_scoped3A_15 = tpu.sem_alloc : memref<!tpu.dma_semaphore, #tpu.memory_space<semaphore_mem>>
      %dma_start3A = arith.constant 0 : i32
      %dma_start3A_16 = tpu.memref_slice %arg3[%add3A, %dma_start3A] : memref<32x10240xf32, #tpu.memory_space<hbm>> -> memref<1x10240xf32, #tpu.memory_space<hbm>>
      %dma_start3A_17 = tpu.memref_squeeze %dma_start3A_16 : memref<1x10240xf32, #tpu.memory_space<hbm>> -> memref<10240xf32, #tpu.memory_space<hbm>>
      %dma_start3A_18 = arith.constant 0 : i32
      %dma_start3A_19 = tpu.memref_slice %arg3[%add3A, %dma_start3A_18] : memref<32x10240xf32, #tpu.memory_space<hbm>> -> memref<1x10240xf32, #tpu.memory_space<hbm>>
      %dma_start3A_20 = tpu.memref_squeeze %dma_start3A_19 : memref<1x10240xf32, #tpu.memory_space<hbm>> -> memref<10240xf32, #tpu.memory_space<hbm>>
      tpu.enqueue_dma source(%arg5 : memref<10240xf32, #tpu.memory_space<vmem>>) target(%dma_start3A_20 : memref<10240xf32, #tpu.memory_space<hbm>>) target_semaphore(%run_scoped3A_15 : memref<!tpu.dma_semaphore, #tpu.memory_space<semaphore_mem>>)
      %dma_wait3A = arith.constant 0 : i32
      %dma_wait3A_21 = tpu.memref_slice %arg3[%add3A, %dma_wait3A] : memref<32x10240xf32, #tpu.memory_space<hbm>> -> memref<1x10240xf32, #tpu.memory_space<hbm>>
      %dma_wait3A_22 = tpu.memref_squeeze %dma_wait3A_21 : memref<1x10240xf32, #tpu.memory_space<hbm>> -> memref<10240xf32, #tpu.memory_space<hbm>>
      %dma_wait3A_23 = arith.constant 0 : i32
      %dma_wait3A_24 = tpu.memref_slice %arg3[%add3A, %dma_wait3A_23] : memref<32x10240xf32, #tpu.memory_space<hbm>> -> memref<1x10240xf32, #tpu.memory_space<hbm>>
      %dma_wait3A_25 = tpu.memref_squeeze %dma_wait3A_24 : memref<1x10240xf32, #tpu.memory_space<hbm>> -> memref<10240xf32, #tpu.memory_space<hbm>>
      tpu.wait_dma2 semaphore(%run_scoped3A_15 : memref<!tpu.dma_semaphore, #tpu.memory_space<semaphore_mem>>) src(%arg5 : memref<10240xf32, #tpu.memory_space<vmem>>) dst(%dma_wait3A_25 : memref<10240xf32, #tpu.memory_space<hbm>>)
      tpu.yield
    }) : () -> ()
    return
  }
}

#map = affine_map<(d0, d1) -> (0, 0)>
#map1 = affine_map<(d0, d1) -> (0, 0, 0)>
module attributes {stable_mosaic.version = 14 : i64} {
  func.func @_scatter_body(%arg0: i32, %arg1: i32, %arg2: memref<10000x128xbf16, #tpu.memory_space<hbm>>, %arg3: memref<2x2560x128xi32, #tpu.memory_space<hbm>>, %arg4: memref<2x10240x128xbf16, #tpu.memory_space<hbm>>, %arg5: memref<80x128xi32, #tpu.memory_space<vmem>>, %arg6: memref<80x128xi32, #tpu.memory_space<vmem>>, %arg7: memref<128x128xbf16, #tpu.memory_space<vmem>>, %arg8: memref<128x128xbf16, #tpu.memory_space<vmem>>, %arg9: memref<128x128xbf16, #tpu.memory_space<vmem>>, %arg10: memref<128x128xbf16, #tpu.memory_space<vmem>>, %arg11: memref<128x128xbf16, #tpu.memory_space<vmem>>, %arg12: memref<128x128xbf16, #tpu.memory_space<vmem>>, %arg13: memref<!tpu.dma_semaphore, #tpu.memory_space<semaphore_mem>>, %arg14: memref<!tpu.dma_semaphore, #tpu.memory_space<semaphore_mem>>, %arg15: memref<!tpu.dma_semaphore, #tpu.memory_space<semaphore_mem>>, %arg16: memref<!tpu.dma_semaphore, #tpu.memory_space<semaphore_mem>>, %arg17: memref<!tpu.dma_semaphore, #tpu.memory_space<semaphore_mem>>, %arg18: memref<!tpu.dma_semaphore, #tpu.memory_space<semaphore_mem>>, %arg19: memref<!tpu.dma_semaphore, #tpu.memory_space<semaphore_mem>>, %arg20: memref<!tpu.dma_semaphore, #tpu.memory_space<semaphore_mem>>, %arg21: memref<!tpu.dma_semaphore, #tpu.memory_space<semaphore_mem>>, %arg22: memref<!tpu.dma_semaphore, #tpu.memory_space<semaphore_mem>>, %arg23: memref<10240x128xbf16, #tpu.memory_space<vmem_shared>>) attributes {dimension_semantics = [#tpu.dimension_semantics<core_parallel>, #tpu.dimension_semantics<subcore_parallel>], iteration_bounds = array<i64: 2, 16>, scalar_prefetch = 0 : i64, scratch_operands = 19 : i64, tpu.core_type = #tpu.core_type<sc_vector_subcore>, window_params = [{transform_indices = #map}, {transform_indices = #map1}, {transform_indices = #map1}]} {
    %mul3A = arith.constant 16 : i32
    %mul3A_0 = arith.muli %arg0, %mul3A : i32
    %add3A = arith.addi %mul3A_0, %arg1 : i32
    %mul3A_1 = arith.constant 80 : i32
    %mul3A_2 = arith.muli %add3A, %mul3A_1 : i32
    %run_scoped3A = arith.constant 0 : i32
    "tpu.region"() ({
      %run_scoped3A_111 = tpu.sem_alloc : memref<!tpu.dma_semaphore, #tpu.memory_space<semaphore_mem>>
      %dma_start3A_112 = arith.constant 0 : i32
      %dma_start3A_113 = tpu.memref_slice %arg3[%run_scoped3A, %mul3A_2, %dma_start3A_112] : memref<2x2560x128xi32, #tpu.memory_space<hbm>> -> memref<1x80x128xi32, #tpu.memory_space<hbm>>
      %dma_start3A_114 = tpu.memref_squeeze %dma_start3A_113 : memref<1x80x128xi32, #tpu.memory_space<hbm>> -> memref<80x128xi32, #tpu.memory_space<hbm>>
      %dma_start3A_115 = arith.constant 0 : i32
      %dma_start3A_116 = tpu.memref_slice %arg3[%run_scoped3A, %mul3A_2, %dma_start3A_115] : memref<2x2560x128xi32, #tpu.memory_space<hbm>> -> memref<1x80x128xi32, #tpu.memory_space<hbm>>
      %dma_start3A_117 = tpu.memref_squeeze %dma_start3A_116 : memref<1x80x128xi32, #tpu.memory_space<hbm>> -> memref<80x128xi32, #tpu.memory_space<hbm>>
      tpu.enqueue_dma source(%dma_start3A_117 : memref<80x128xi32, #tpu.memory_space<hbm>>) target(%arg5 : memref<80x128xi32, #tpu.memory_space<vmem>>) target_semaphore(%run_scoped3A_111 : memref<!tpu.dma_semaphore, #tpu.memory_space<semaphore_mem>>)
      %dma_wait3A_118 = arith.constant 0 : i32
      %dma_wait3A_119 = tpu.memref_slice %arg3[%run_scoped3A, %mul3A_2, %dma_wait3A_118] : memref<2x2560x128xi32, #tpu.memory_space<hbm>> -> memref<1x80x128xi32, #tpu.memory_space<hbm>>
      %dma_wait3A_120 = tpu.memref_squeeze %dma_wait3A_119 : memref<1x80x128xi32, #tpu.memory_space<hbm>> -> memref<80x128xi32, #tpu.memory_space<hbm>>
      %dma_wait3A_121 = arith.constant 0 : i32
      %dma_wait3A_122 = tpu.memref_slice %arg3[%run_scoped3A, %mul3A_2, %dma_wait3A_121] : memref<2x2560x128xi32, #tpu.memory_space<hbm>> -> memref<1x80x128xi32, #tpu.memory_space<hbm>>
      %dma_wait3A_123 = tpu.memref_squeeze %dma_wait3A_122 : memref<1x80x128xi32, #tpu.memory_space<hbm>> -> memref<80x128xi32, #tpu.memory_space<hbm>>
      tpu.wait_dma2 semaphore(%run_scoped3A_111 : memref<!tpu.dma_semaphore, #tpu.memory_space<semaphore_mem>>) src(%dma_wait3A_123 : memref<80x128xi32, #tpu.memory_space<hbm>>) dst(%arg5 : memref<80x128xi32, #tpu.memory_space<vmem>>)
      tpu.yield
    }) : () -> ()
    %mul3A_3 = arith.constant 80 : i32
    %mul3A_4 = arith.muli %add3A, %mul3A_3 : i32
    %run_scoped3A_5 = arith.constant 1 : i32
    "tpu.region"() ({
      %run_scoped3A_111 = tpu.sem_alloc : memref<!tpu.dma_semaphore, #tpu.memory_space<semaphore_mem>>
      %dma_start3A_112 = arith.constant 0 : i32
      %dma_start3A_113 = tpu.memref_slice %arg3[%run_scoped3A_5, %mul3A_4, %dma_start3A_112] : memref<2x2560x128xi32, #tpu.memory_space<hbm>> -> memref<1x80x128xi32, #tpu.memory_space<hbm>>
      %dma_start3A_114 = tpu.memref_squeeze %dma_start3A_113 : memref<1x80x128xi32, #tpu.memory_space<hbm>> -> memref<80x128xi32, #tpu.memory_space<hbm>>
      %dma_start3A_115 = arith.constant 0 : i32
      %dma_start3A_116 = tpu.memref_slice %arg3[%run_scoped3A_5, %mul3A_4, %dma_start3A_115] : memref<2x2560x128xi32, #tpu.memory_space<hbm>> -> memref<1x80x128xi32, #tpu.memory_space<hbm>>
      %dma_start3A_117 = tpu.memref_squeeze %dma_start3A_116 : memref<1x80x128xi32, #tpu.memory_space<hbm>> -> memref<80x128xi32, #tpu.memory_space<hbm>>
      tpu.enqueue_dma source(%dma_start3A_117 : memref<80x128xi32, #tpu.memory_space<hbm>>) target(%arg6 : memref<80x128xi32, #tpu.memory_space<vmem>>) target_semaphore(%run_scoped3A_111 : memref<!tpu.dma_semaphore, #tpu.memory_space<semaphore_mem>>)
      %dma_wait3A_118 = arith.constant 0 : i32
      %dma_wait3A_119 = tpu.memref_slice %arg3[%run_scoped3A_5, %mul3A_4, %dma_wait3A_118] : memref<2x2560x128xi32, #tpu.memory_space<hbm>> -> memref<1x80x128xi32, #tpu.memory_space<hbm>>
      %dma_wait3A_120 = tpu.memref_squeeze %dma_wait3A_119 : memref<1x80x128xi32, #tpu.memory_space<hbm>> -> memref<80x128xi32, #tpu.memory_space<hbm>>
      %dma_wait3A_121 = arith.constant 0 : i32
      %dma_wait3A_122 = tpu.memref_slice %arg3[%run_scoped3A_5, %mul3A_4, %dma_wait3A_121] : memref<2x2560x128xi32, #tpu.memory_space<hbm>> -> memref<1x80x128xi32, #tpu.memory_space<hbm>>
      %dma_wait3A_123 = tpu.memref_squeeze %dma_wait3A_122 : memref<1x80x128xi32, #tpu.memory_space<hbm>> -> memref<80x128xi32, #tpu.memory_space<hbm>>
      tpu.wait_dma2 semaphore(%run_scoped3A_111 : memref<!tpu.dma_semaphore, #tpu.memory_space<semaphore_mem>>) src(%dma_wait3A_123 : memref<80x128xi32, #tpu.memory_space<hbm>>) dst(%arg6 : memref<80x128xi32, #tpu.memory_space<vmem>>)
      tpu.yield
    }) : () -> ()
    %broadcast_in_dim3A = arith.constant 0.000000e+00 : bf16
    %broadcast_in_dim3A_6 = vector.broadcast %broadcast_in_dim3A : bf16 to vector<32xbf16>
    %scan3A = arith.constant 0 : i32
    %scan3A_7 = arith.constant 0 : i32
    %scan3A_8 = arith.constant 128 : i32
    %scan3A_9 = arith.addi %scan3A_7, %scan3A_8 : i32
    %scan3A_10 = arith.constant 1 : i32
    scf.for %scan3A_111 = %scan3A_7 to %scan3A_9 step %scan3A_10  : i32 {
      %swap3A = arith.index_cast %scan3A_111 : i32 to index
      %swap3A_112 = arith.constant 0 : index
      %swap3A_113 = tpu.vector_load %arg7[%swap3A, %swap3A_112] {strides = array<i32>} : memref<128x128xbf16, #tpu.memory_space<vmem>>, vector<32xbf16>,
      tpu.vector_store %arg7[%swap3A, %swap3A_112], %broadcast_in_dim3A_6 {strides = array<i32>} : memref<128x128xbf16, #tpu.memory_space<vmem>>, vector<32xbf16>,
      %swap3A_114 = arith.index_cast %scan3A_111 : i32 to index
      %swap3A_115 = arith.constant 32 : index
      %swap3A_116 = tpu.vector_load %arg7[%swap3A_114, %swap3A_115] {strides = array<i32>} : memref<128x128xbf16, #tpu.memory_space<vmem>>, vector<32xbf16>,
      tpu.vector_store %arg7[%swap3A_114, %swap3A_115], %broadcast_in_dim3A_6 {strides = array<i32>} : memref<128x128xbf16, #tpu.memory_space<vmem>>, vector<32xbf16>,
      %swap3A_117 = arith.index_cast %scan3A_111 : i32 to index
      %swap3A_118 = arith.constant 64 : index
      %swap3A_119 = tpu.vector_load %arg7[%swap3A_117, %swap3A_118] {strides = array<i32>} : memref<128x128xbf16, #tpu.memory_space<vmem>>, vector<32xbf16>,
      tpu.vector_store %arg7[%swap3A_117, %swap3A_118], %broadcast_in_dim3A_6 {strides = array<i32>} : memref<128x128xbf16, #tpu.memory_space<vmem>>, vector<32xbf16>,
      %swap3A_120 = arith.index_cast %scan3A_111 : i32 to index
      %swap3A_121 = arith.constant 96 : index
      %swap3A_122 = tpu.vector_load %arg7[%swap3A_120, %swap3A_121] {strides = array<i32>} : memref<128x128xbf16, #tpu.memory_space<vmem>>, vector<32xbf16>,
      tpu.vector_store %arg7[%swap3A_120, %swap3A_121], %broadcast_in_dim3A_6 {strides = array<i32>} : memref<128x128xbf16, #tpu.memory_space<vmem>>, vector<32xbf16>,
    }
    %scan3A_11 = arith.constant 128 : i32
    %mul3A_12 = arith.constant 640 : i32
    %mul3A_13 = arith.muli %arg1, %mul3A_12 : i32
    %add3A_14 = arith.constant 0 : i32
    %add3A_15 = arith.addi %mul3A_13, %add3A_14 : i32
    "tpu.region"() ({
      %run_scoped3A_111 = tpu.sem_alloc : memref<!tpu.dma_semaphore, #tpu.memory_space<semaphore_mem>>
      %dma_start3A_112 = arith.constant 0 : i32
      %dma_start3A_113 = tpu.memref_slice %arg23[%add3A_15, %dma_start3A_112] : memref<10240x128xbf16, #tpu.memory_space<vmem_shared>> -> memref<128x128xbf16, #tpu.memory_space<vmem_shared>>
      %dma_start3A_114 = arith.constant 0 : i32
      %dma_start3A_115 = tpu.memref_slice %arg23[%add3A_15, %dma_start3A_114] : memref<10240x128xbf16, #tpu.memory_space<vmem_shared>> -> memref<128x128xbf16, #tpu.memory_space<vmem_shared>>
      tpu.enqueue_dma source(%arg7 : memref<128x128xbf16, #tpu.memory_space<vmem>>) target(%dma_start3A_115 : memref<128x128xbf16, #tpu.memory_space<vmem_shared>>) target_semaphore(%run_scoped3A_111 : memref<!tpu.dma_semaphore, #tpu.memory_space<semaphore_mem>>)
      %dma_wait3A_116 = arith.constant 0 : i32
      %dma_wait3A_117 = tpu.memref_slice %arg23[%add3A_15, %dma_wait3A_116] : memref<10240x128xbf16, #tpu.memory_space<vmem_shared>> -> memref<128x128xbf16, #tpu.memory_space<vmem_shared>>
      %dma_wait3A_118 = arith.constant 0 : i32
      %dma_wait3A_119 = tpu.memref_slice %arg23[%add3A_15, %dma_wait3A_118] : memref<10240x128xbf16, #tpu.memory_space<vmem_shared>> -> memref<128x128xbf16, #tpu.memory_space<vmem_shared>>
      tpu.wait_dma2 semaphore(%run_scoped3A_111 : memref<!tpu.dma_semaphore, #tpu.memory_space<semaphore_mem>>) src(%arg7 : memref<128x128xbf16, #tpu.memory_space<vmem>>) dst(%dma_wait3A_119 : memref<128x128xbf16, #tpu.memory_space<vmem_shared>>)
      tpu.yield
    }) : () -> ()
    %mul3A_16 = arith.constant 640 : i32
    %mul3A_17 = arith.muli %arg1, %mul3A_16 : i32
    %add3A_18 = arith.constant 128 : i32
    %add3A_19 = arith.addi %mul3A_17, %add3A_18 : i32
    "tpu.region"() ({
      %run_scoped3A_111 = tpu.sem_alloc : memref<!tpu.dma_semaphore, #tpu.memory_space<semaphore_mem>>
      %dma_start3A_112 = arith.constant 0 : i32
      %dma_start3A_113 = tpu.memref_slice %arg23[%add3A_19, %dma_start3A_112] : memref<10240x128xbf16, #tpu.memory_space<vmem_shared>> -> memref<128x128xbf16, #tpu.memory_space<vmem_shared>>
      %dma_start3A_114 = arith.constant 0 : i32
      %dma_start3A_115 = tpu.memref_slice %arg23[%add3A_19, %dma_start3A_114] : memref<10240x128xbf16, #tpu.memory_space<vmem_shared>> -> memref<128x128xbf16, #tpu.memory_space<vmem_shared>>
      tpu.enqueue_dma source(%arg7 : memref<128x128xbf16, #tpu.memory_space<vmem>>) target(%dma_start3A_115 : memref<128x128xbf16, #tpu.memory_space<vmem_shared>>) target_semaphore(%run_scoped3A_111 : memref<!tpu.dma_semaphore, #tpu.memory_space<semaphore_mem>>)
      %dma_wait3A_116 = arith.constant 0 : i32
      %dma_wait3A_117 = tpu.memref_slice %arg23[%add3A_19, %dma_wait3A_116] : memref<10240x128xbf16, #tpu.memory_space<vmem_shared>> -> memref<128x128xbf16, #tpu.memory_space<vmem_shared>>
      %dma_wait3A_118 = arith.constant 0 : i32
      %dma_wait3A_119 = tpu.memref_slice %arg23[%add3A_19, %dma_wait3A_118] : memref<10240x128xbf16, #tpu.memory_space<vmem_shared>> -> memref<128x128xbf16, #tpu.memory_space<vmem_shared>>
      tpu.wait_dma2 semaphore(%run_scoped3A_111 : memref<!tpu.dma_semaphore, #tpu.memory_space<semaphore_mem>>) src(%arg7 : memref<128x128xbf16, #tpu.memory_space<vmem>>) dst(%dma_wait3A_119 : memref<128x128xbf16, #tpu.memory_space<vmem_shared>>)
      tpu.yield
    }) : () -> ()
    %mul3A_20 = arith.constant 640 : i32
    %mul3A_21 = arith.muli %arg1, %mul3A_20 : i32
    %add3A_22 = arith.constant 256 : i32
    %add3A_23 = arith.addi %mul3A_21, %add3A_22 : i32
    "tpu.region"() ({
      %run_scoped3A_111 = tpu.sem_alloc : memref<!tpu.dma_semaphore, #tpu.memory_space<semaphore_mem>>
      %dma_start3A_112 = arith.constant 0 : i32
      %dma_start3A_113 = tpu.memref_slice %arg23[%add3A_23, %dma_start3A_112] : memref<10240x128xbf16, #tpu.memory_space<vmem_shared>> -> memref<128x128xbf16, #tpu.memory_space<vmem_shared>>
      %dma_start3A_114 = arith.constant 0 : i32
      %dma_start3A_115 = tpu.memref_slice %arg23[%add3A_23, %dma_start3A_114] : memref<10240x128xbf16, #tpu.memory_space<vmem_shared>> -> memref<128x128xbf16, #tpu.memory_space<vmem_shared>>
      tpu.enqueue_dma source(%arg7 : memref<128x128xbf16, #tpu.memory_space<vmem>>) target(%dma_start3A_115 : memref<128x128xbf16, #tpu.memory_space<vmem_shared>>) target_semaphore(%run_scoped3A_111 : memref<!tpu.dma_semaphore, #tpu.memory_space<semaphore_mem>>)
      %dma_wait3A_116 = arith.constant 0 : i32
      %dma_wait3A_117 = tpu.memref_slice %arg23[%add3A_23, %dma_wait3A_116] : memref<10240x128xbf16, #tpu.memory_space<vmem_shared>> -> memref<128x128xbf16, #tpu.memory_space<vmem_shared>>
      %dma_wait3A_118 = arith.constant 0 : i32
      %dma_wait3A_119 = tpu.memref_slice %arg23[%add3A_23, %dma_wait3A_118] : memref<10240x128xbf16, #tpu.memory_space<vmem_shared>> -> memref<128x128xbf16, #tpu.memory_space<vmem_shared>>
      tpu.wait_dma2 semaphore(%run_scoped3A_111 : memref<!tpu.dma_semaphore, #tpu.memory_space<semaphore_mem>>) src(%arg7 : memref<128x128xbf16, #tpu.memory_space<vmem>>) dst(%dma_wait3A_119 : memref<128x128xbf16, #tpu.memory_space<vmem_shared>>)
      tpu.yield
    }) : () -> ()
    %mul3A_24 = arith.constant 640 : i32
    %mul3A_25 = arith.muli %arg1, %mul3A_24 : i32
    %add3A_26 = arith.constant 384 : i32
    %add3A_27 = arith.addi %mul3A_25, %add3A_26 : i32
    "tpu.region"() ({
      %run_scoped3A_111 = tpu.sem_alloc : memref<!tpu.dma_semaphore, #tpu.memory_space<semaphore_mem>>
      %dma_start3A_112 = arith.constant 0 : i32
      %dma_start3A_113 = tpu.memref_slice %arg23[%add3A_27, %dma_start3A_112] : memref<10240x128xbf16, #tpu.memory_space<vmem_shared>> -> memref<128x128xbf16, #tpu.memory_space<vmem_shared>>
      %dma_start3A_114 = arith.constant 0 : i32
      %dma_start3A_115 = tpu.memref_slice %arg23[%add3A_27, %dma_start3A_114] : memref<10240x128xbf16, #tpu.memory_space<vmem_shared>> -> memref<128x128xbf16, #tpu.memory_space<vmem_shared>>
      tpu.enqueue_dma source(%arg7 : memref<128x128xbf16, #tpu.memory_space<vmem>>) target(%dma_start3A_115 : memref<128x128xbf16, #tpu.memory_space<vmem_shared>>) target_semaphore(%run_scoped3A_111 : memref<!tpu.dma_semaphore, #tpu.memory_space<semaphore_mem>>)
      %dma_wait3A_116 = arith.constant 0 : i32
      %dma_wait3A_117 = tpu.memref_slice %arg23[%add3A_27, %dma_wait3A_116] : memref<10240x128xbf16, #tpu.memory_space<vmem_shared>> -> memref<128x128xbf16, #tpu.memory_space<vmem_shared>>
      %dma_wait3A_118 = arith.constant 0 : i32
      %dma_wait3A_119 = tpu.memref_slice %arg23[%add3A_27, %dma_wait3A_118] : memref<10240x128xbf16, #tpu.memory_space<vmem_shared>> -> memref<128x128xbf16, #tpu.memory_space<vmem_shared>>
      tpu.wait_dma2 semaphore(%run_scoped3A_111 : memref<!tpu.dma_semaphore, #tpu.memory_space<semaphore_mem>>) src(%arg7 : memref<128x128xbf16, #tpu.memory_space<vmem>>) dst(%dma_wait3A_119 : memref<128x128xbf16, #tpu.memory_space<vmem_shared>>)
      tpu.yield
    }) : () -> ()
    %mul3A_28 = arith.constant 640 : i32
    %mul3A_29 = arith.muli %arg1, %mul3A_28 : i32
    %add3A_30 = arith.constant 512 : i32
    %add3A_31 = arith.addi %mul3A_29, %add3A_30 : i32
    "tpu.region"() ({
      %run_scoped3A_111 = tpu.sem_alloc : memref<!tpu.dma_semaphore, #tpu.memory_space<semaphore_mem>>
      %dma_start3A_112 = arith.constant 0 : i32
      %dma_start3A_113 = tpu.memref_slice %arg23[%add3A_31, %dma_start3A_112] : memref<10240x128xbf16, #tpu.memory_space<vmem_shared>> -> memref<128x128xbf16, #tpu.memory_space<vmem_shared>>
      %dma_start3A_114 = arith.constant 0 : i32
      %dma_start3A_115 = tpu.memref_slice %arg23[%add3A_31, %dma_start3A_114] : memref<10240x128xbf16, #tpu.memory_space<vmem_shared>> -> memref<128x128xbf16, #tpu.memory_space<vmem_shared>>
      tpu.enqueue_dma source(%arg7 : memref<128x128xbf16, #tpu.memory_space<vmem>>) target(%dma_start3A_115 : memref<128x128xbf16, #tpu.memory_space<vmem_shared>>) target_semaphore(%run_scoped3A_111 : memref<!tpu.dma_semaphore, #tpu.memory_space<semaphore_mem>>)
      %dma_wait3A_116 = arith.constant 0 : i32
      %dma_wait3A_117 = tpu.memref_slice %arg23[%add3A_31, %dma_wait3A_116] : memref<10240x128xbf16, #tpu.memory_space<vmem_shared>> -> memref<128x128xbf16, #tpu.memory_space<vmem_shared>>
      %dma_wait3A_118 = arith.constant 0 : i32
      %dma_wait3A_119 = tpu.memref_slice %arg23[%add3A_31, %dma_wait3A_118] : memref<10240x128xbf16, #tpu.memory_space<vmem_shared>> -> memref<128x128xbf16, #tpu.memory_space<vmem_shared>>
      tpu.wait_dma2 semaphore(%run_scoped3A_111 : memref<!tpu.dma_semaphore, #tpu.memory_space<semaphore_mem>>) src(%arg7 : memref<128x128xbf16, #tpu.memory_space<vmem>>) dst(%dma_wait3A_119 : memref<128x128xbf16, #tpu.memory_space<vmem_shared>>)
      tpu.yield
    }) : () -> ()
    %barrier3A = arith.constant 0 : index
    tpu.barrier barrier_id(%barrier3A)
    %dma_start3A = arith.constant 0 : i32
    %dma_start3A_32 = arith.constant 0 : i32
    %dma_start3A_33 = tpu.memref_slice %arg5[%dma_start3A, %dma_start3A_32] : memref<80x128xi32, #tpu.memory_space<vmem>> -> memref<1x128xi32, #tpu.memory_space<vmem>>
    %dma_start3A_34 = tpu.memref_squeeze %dma_start3A_33 : memref<1x128xi32, #tpu.memory_space<vmem>> -> memref<128xi32, #tpu.memory_space<vmem>>
    %dma_start3A_35 = arith.constant 0 : i32
    %dma_start3A_36 = arith.constant 0 : i32
    %dma_start3A_37 = tpu.memref_slice %arg2[%dma_start3A_35, %dma_start3A_36] : memref<10000x128xbf16, #tpu.memory_space<hbm>> -> memref<10000x128xbf16, #tpu.memory_space<hbm>>
    tpu.enqueue_indirect_dma source(%dma_start3A_37 : memref<10000x128xbf16, #tpu.memory_space<hbm>>) target(%arg8 : memref<128x128xbf16, #tpu.memory_space<vmem>>) offsets(%dma_start3A_34 : memref<128xi32, #tpu.memory_space<vmem>>) semaphore(%arg13 : memref<!tpu.dma_semaphore, #tpu.memory_space<semaphore_mem>>)
    %dma_start3A_38 = arith.constant 1 : i32
    %dma_start3A_39 = arith.constant 0 : i32
    %dma_start3A_40 = tpu.memref_slice %arg5[%dma_start3A_38, %dma_start3A_39] : memref<80x128xi32, #tpu.memory_space<vmem>> -> memref<1x128xi32, #tpu.memory_space<vmem>>
    %dma_start3A_41 = tpu.memref_squeeze %dma_start3A_40 : memref<1x128xi32, #tpu.memory_space<vmem>> -> memref<128xi32, #tpu.memory_space<vmem>>
    %dma_start3A_42 = arith.constant 0 : i32
    %dma_start3A_43 = arith.constant 0 : i32
    %dma_start3A_44 = tpu.memref_slice %arg2[%dma_start3A_42, %dma_start3A_43] : memref<10000x128xbf16, #tpu.memory_space<hbm>> -> memref<10000x128xbf16, #tpu.memory_space<hbm>>
    tpu.enqueue_indirect_dma source(%dma_start3A_44 : memref<10000x128xbf16, #tpu.memory_space<hbm>>) target(%arg9 : memref<128x128xbf16, #tpu.memory_space<vmem>>) offsets(%dma_start3A_41 : memref<128xi32, #tpu.memory_space<vmem>>) semaphore(%arg14 : memref<!tpu.dma_semaphore, #tpu.memory_space<semaphore_mem>>)
    %dma_start3A_45 = arith.constant 2 : i32
    %dma_start3A_46 = arith.constant 0 : i32
    %dma_start3A_47 = tpu.memref_slice %arg5[%dma_start3A_45, %dma_start3A_46] : memref<80x128xi32, #tpu.memory_space<vmem>> -> memref<1x128xi32, #tpu.memory_space<vmem>>
    %dma_start3A_48 = tpu.memref_squeeze %dma_start3A_47 : memref<1x128xi32, #tpu.memory_space<vmem>> -> memref<128xi32, #tpu.memory_space<vmem>>
    %dma_start3A_49 = arith.constant 0 : i32
    %dma_start3A_50 = arith.constant 0 : i32
    %dma_start3A_51 = tpu.memref_slice %arg2[%dma_start3A_49, %dma_start3A_50] : memref<10000x128xbf16, #tpu.memory_space<hbm>> -> memref<10000x128xbf16, #tpu.memory_space<hbm>>
    tpu.enqueue_indirect_dma source(%dma_start3A_51 : memref<10000x128xbf16, #tpu.memory_space<hbm>>) target(%arg10 : memref<128x128xbf16, #tpu.memory_space<vmem>>) offsets(%dma_start3A_48 : memref<128xi32, #tpu.memory_space<vmem>>) semaphore(%arg15 : memref<!tpu.dma_semaphore, #tpu.memory_space<semaphore_mem>>)
    %dma_start3A_52 = arith.constant 3 : i32
    %dma_start3A_53 = arith.constant 0 : i32
    %dma_start3A_54 = tpu.memref_slice %arg5[%dma_start3A_52, %dma_start3A_53] : memref<80x128xi32, #tpu.memory_space<vmem>> -> memref<1x128xi32, #tpu.memory_space<vmem>>
    %dma_start3A_55 = tpu.memref_squeeze %dma_start3A_54 : memref<1x128xi32, #tpu.memory_space<vmem>> -> memref<128xi32, #tpu.memory_space<vmem>>
    %dma_start3A_56 = arith.constant 0 : i32
    %dma_start3A_57 = arith.constant 0 : i32
    %dma_start3A_58 = tpu.memref_slice %arg2[%dma_start3A_56, %dma_start3A_57] : memref<10000x128xbf16, #tpu.memory_space<hbm>> -> memref<10000x128xbf16, #tpu.memory_space<hbm>>
    tpu.enqueue_indirect_dma source(%dma_start3A_58 : memref<10000x128xbf16, #tpu.memory_space<hbm>>) target(%arg11 : memref<128x128xbf16, #tpu.memory_space<vmem>>) offsets(%dma_start3A_55 : memref<128xi32, #tpu.memory_space<vmem>>) semaphore(%arg16 : memref<!tpu.dma_semaphore, #tpu.memory_space<semaphore_mem>>)
    %dma_start3A_59 = arith.constant 4 : i32
    %dma_start3A_60 = arith.constant 0 : i32
    %dma_start3A_61 = tpu.memref_slice %arg5[%dma_start3A_59, %dma_start3A_60] : memref<80x128xi32, #tpu.memory_space<vmem>> -> memref<1x128xi32, #tpu.memory_space<vmem>>
    %dma_start3A_62 = tpu.memref_squeeze %dma_start3A_61 : memref<1x128xi32, #tpu.memory_space<vmem>> -> memref<128xi32, #tpu.memory_space<vmem>>
    %dma_start3A_63 = arith.constant 0 : i32
    %dma_start3A_64 = arith.constant 0 : i32
    %dma_start3A_65 = tpu.memref_slice %arg2[%dma_start3A_63, %dma_start3A_64] : memref<10000x128xbf16, #tpu.memory_space<hbm>> -> memref<10000x128xbf16, #tpu.memory_space<hbm>>
    tpu.enqueue_indirect_dma source(%dma_start3A_65 : memref<10000x128xbf16, #tpu.memory_space<hbm>>) target(%arg12 : memref<128x128xbf16, #tpu.memory_space<vmem>>) offsets(%dma_start3A_62 : memref<128xi32, #tpu.memory_space<vmem>>) semaphore(%arg17 : memref<!tpu.dma_semaphore, #tpu.memory_space<semaphore_mem>>)
    %scan3A_66 = arith.constant 0 : i32
    %scan3A_67 = arith.constant 0 : i32
    %scan3A_68 = arith.constant 16 : i32
    %scan3A_69 = arith.addi %scan3A_67, %scan3A_68 : i32
    %scan3A_70 = arith.constant 1 : i32
    scf.for %scan3A_111 = %scan3A_67 to %scan3A_69 step %scan3A_70  : i32 {
      %mul3A_112 = arith.constant 5 : i32
      %mul3A_113 = arith.muli %scan3A_111, %mul3A_112 : i32
      %add3A_114 = arith.constant 0 : i32
      %add3A_115 = arith.addi %mul3A_113, %add3A_114 : i32
      %dma_wait3A_116 = arith.constant 0 : i32
      %dma_wait3A_117 = tpu.memref_slice %arg5[%add3A_115, %dma_wait3A_116] : memref<80x128xi32, #tpu.memory_space<vmem>> -> memref<1x128xi32, #tpu.memory_space<vmem>>
      %dma_wait3A_118 = tpu.memref_squeeze %dma_wait3A_117 : memref<1x128xi32, #tpu.memory_space<vmem>> -> memref<128xi32, #tpu.memory_space<vmem>>
      %dma_wait3A_119 = arith.constant 0 : i32
      %dma_wait3A_120 = arith.constant 0 : i32
      %dma_wait3A_121 = tpu.memref_slice %arg2[%dma_wait3A_119, %dma_wait3A_120] : memref<10000x128xbf16, #tpu.memory_space<hbm>> -> memref<10000x128xbf16, #tpu.memory_space<hbm>>
      tpu.wait_indirect_dma semaphore(%arg13 : memref<!tpu.dma_semaphore, #tpu.memory_space<semaphore_mem>>) src(%dma_wait3A_121 : memref<10000x128xbf16, #tpu.memory_space<hbm>>) dst(%arg8 : memref<128x128xbf16, #tpu.memory_space<vmem>>)
      %dma_start3A_122 = arith.constant 0 : i32
      %dma_start3A_123 = tpu.memref_slice %arg6[%add3A_115, %dma_start3A_122] : memref<80x128xi32, #tpu.memory_space<vmem>> -> memref<1x128xi32, #tpu.memory_space<vmem>>
      %dma_start3A_124 = tpu.memref_squeeze %dma_start3A_123 : memref<1x128xi32, #tpu.memory_space<vmem>> -> memref<128xi32, #tpu.memory_space<vmem>>
      %dma_start3A_125 = arith.constant 0 : i32
      %dma_start3A_126 = arith.constant 0 : i32
      %dma_start3A_127 = tpu.memref_slice %arg23[%dma_start3A_125, %dma_start3A_126] : memref<10240x128xbf16, #tpu.memory_space<vmem_shared>> -> memref<10240x128xbf16, #tpu.memory_space<vmem_shared>>
      tpu.enqueue_indirect_dma source(%arg8 : memref<128x128xbf16, #tpu.memory_space<vmem>>) target(%dma_start3A_127 : memref<10240x128xbf16, #tpu.memory_space<vmem_shared>>) offsets(%dma_start3A_124 : memref<128xi32, #tpu.memory_space<vmem>>) semaphore(%arg18 : memref<!tpu.dma_semaphore, #tpu.memory_space<semaphore_mem>>) {add = true}
      %lt3A = arith.constant 15 : i32
      %lt3A_128 = arith.cmpi slt, %scan3A_111, %lt3A : i32
      %convert_element_type3A = arith.extui %lt3A_128 : i1 to i32
      %cond3A = arith.constant 0 : i32
      %cond3A_129 = arith.cmpi ne, %convert_element_type3A, %cond3A : i32
      scf.if %cond3A_129 {
        %dma_wait3A_214 = arith.constant 0 : i32
        %dma_wait3A_215 = tpu.memref_slice %arg6[%add3A_115, %dma_wait3A_214] : memref<80x128xi32, #tpu.memory_space<vmem>> -> memref<1x128xi32, #tpu.memory_space<vmem>>
        %dma_wait3A_216 = tpu.memref_squeeze %dma_wait3A_215 : memref<1x128xi32, #tpu.memory_space<vmem>> -> memref<128xi32, #tpu.memory_space<vmem>>
        %dma_wait3A_217 = arith.constant 0 : i32
        %dma_wait3A_218 = arith.constant 0 : i32
        %dma_wait3A_219 = tpu.memref_slice %arg23[%dma_wait3A_217, %dma_wait3A_218] : memref<10240x128xbf16, #tpu.memory_space<vmem_shared>> -> memref<10240x128xbf16, #tpu.memory_space<vmem_shared>>
        tpu.wait_indirect_dma semaphore(%arg18 : memref<!tpu.dma_semaphore, #tpu.memory_space<semaphore_mem>>) src(%arg8 : memref<128x128xbf16, #tpu.memory_space<vmem>>) dst(%dma_wait3A_219 : memref<10240x128xbf16, #tpu.memory_space<vmem_shared>>)
        %add3A_220 = arith.constant 5 : i32
        %add3A_221 = arith.addi %add3A_115, %add3A_220 : i32
        %dma_start3A_222 = arith.constant 0 : i32
        %dma_start3A_223 = tpu.memref_slice %arg5[%add3A_221, %dma_start3A_222] : memref<80x128xi32, #tpu.memory_space<vmem>> -> memref<1x128xi32, #tpu.memory_space<vmem>>
        %dma_start3A_224 = tpu.memref_squeeze %dma_start3A_223 : memref<1x128xi32, #tpu.memory_space<vmem>> -> memref<128xi32, #tpu.memory_space<vmem>>
        %dma_start3A_225 = arith.constant 0 : i32
        %dma_start3A_226 = arith.constant 0 : i32
        %dma_start3A_227 = tpu.memref_slice %arg2[%dma_start3A_225, %dma_start3A_226] : memref<10000x128xbf16, #tpu.memory_space<hbm>> -> memref<10000x128xbf16, #tpu.memory_space<hbm>>
        tpu.enqueue_indirect_dma source(%dma_start3A_227 : memref<10000x128xbf16, #tpu.memory_space<hbm>>) target(%arg8 : memref<128x128xbf16, #tpu.memory_space<vmem>>) offsets(%dma_start3A_224 : memref<128xi32, #tpu.memory_space<vmem>>) semaphore(%arg13 : memref<!tpu.dma_semaphore, #tpu.memory_space<semaphore_mem>>)
      } else {
      }
      %mul3A_130 = arith.constant 5 : i32
      %mul3A_131 = arith.muli %scan3A_111, %mul3A_130 : i32
      %add3A_132 = arith.constant 1 : i32
      %add3A_133 = arith.addi %mul3A_131, %add3A_132 : i32
      %dma_wait3A_134 = arith.constant 0 : i32
      %dma_wait3A_135 = tpu.memref_slice %arg5[%add3A_133, %dma_wait3A_134] : memref<80x128xi32, #tpu.memory_space<vmem>> -> memref<1x128xi32, #tpu.memory_space<vmem>>
      %dma_wait3A_136 = tpu.memref_squeeze %dma_wait3A_135 : memref<1x128xi32, #tpu.memory_space<vmem>> -> memref<128xi32, #tpu.memory_space<vmem>>
      %dma_wait3A_137 = arith.constant 0 : i32
      %dma_wait3A_138 = arith.constant 0 : i32
      %dma_wait3A_139 = tpu.memref_slice %arg2[%dma_wait3A_137, %dma_wait3A_138] : memref<10000x128xbf16, #tpu.memory_space<hbm>> -> memref<10000x128xbf16, #tpu.memory_space<hbm>>
      tpu.wait_indirect_dma semaphore(%arg14 : memref<!tpu.dma_semaphore, #tpu.memory_space<semaphore_mem>>) src(%dma_wait3A_139 : memref<10000x128xbf16, #tpu.memory_space<hbm>>) dst(%arg9 : memref<128x128xbf16, #tpu.memory_space<vmem>>)
      %dma_start3A_140 = arith.constant 0 : i32
      %dma_start3A_141 = tpu.memref_slice %arg6[%add3A_133, %dma_start3A_140] : memref<80x128xi32, #tpu.memory_space<vmem>> -> memref<1x128xi32, #tpu.memory_space<vmem>>
      %dma_start3A_142 = tpu.memref_squeeze %dma_start3A_141 : memref<1x128xi32, #tpu.memory_space<vmem>> -> memref<128xi32, #tpu.memory_space<vmem>>
      %dma_start3A_143 = arith.constant 0 : i32
      %dma_start3A_144 = arith.constant 0 : i32
      %dma_start3A_145 = tpu.memref_slice %arg23[%dma_start3A_143, %dma_start3A_144] : memref<10240x128xbf16, #tpu.memory_space<vmem_shared>> -> memref<10240x128xbf16, #tpu.memory_space<vmem_shared>>
      tpu.enqueue_indirect_dma source(%arg9 : memref<128x128xbf16, #tpu.memory_space<vmem>>) target(%dma_start3A_145 : memref<10240x128xbf16, #tpu.memory_space<vmem_shared>>) offsets(%dma_start3A_142 : memref<128xi32, #tpu.memory_space<vmem>>) semaphore(%arg19 : memref<!tpu.dma_semaphore, #tpu.memory_space<semaphore_mem>>) {add = true}
      %lt3A_146 = arith.constant 15 : i32
      %lt3A_147 = arith.cmpi slt, %scan3A_111, %lt3A_146 : i32
      %convert_element_type3A_148 = arith.extui %lt3A_147 : i1 to i32
      %cond3A_149 = arith.constant 0 : i32
      %cond3A_150 = arith.cmpi ne, %convert_element_type3A_148, %cond3A_149 : i32
      scf.if %cond3A_150 {
        %dma_wait3A_214 = arith.constant 0 : i32
        %dma_wait3A_215 = tpu.memref_slice %arg6[%add3A_133, %dma_wait3A_214] : memref<80x128xi32, #tpu.memory_space<vmem>> -> memref<1x128xi32, #tpu.memory_space<vmem>>
        %dma_wait3A_216 = tpu.memref_squeeze %dma_wait3A_215 : memref<1x128xi32, #tpu.memory_space<vmem>> -> memref<128xi32, #tpu.memory_space<vmem>>
        %dma_wait3A_217 = arith.constant 0 : i32
        %dma_wait3A_218 = arith.constant 0 : i32
        %dma_wait3A_219 = tpu.memref_slice %arg23[%dma_wait3A_217, %dma_wait3A_218] : memref<10240x128xbf16, #tpu.memory_space<vmem_shared>> -> memref<10240x128xbf16, #tpu.memory_space<vmem_shared>>
        tpu.wait_indirect_dma semaphore(%arg19 : memref<!tpu.dma_semaphore, #tpu.memory_space<semaphore_mem>>) src(%arg9 : memref<128x128xbf16, #tpu.memory_space<vmem>>) dst(%dma_wait3A_219 : memref<10240x128xbf16, #tpu.memory_space<vmem_shared>>)
        %add3A_220 = arith.constant 5 : i32
        %add3A_221 = arith.addi %add3A_133, %add3A_220 : i32
        %dma_start3A_222 = arith.constant 0 : i32
        %dma_start3A_223 = tpu.memref_slice %arg5[%add3A_221, %dma_start3A_222] : memref<80x128xi32, #tpu.memory_space<vmem>> -> memref<1x128xi32, #tpu.memory_space<vmem>>
        %dma_start3A_224 = tpu.memref_squeeze %dma_start3A_223 : memref<1x128xi32, #tpu.memory_space<vmem>> -> memref<128xi32, #tpu.memory_space<vmem>>
        %dma_start3A_225 = arith.constant 0 : i32
        %dma_start3A_226 = arith.constant 0 : i32
        %dma_start3A_227 = tpu.memref_slice %arg2[%dma_start3A_225, %dma_start3A_226] : memref<10000x128xbf16, #tpu.memory_space<hbm>> -> memref<10000x128xbf16, #tpu.memory_space<hbm>>
        tpu.enqueue_indirect_dma source(%dma_start3A_227 : memref<10000x128xbf16, #tpu.memory_space<hbm>>) target(%arg9 : memref<128x128xbf16, #tpu.memory_space<vmem>>) offsets(%dma_start3A_224 : memref<128xi32, #tpu.memory_space<vmem>>) semaphore(%arg14 : memref<!tpu.dma_semaphore, #tpu.memory_space<semaphore_mem>>)
      } else {
      }
      %mul3A_151 = arith.constant 5 : i32
      %mul3A_152 = arith.muli %scan3A_111, %mul3A_151 : i32
      %add3A_153 = arith.constant 2 : i32
      %add3A_154 = arith.addi %mul3A_152, %add3A_153 : i32
      %dma_wait3A_155 = arith.constant 0 : i32
      %dma_wait3A_156 = tpu.memref_slice %arg5[%add3A_154, %dma_wait3A_155] : memref<80x128xi32, #tpu.memory_space<vmem>> -> memref<1x128xi32, #tpu.memory_space<vmem>>
      %dma_wait3A_157 = tpu.memref_squeeze %dma_wait3A_156 : memref<1x128xi32, #tpu.memory_space<vmem>> -> memref<128xi32, #tpu.memory_space<vmem>>
      %dma_wait3A_158 = arith.constant 0 : i32
      %dma_wait3A_159 = arith.constant 0 : i32
      %dma_wait3A_160 = tpu.memref_slice %arg2[%dma_wait3A_158, %dma_wait3A_159] : memref<10000x128xbf16, #tpu.memory_space<hbm>> -> memref<10000x128xbf16, #tpu.memory_space<hbm>>
      tpu.wait_indirect_dma semaphore(%arg15 : memref<!tpu.dma_semaphore, #tpu.memory_space<semaphore_mem>>) src(%dma_wait3A_160 : memref<10000x128xbf16, #tpu.memory_space<hbm>>) dst(%arg10 : memref<128x128xbf16, #tpu.memory_space<vmem>>)
      %dma_start3A_161 = arith.constant 0 : i32
      %dma_start3A_162 = tpu.memref_slice %arg6[%add3A_154, %dma_start3A_161] : memref<80x128xi32, #tpu.memory_space<vmem>> -> memref<1x128xi32, #tpu.memory_space<vmem>>
      %dma_start3A_163 = tpu.memref_squeeze %dma_start3A_162 : memref<1x128xi32, #tpu.memory_space<vmem>> -> memref<128xi32, #tpu.memory_space<vmem>>
      %dma_start3A_164 = arith.constant 0 : i32
      %dma_start3A_165 = arith.constant 0 : i32
      %dma_start3A_166 = tpu.memref_slice %arg23[%dma_start3A_164, %dma_start3A_165] : memref<10240x128xbf16, #tpu.memory_space<vmem_shared>> -> memref<10240x128xbf16, #tpu.memory_space<vmem_shared>>
      tpu.enqueue_indirect_dma source(%arg10 : memref<128x128xbf16, #tpu.memory_space<vmem>>) target(%dma_start3A_166 : memref<10240x128xbf16, #tpu.memory_space<vmem_shared>>) offsets(%dma_start3A_163 : memref<128xi32, #tpu.memory_space<vmem>>) semaphore(%arg20 : memref<!tpu.dma_semaphore, #tpu.memory_space<semaphore_mem>>) {add = true}
      %lt3A_167 = arith.constant 15 : i32
      %lt3A_168 = arith.cmpi slt, %scan3A_111, %lt3A_167 : i32
      %convert_element_type3A_169 = arith.extui %lt3A_168 : i1 to i32
      %cond3A_170 = arith.constant 0 : i32
      %cond3A_171 = arith.cmpi ne, %convert_element_type3A_169, %cond3A_170 : i32
      scf.if %cond3A_171 {
        %dma_wait3A_214 = arith.constant 0 : i32
        %dma_wait3A_215 = tpu.memref_slice %arg6[%add3A_154, %dma_wait3A_214] : memref<80x128xi32, #tpu.memory_space<vmem>> -> memref<1x128xi32, #tpu.memory_space<vmem>>
        %dma_wait3A_216 = tpu.memref_squeeze %dma_wait3A_215 : memref<1x128xi32, #tpu.memory_space<vmem>> -> memref<128xi32, #tpu.memory_space<vmem>>
        %dma_wait3A_217 = arith.constant 0 : i32
        %dma_wait3A_218 = arith.constant 0 : i32
        %dma_wait3A_219 = tpu.memref_slice %arg23[%dma_wait3A_217, %dma_wait3A_218] : memref<10240x128xbf16, #tpu.memory_space<vmem_shared>> -> memref<10240x128xbf16, #tpu.memory_space<vmem_shared>>
        tpu.wait_indirect_dma semaphore(%arg20 : memref<!tpu.dma_semaphore, #tpu.memory_space<semaphore_mem>>) src(%arg10 : memref<128x128xbf16, #tpu.memory_space<vmem>>) dst(%dma_wait3A_219 : memref<10240x128xbf16, #tpu.memory_space<vmem_shared>>)
        %add3A_220 = arith.constant 5 : i32
        %add3A_221 = arith.addi %add3A_154, %add3A_220 : i32
        %dma_start3A_222 = arith.constant 0 : i32
        %dma_start3A_223 = tpu.memref_slice %arg5[%add3A_221, %dma_start3A_222] : memref<80x128xi32, #tpu.memory_space<vmem>> -> memref<1x128xi32, #tpu.memory_space<vmem>>
        %dma_start3A_224 = tpu.memref_squeeze %dma_start3A_223 : memref<1x128xi32, #tpu.memory_space<vmem>> -> memref<128xi32, #tpu.memory_space<vmem>>
        %dma_start3A_225 = arith.constant 0 : i32
        %dma_start3A_226 = arith.constant 0 : i32
        %dma_start3A_227 = tpu.memref_slice %arg2[%dma_start3A_225, %dma_start3A_226] : memref<10000x128xbf16, #tpu.memory_space<hbm>> -> memref<10000x128xbf16, #tpu.memory_space<hbm>>
        tpu.enqueue_indirect_dma source(%dma_start3A_227 : memref<10000x128xbf16, #tpu.memory_space<hbm>>) target(%arg10 : memref<128x128xbf16, #tpu.memory_space<vmem>>) offsets(%dma_start3A_224 : memref<128xi32, #tpu.memory_space<vmem>>) semaphore(%arg15 : memref<!tpu.dma_semaphore, #tpu.memory_space<semaphore_mem>>)
      } else {
      }
      %mul3A_172 = arith.constant 5 : i32
      %mul3A_173 = arith.muli %scan3A_111, %mul3A_172 : i32
      %add3A_174 = arith.constant 3 : i32
      %add3A_175 = arith.addi %mul3A_173, %add3A_174 : i32
      %dma_wait3A_176 = arith.constant 0 : i32
      %dma_wait3A_177 = tpu.memref_slice %arg5[%add3A_175, %dma_wait3A_176] : memref<80x128xi32, #tpu.memory_space<vmem>> -> memref<1x128xi32, #tpu.memory_space<vmem>>
      %dma_wait3A_178 = tpu.memref_squeeze %dma_wait3A_177 : memref<1x128xi32, #tpu.memory_space<vmem>> -> memref<128xi32, #tpu.memory_space<vmem>>
      %dma_wait3A_179 = arith.constant 0 : i32
      %dma_wait3A_180 = arith.constant 0 : i32
      %dma_wait3A_181 = tpu.memref_slice %arg2[%dma_wait3A_179, %dma_wait3A_180] : memref<10000x128xbf16, #tpu.memory_space<hbm>> -> memref<10000x128xbf16, #tpu.memory_space<hbm>>
      tpu.wait_indirect_dma semaphore(%arg16 : memref<!tpu.dma_semaphore, #tpu.memory_space<semaphore_mem>>) src(%dma_wait3A_181 : memref<10000x128xbf16, #tpu.memory_space<hbm>>) dst(%arg11 : memref<128x128xbf16, #tpu.memory_space<vmem>>)
      %dma_start3A_182 = arith.constant 0 : i32
      %dma_start3A_183 = tpu.memref_slice %arg6[%add3A_175, %dma_start3A_182] : memref<80x128xi32, #tpu.memory_space<vmem>> -> memref<1x128xi32, #tpu.memory_space<vmem>>
      %dma_start3A_184 = tpu.memref_squeeze %dma_start3A_183 : memref<1x128xi32, #tpu.memory_space<vmem>> -> memref<128xi32, #tpu.memory_space<vmem>>
      %dma_start3A_185 = arith.constant 0 : i32
      %dma_start3A_186 = arith.constant 0 : i32
      %dma_start3A_187 = tpu.memref_slice %arg23[%dma_start3A_185, %dma_start3A_186] : memref<10240x128xbf16, #tpu.memory_space<vmem_shared>> -> memref<10240x128xbf16, #tpu.memory_space<vmem_shared>>
      tpu.enqueue_indirect_dma source(%arg11 : memref<128x128xbf16, #tpu.memory_space<vmem>>) target(%dma_start3A_187 : memref<10240x128xbf16, #tpu.memory_space<vmem_shared>>) offsets(%dma_start3A_184 : memref<128xi32, #tpu.memory_space<vmem>>) semaphore(%arg21 : memref<!tpu.dma_semaphore, #tpu.memory_space<semaphore_mem>>) {add = true}
      %lt3A_188 = arith.constant 15 : i32
      %lt3A_189 = arith.cmpi slt, %scan3A_111, %lt3A_188 : i32
      %convert_element_type3A_190 = arith.extui %lt3A_189 : i1 to i32
      %cond3A_191 = arith.constant 0 : i32
      %cond3A_192 = arith.cmpi ne, %convert_element_type3A_190, %cond3A_191 : i32
      scf.if %cond3A_192 {
        %dma_wait3A_214 = arith.constant 0 : i32
        %dma_wait3A_215 = tpu.memref_slice %arg6[%add3A_175, %dma_wait3A_214] : memref<80x128xi32, #tpu.memory_space<vmem>> -> memref<1x128xi32, #tpu.memory_space<vmem>>
        %dma_wait3A_216 = tpu.memref_squeeze %dma_wait3A_215 : memref<1x128xi32, #tpu.memory_space<vmem>> -> memref<128xi32, #tpu.memory_space<vmem>>
        %dma_wait3A_217 = arith.constant 0 : i32
        %dma_wait3A_218 = arith.constant 0 : i32
        %dma_wait3A_219 = tpu.memref_slice %arg23[%dma_wait3A_217, %dma_wait3A_218] : memref<10240x128xbf16, #tpu.memory_space<vmem_shared>> -> memref<10240x128xbf16, #tpu.memory_space<vmem_shared>>
        tpu.wait_indirect_dma semaphore(%arg21 : memref<!tpu.dma_semaphore, #tpu.memory_space<semaphore_mem>>) src(%arg11 : memref<128x128xbf16, #tpu.memory_space<vmem>>) dst(%dma_wait3A_219 : memref<10240x128xbf16, #tpu.memory_space<vmem_shared>>)
        %add3A_220 = arith.constant 5 : i32
        %add3A_221 = arith.addi %add3A_175, %add3A_220 : i32
        %dma_start3A_222 = arith.constant 0 : i32
        %dma_start3A_223 = tpu.memref_slice %arg5[%add3A_221, %dma_start3A_222] : memref<80x128xi32, #tpu.memory_space<vmem>> -> memref<1x128xi32, #tpu.memory_space<vmem>>
        %dma_start3A_224 = tpu.memref_squeeze %dma_start3A_223 : memref<1x128xi32, #tpu.memory_space<vmem>> -> memref<128xi32, #tpu.memory_space<vmem>>
        %dma_start3A_225 = arith.constant 0 : i32
        %dma_start3A_226 = arith.constant 0 : i32
        %dma_start3A_227 = tpu.memref_slice %arg2[%dma_start3A_225, %dma_start3A_226] : memref<10000x128xbf16, #tpu.memory_space<hbm>> -> memref<10000x128xbf16, #tpu.memory_space<hbm>>
        tpu.enqueue_indirect_dma source(%dma_start3A_227 : memref<10000x128xbf16, #tpu.memory_space<hbm>>) target(%arg11 : memref<128x128xbf16, #tpu.memory_space<vmem>>) offsets(%dma_start3A_224 : memref<128xi32, #tpu.memory_space<vmem>>) semaphore(%arg16 : memref<!tpu.dma_semaphore, #tpu.memory_space<semaphore_mem>>)
      } else {
      }
      %mul3A_193 = arith.constant 5 : i32
      %mul3A_194 = arith.muli %scan3A_111, %mul3A_193 : i32
      %add3A_195 = arith.constant 4 : i32
      %add3A_196 = arith.addi %mul3A_194, %add3A_195 : i32
      %dma_wait3A_197 = arith.constant 0 : i32
      %dma_wait3A_198 = tpu.memref_slice %arg5[%add3A_196, %dma_wait3A_197] : memref<80x128xi32, #tpu.memory_space<vmem>> -> memref<1x128xi32, #tpu.memory_space<vmem>>
      %dma_wait3A_199 = tpu.memref_squeeze %dma_wait3A_198 : memref<1x128xi32, #tpu.memory_space<vmem>> -> memref<128xi32, #tpu.memory_space<vmem>>
      %dma_wait3A_200 = arith.constant 0 : i32
      %dma_wait3A_201 = arith.constant 0 : i32
      %dma_wait3A_202 = tpu.memref_slice %arg2[%dma_wait3A_200, %dma_wait3A_201] : memref<10000x128xbf16, #tpu.memory_space<hbm>> -> memref<10000x128xbf16, #tpu.memory_space<hbm>>
      tpu.wait_indirect_dma semaphore(%arg17 : memref<!tpu.dma_semaphore, #tpu.memory_space<semaphore_mem>>) src(%dma_wait3A_202 : memref<10000x128xbf16, #tpu.memory_space<hbm>>) dst(%arg12 : memref<128x128xbf16, #tpu.memory_space<vmem>>)
      %dma_start3A_203 = arith.constant 0 : i32
      %dma_start3A_204 = tpu.memref_slice %arg6[%add3A_196, %dma_start3A_203] : memref<80x128xi32, #tpu.memory_space<vmem>> -> memref<1x128xi32, #tpu.memory_space<vmem>>
      %dma_start3A_205 = tpu.memref_squeeze %dma_start3A_204 : memref<1x128xi32, #tpu.memory_space<vmem>> -> memref<128xi32, #tpu.memory_space<vmem>>
      %dma_start3A_206 = arith.constant 0 : i32
      %dma_start3A_207 = arith.constant 0 : i32
      %dma_start3A_208 = tpu.memref_slice %arg23[%dma_start3A_206, %dma_start3A_207] : memref<10240x128xbf16, #tpu.memory_space<vmem_shared>> -> memref<10240x128xbf16, #tpu.memory_space<vmem_shared>>
      tpu.enqueue_indirect_dma source(%arg12 : memref<128x128xbf16, #tpu.memory_space<vmem>>) target(%dma_start3A_208 : memref<10240x128xbf16, #tpu.memory_space<vmem_shared>>) offsets(%dma_start3A_205 : memref<128xi32, #tpu.memory_space<vmem>>) semaphore(%arg22 : memref<!tpu.dma_semaphore, #tpu.memory_space<semaphore_mem>>) {add = true}
      %lt3A_209 = arith.constant 15 : i32
      %lt3A_210 = arith.cmpi slt, %scan3A_111, %lt3A_209 : i32
      %convert_element_type3A_211 = arith.extui %lt3A_210 : i1 to i32
      %cond3A_212 = arith.constant 0 : i32
      %cond3A_213 = arith.cmpi ne, %convert_element_type3A_211, %cond3A_212 : i32
      scf.if %cond3A_213 {
        %dma_wait3A_214 = arith.constant 0 : i32
        %dma_wait3A_215 = tpu.memref_slice %arg6[%add3A_196, %dma_wait3A_214] : memref<80x128xi32, #tpu.memory_space<vmem>> -> memref<1x128xi32, #tpu.memory_space<vmem>>
        %dma_wait3A_216 = tpu.memref_squeeze %dma_wait3A_215 : memref<1x128xi32, #tpu.memory_space<vmem>> -> memref<128xi32, #tpu.memory_space<vmem>>
        %dma_wait3A_217 = arith.constant 0 : i32
        %dma_wait3A_218 = arith.constant 0 : i32
        %dma_wait3A_219 = tpu.memref_slice %arg23[%dma_wait3A_217, %dma_wait3A_218] : memref<10240x128xbf16, #tpu.memory_space<vmem_shared>> -> memref<10240x128xbf16, #tpu.memory_space<vmem_shared>>
        tpu.wait_indirect_dma semaphore(%arg22 : memref<!tpu.dma_semaphore, #tpu.memory_space<semaphore_mem>>) src(%arg12 : memref<128x128xbf16, #tpu.memory_space<vmem>>) dst(%dma_wait3A_219 : memref<10240x128xbf16, #tpu.memory_space<vmem_shared>>)
        %add3A_220 = arith.constant 5 : i32
        %add3A_221 = arith.addi %add3A_196, %add3A_220 : i32
        %dma_start3A_222 = arith.constant 0 : i32
        %dma_start3A_223 = tpu.memref_slice %arg5[%add3A_221, %dma_start3A_222] : memref<80x128xi32, #tpu.memory_space<vmem>> -> memref<1x128xi32, #tpu.memory_space<vmem>>
        %dma_start3A_224 = tpu.memref_squeeze %dma_start3A_223 : memref<1x128xi32, #tpu.memory_space<vmem>> -> memref<128xi32, #tpu.memory_space<vmem>>
        %dma_start3A_225 = arith.constant 0 : i32
        %dma_start3A_226 = arith.constant 0 : i32
        %dma_start3A_227 = tpu.memref_slice %arg2[%dma_start3A_225, %dma_start3A_226] : memref<10000x128xbf16, #tpu.memory_space<hbm>> -> memref<10000x128xbf16, #tpu.memory_space<hbm>>
        tpu.enqueue_indirect_dma source(%dma_start3A_227 : memref<10000x128xbf16, #tpu.memory_space<hbm>>) target(%arg12 : memref<128x128xbf16, #tpu.memory_space<vmem>>) offsets(%dma_start3A_224 : memref<128xi32, #tpu.memory_space<vmem>>) semaphore(%arg17 : memref<!tpu.dma_semaphore, #tpu.memory_space<semaphore_mem>>)
      } else {
      }
    }
    %scan3A_71 = arith.constant 16 : i32
    %dma_wait3A = arith.constant 0 : i32
    %dma_wait3A_72 = arith.constant 0 : i32
    %dma_wait3A_73 = tpu.memref_slice %arg6[%dma_wait3A, %dma_wait3A_72] : memref<80x128xi32, #tpu.memory_space<vmem>> -> memref<1x128xi32, #tpu.memory_space<vmem>>
    %dma_wait3A_74 = tpu.memref_squeeze %dma_wait3A_73 : memref<1x128xi32, #tpu.memory_space<vmem>> -> memref<128xi32, #tpu.memory_space<vmem>>
    %dma_wait3A_75 = arith.constant 0 : i32
    %dma_wait3A_76 = arith.constant 0 : i32
    %dma_wait3A_77 = tpu.memref_slice %arg23[%dma_wait3A_75, %dma_wait3A_76] : memref<10240x128xbf16, #tpu.memory_space<vmem_shared>> -> memref<10240x128xbf16, #tpu.memory_space<vmem_shared>>
    tpu.wait_indirect_dma semaphore(%arg18 : memref<!tpu.dma_semaphore, #tpu.memory_space<semaphore_mem>>) src(%arg8 : memref<128x128xbf16, #tpu.memory_space<vmem>>) dst(%dma_wait3A_77 : memref<10240x128xbf16, #tpu.memory_space<vmem_shared>>)
    %dma_wait3A_78 = arith.constant 0 : i32
    %dma_wait3A_79 = arith.constant 0 : i32
    %dma_wait3A_80 = tpu.memref_slice %arg6[%dma_wait3A_78, %dma_wait3A_79] : memref<80x128xi32, #tpu.memory_space<vmem>> -> memref<1x128xi32, #tpu.memory_space<vmem>>
    %dma_wait3A_81 = tpu.memref_squeeze %dma_wait3A_80 : memref<1x128xi32, #tpu.memory_space<vmem>> -> memref<128xi32, #tpu.memory_space<vmem>>
    %dma_wait3A_82 = arith.constant 0 : i32
    %dma_wait3A_83 = arith.constant 0 : i32
    %dma_wait3A_84 = tpu.memref_slice %arg23[%dma_wait3A_82, %dma_wait3A_83] : memref<10240x128xbf16, #tpu.memory_space<vmem_shared>> -> memref<10240x128xbf16, #tpu.memory_space<vmem_shared>>
    tpu.wait_indirect_dma semaphore(%arg19 : memref<!tpu.dma_semaphore, #tpu.memory_space<semaphore_mem>>) src(%arg9 : memref<128x128xbf16, #tpu.memory_space<vmem>>) dst(%dma_wait3A_84 : memref<10240x128xbf16, #tpu.memory_space<vmem_shared>>)
    %dma_wait3A_85 = arith.constant 0 : i32
    %dma_wait3A_86 = arith.constant 0 : i32
    %dma_wait3A_87 = tpu.memref_slice %arg6[%dma_wait3A_85, %dma_wait3A_86] : memref<80x128xi32, #tpu.memory_space<vmem>> -> memref<1x128xi32, #tpu.memory_space<vmem>>
    %dma_wait3A_88 = tpu.memref_squeeze %dma_wait3A_87 : memref<1x128xi32, #tpu.memory_space<vmem>> -> memref<128xi32, #tpu.memory_space<vmem>>
    %dma_wait3A_89 = arith.constant 0 : i32
    %dma_wait3A_90 = arith.constant 0 : i32
    %dma_wait3A_91 = tpu.memref_slice %arg23[%dma_wait3A_89, %dma_wait3A_90] : memref<10240x128xbf16, #tpu.memory_space<vmem_shared>> -> memref<10240x128xbf16, #tpu.memory_space<vmem_shared>>
    tpu.wait_indirect_dma semaphore(%arg20 : memref<!tpu.dma_semaphore, #tpu.memory_space<semaphore_mem>>) src(%arg10 : memref<128x128xbf16, #tpu.memory_space<vmem>>) dst(%dma_wait3A_91 : memref<10240x128xbf16, #tpu.memory_space<vmem_shared>>)
    %dma_wait3A_92 = arith.constant 0 : i32
    %dma_wait3A_93 = arith.constant 0 : i32
    %dma_wait3A_94 = tpu.memref_slice %arg6[%dma_wait3A_92, %dma_wait3A_93] : memref<80x128xi32, #tpu.memory_space<vmem>> -> memref<1x128xi32, #tpu.memory_space<vmem>>
    %dma_wait3A_95 = tpu.memref_squeeze %dma_wait3A_94 : memref<1x128xi32, #tpu.memory_space<vmem>> -> memref<128xi32, #tpu.memory_space<vmem>>
    %dma_wait3A_96 = arith.constant 0 : i32
    %dma_wait3A_97 = arith.constant 0 : i32
    %dma_wait3A_98 = tpu.memref_slice %arg23[%dma_wait3A_96, %dma_wait3A_97] : memref<10240x128xbf16, #tpu.memory_space<vmem_shared>> -> memref<10240x128xbf16, #tpu.memory_space<vmem_shared>>
    tpu.wait_indirect_dma semaphore(%arg21 : memref<!tpu.dma_semaphore, #tpu.memory_space<semaphore_mem>>) src(%arg11 : memref<128x128xbf16, #tpu.memory_space<vmem>>) dst(%dma_wait3A_98 : memref<10240x128xbf16, #tpu.memory_space<vmem_shared>>)
    %dma_wait3A_99 = arith.constant 0 : i32
    %dma_wait3A_100 = arith.constant 0 : i32
    %dma_wait3A_101 = tpu.memref_slice %arg6[%dma_wait3A_99, %dma_wait3A_100] : memref<80x128xi32, #tpu.memory_space<vmem>> -> memref<1x128xi32, #tpu.memory_space<vmem>>
    %dma_wait3A_102 = tpu.memref_squeeze %dma_wait3A_101 : memref<1x128xi32, #tpu.memory_space<vmem>> -> memref<128xi32, #tpu.memory_space<vmem>>
    %dma_wait3A_103 = arith.constant 0 : i32
    %dma_wait3A_104 = arith.constant 0 : i32
    %dma_wait3A_105 = tpu.memref_slice %arg23[%dma_wait3A_103, %dma_wait3A_104] : memref<10240x128xbf16, #tpu.memory_space<vmem_shared>> -> memref<10240x128xbf16, #tpu.memory_space<vmem_shared>>
    tpu.wait_indirect_dma semaphore(%arg22 : memref<!tpu.dma_semaphore, #tpu.memory_space<semaphore_mem>>) src(%arg12 : memref<128x128xbf16, #tpu.memory_space<vmem>>) dst(%dma_wait3A_105 : memref<10240x128xbf16, #tpu.memory_space<vmem_shared>>)
    %barrier3A_106 = arith.constant 0 : index
    tpu.barrier barrier_id(%barrier3A_106)
    %mul3A_107 = arith.constant 640 : i32
    %mul3A_108 = arith.muli %arg1, %mul3A_107 : i32
    %mul3A_109 = arith.constant 640 : i32
    %mul3A_110 = arith.muli %arg1, %mul3A_109 : i32
    "tpu.region"() ({
      %run_scoped3A_111 = tpu.sem_alloc : memref<!tpu.dma_semaphore, #tpu.memory_space<semaphore_mem>>
      %dma_start3A_112 = arith.constant 0 : i32
      %dma_start3A_113 = tpu.memref_slice %arg4[%arg0, %mul3A_110, %dma_start3A_112] : memref<2x10240x128xbf16, #tpu.memory_space<hbm>> -> memref<1x640x128xbf16, #tpu.memory_space<hbm>>
      %dma_start3A_114 = tpu.memref_squeeze %dma_start3A_113 : memref<1x640x128xbf16, #tpu.memory_space<hbm>> -> memref<640x128xbf16, #tpu.memory_space<hbm>>
      %dma_start3A_115 = arith.constant 0 : i32
      %dma_start3A_116 = tpu.memref_slice %arg23[%mul3A_108, %dma_start3A_115] : memref<10240x128xbf16, #tpu.memory_space<vmem_shared>> -> memref<640x128xbf16, #tpu.memory_space<vmem_shared>>
      tpu.enqueue_dma source(%dma_start3A_116 : memref<640x128xbf16, #tpu.memory_space<vmem_shared>>) target(%dma_start3A_114 : memref<640x128xbf16, #tpu.memory_space<hbm>>) target_semaphore(%run_scoped3A_111 : memref<!tpu.dma_semaphore, #tpu.memory_space<semaphore_mem>>)
      %dma_wait3A_117 = arith.constant 0 : i32
      %dma_wait3A_118 = tpu.memref_slice %arg4[%arg0, %mul3A_110, %dma_wait3A_117] : memref<2x10240x128xbf16, #tpu.memory_space<hbm>> -> memref<1x640x128xbf16, #tpu.memory_space<hbm>>
      %dma_wait3A_119 = tpu.memref_squeeze %dma_wait3A_118 : memref<1x640x128xbf16, #tpu.memory_space<hbm>> -> memref<640x128xbf16, #tpu.memory_space<hbm>>
      %dma_wait3A_120 = arith.constant 0 : i32
      %dma_wait3A_121 = tpu.memref_slice %arg23[%mul3A_108, %dma_wait3A_120] : memref<10240x128xbf16, #tpu.memory_space<vmem_shared>> -> memref<640x128xbf16, #tpu.memory_space<vmem_shared>>
      tpu.wait_dma2 semaphore(%run_scoped3A_111 : memref<!tpu.dma_semaphore, #tpu.memory_space<semaphore_mem>>) src(%dma_wait3A_121 : memref<640x128xbf16, #tpu.memory_space<vmem_shared>>) dst(%dma_wait3A_119 : memref<640x128xbf16, #tpu.memory_space<hbm>>)
      tpu.yield
    }) : () -> ()
    return
  }
}

#map = affine_map<(d0, d1) -> (0, 0)>
#map1 = affine_map<(d0, d1) -> (0, 0, 0)>
module attributes {stable_mosaic.version = 14 : i64} {
  func.func @_scatter_body(%arg0: i32, %arg1: i32, %arg2: memref<10000x128xbf16, #tpu.memory_space<hbm>>, %arg3: memref<2x2560x128xi32, #tpu.memory_space<hbm>>, %arg4: memref<2x10240x128xbf16, #tpu.memory_space<hbm>>, %arg5: memref<80x128xi32, #tpu.memory_space<vmem>>, %arg6: memref<80x128xi32, #tpu.memory_space<vmem>>, %arg7: memref<128x128xbf16, #tpu.memory_space<vmem>>, %arg8: memref<128x128xbf16, #tpu.memory_space<vmem>>, %arg9: memref<128x128xbf16, #tpu.memory_space<vmem>>, %arg10: memref<128x128xbf16, #tpu.memory_space<vmem>>, %arg11: memref<128x128xbf16, #tpu.memory_space<vmem>>, %arg12: memref<128x128xbf16, #tpu.memory_space<vmem>>, %arg13: memref<!tpu.dma_semaphore, #tpu.memory_space<semaphore_mem>>, %arg14: memref<!tpu.dma_semaphore, #tpu.memory_space<semaphore_mem>>, %arg15: memref<!tpu.dma_semaphore, #tpu.memory_space<semaphore_mem>>, %arg16: memref<!tpu.dma_semaphore, #tpu.memory_space<semaphore_mem>>, %arg17: memref<!tpu.dma_semaphore, #tpu.memory_space<semaphore_mem>>, %arg18: memref<!tpu.dma_semaphore, #tpu.memory_space<semaphore_mem>>, %arg19: memref<!tpu.dma_semaphore, #tpu.memory_space<semaphore_mem>>, %arg20: memref<!tpu.dma_semaphore, #tpu.memory_space<semaphore_mem>>, %arg21: memref<!tpu.dma_semaphore, #tpu.memory_space<semaphore_mem>>, %arg22: memref<!tpu.dma_semaphore, #tpu.memory_space<semaphore_mem>>, %arg23: memref<10240x128xbf16, #tpu.memory_space<vmem_shared>>) attributes {dimension_semantics = [#tpu.dimension_semantics<core_parallel>, #tpu.dimension_semantics<subcore_parallel>], iteration_bounds = array<i64: 2, 16>, scalar_prefetch = 0 : i64, scratch_operands = 19 : i64, tpu.core_type = #tpu.core_type<sc_vector_subcore>, window_params = [{transform_indices = #map}, {transform_indices = #map1}, {transform_indices = #map1}]} {
    %mul3A = arith.constant 16 : i32
    %mul3A_0 = arith.muli %arg0, %mul3A : i32
    %add3A = arith.addi %mul3A_0, %arg1 : i32
    %mul3A_1 = arith.constant 80 : i32
    %mul3A_2 = arith.muli %add3A, %mul3A_1 : i32
    %run_scoped3A = arith.constant 0 : i32
    "tpu.region"() ({
      %run_scoped3A_111 = tpu.sem_alloc : memref<!tpu.dma_semaphore, #tpu.memory_space<semaphore_mem>>
      %dma_start3A_112 = arith.constant 0 : i32
      %dma_start3A_113 = tpu.memref_slice %arg3[%run_scoped3A, %mul3A_2, %dma_start3A_112] : memref<2x2560x128xi32, #tpu.memory_space<hbm>> -> memref<1x80x128xi32, #tpu.memory_space<hbm>>
      %dma_start3A_114 = tpu.memref_squeeze %dma_start3A_113 : memref<1x80x128xi32, #tpu.memory_space<hbm>> -> memref<80x128xi32, #tpu.memory_space<hbm>>
      %dma_start3A_115 = arith.constant 0 : i32
      %dma_start3A_116 = tpu.memref_slice %arg3[%run_scoped3A, %mul3A_2, %dma_start3A_115] : memref<2x2560x128xi32, #tpu.memory_space<hbm>> -> memref<1x80x128xi32, #tpu.memory_space<hbm>>
      %dma_start3A_117 = tpu.memref_squeeze %dma_start3A_116 : memref<1x80x128xi32, #tpu.memory_space<hbm>> -> memref<80x128xi32, #tpu.memory_space<hbm>>
      tpu.enqueue_dma source(%dma_start3A_117 : memref<80x128xi32, #tpu.memory_space<hbm>>) target(%arg5 : memref<80x128xi32, #tpu.memory_space<vmem>>) target_semaphore(%run_scoped3A_111 : memref<!tpu.dma_semaphore, #tpu.memory_space<semaphore_mem>>)
      %dma_wait3A_118 = arith.constant 0 : i32
      %dma_wait3A_119 = tpu.memref_slice %arg3[%run_scoped3A, %mul3A_2, %dma_wait3A_118] : memref<2x2560x128xi32, #tpu.memory_space<hbm>> -> memref<1x80x128xi32, #tpu.memory_space<hbm>>
      %dma_wait3A_120 = tpu.memref_squeeze %dma_wait3A_119 : memref<1x80x128xi32, #tpu.memory_space<hbm>> -> memref<80x128xi32, #tpu.memory_space<hbm>>
      %dma_wait3A_121 = arith.constant 0 : i32
      %dma_wait3A_122 = tpu.memref_slice %arg3[%run_scoped3A, %mul3A_2, %dma_wait3A_121] : memref<2x2560x128xi32, #tpu.memory_space<hbm>> -> memref<1x80x128xi32, #tpu.memory_space<hbm>>
      %dma_wait3A_123 = tpu.memref_squeeze %dma_wait3A_122 : memref<1x80x128xi32, #tpu.memory_space<hbm>> -> memref<80x128xi32, #tpu.memory_space<hbm>>
      tpu.wait_dma2 semaphore(%run_scoped3A_111 : memref<!tpu.dma_semaphore, #tpu.memory_space<semaphore_mem>>) src(%dma_wait3A_123 : memref<80x128xi32, #tpu.memory_space<hbm>>) dst(%arg5 : memref<80x128xi32, #tpu.memory_space<vmem>>)
      tpu.yield
    }) : () -> ()
    %mul3A_3 = arith.constant 80 : i32
    %mul3A_4 = arith.muli %add3A, %mul3A_3 : i32
    %run_scoped3A_5 = arith.constant 1 : i32
    "tpu.region"() ({
      %run_scoped3A_111 = tpu.sem_alloc : memref<!tpu.dma_semaphore, #tpu.memory_space<semaphore_mem>>
      %dma_start3A_112 = arith.constant 0 : i32
      %dma_start3A_113 = tpu.memref_slice %arg3[%run_scoped3A_5, %mul3A_4, %dma_start3A_112] : memref<2x2560x128xi32, #tpu.memory_space<hbm>> -> memref<1x80x128xi32, #tpu.memory_space<hbm>>
      %dma_start3A_114 = tpu.memref_squeeze %dma_start3A_113 : memref<1x80x128xi32, #tpu.memory_space<hbm>> -> memref<80x128xi32, #tpu.memory_space<hbm>>
      %dma_start3A_115 = arith.constant 0 : i32
      %dma_start3A_116 = tpu.memref_slice %arg3[%run_scoped3A_5, %mul3A_4, %dma_start3A_115] : memref<2x2560x128xi32, #tpu.memory_space<hbm>> -> memref<1x80x128xi32, #tpu.memory_space<hbm>>
      %dma_start3A_117 = tpu.memref_squeeze %dma_start3A_116 : memref<1x80x128xi32, #tpu.memory_space<hbm>> -> memref<80x128xi32, #tpu.memory_space<hbm>>
      tpu.enqueue_dma source(%dma_start3A_117 : memref<80x128xi32, #tpu.memory_space<hbm>>) target(%arg6 : memref<80x128xi32, #tpu.memory_space<vmem>>) target_semaphore(%run_scoped3A_111 : memref<!tpu.dma_semaphore, #tpu.memory_space<semaphore_mem>>)
      %dma_wait3A_118 = arith.constant 0 : i32
      %dma_wait3A_119 = tpu.memref_slice %arg3[%run_scoped3A_5, %mul3A_4, %dma_wait3A_118] : memref<2x2560x128xi32, #tpu.memory_space<hbm>> -> memref<1x80x128xi32, #tpu.memory_space<hbm>>
      %dma_wait3A_120 = tpu.memref_squeeze %dma_wait3A_119 : memref<1x80x128xi32, #tpu.memory_space<hbm>> -> memref<80x128xi32, #tpu.memory_space<hbm>>
      %dma_wait3A_121 = arith.constant 0 : i32
      %dma_wait3A_122 = tpu.memref_slice %arg3[%run_scoped3A_5, %mul3A_4, %dma_wait3A_121] : memref<2x2560x128xi32, #tpu.memory_space<hbm>> -> memref<1x80x128xi32, #tpu.memory_space<hbm>>
      %dma_wait3A_123 = tpu.memref_squeeze %dma_wait3A_122 : memref<1x80x128xi32, #tpu.memory_space<hbm>> -> memref<80x128xi32, #tpu.memory_space<hbm>>
      tpu.wait_dma2 semaphore(%run_scoped3A_111 : memref<!tpu.dma_semaphore, #tpu.memory_space<semaphore_mem>>) src(%dma_wait3A_123 : memref<80x128xi32, #tpu.memory_space<hbm>>) dst(%arg6 : memref<80x128xi32, #tpu.memory_space<vmem>>)
      tpu.yield
    }) : () -> ()
    %broadcast_in_dim3A = arith.constant 0.000000e+00 : bf16
    %broadcast_in_dim3A_6 = vector.broadcast %broadcast_in_dim3A : bf16 to vector<32xbf16>
    %scan3A = arith.constant 0 : i32
    %scan3A_7 = arith.constant 0 : i32
    %scan3A_8 = arith.constant 128 : i32
    %scan3A_9 = arith.addi %scan3A_7, %scan3A_8 : i32
    %scan3A_10 = arith.constant 1 : i32
    scf.for %scan3A_111 = %scan3A_7 to %scan3A_9 step %scan3A_10  : i32 {
      %swap3A = arith.index_cast %scan3A_111 : i32 to index
      %swap3A_112 = arith.constant 0 : index
      %swap3A_113 = tpu.vector_load %arg7[%swap3A, %swap3A_112] {strides = array<i32>} : memref<128x128xbf16, #tpu.memory_space<vmem>>, vector<32xbf16>,
      tpu.vector_store %arg7[%swap3A, %swap3A_112], %broadcast_in_dim3A_6 {strides = array<i32>} : memref<128x128xbf16, #tpu.memory_space<vmem>>, vector<32xbf16>,
      %swap3A_114 = arith.index_cast %scan3A_111 : i32 to index
      %swap3A_115 = arith.constant 32 : index
      %swap3A_116 = tpu.vector_load %arg7[%swap3A_114, %swap3A_115] {strides = array<i32>} : memref<128x128xbf16, #tpu.memory_space<vmem>>, vector<32xbf16>,
      tpu.vector_store %arg7[%swap3A_114, %swap3A_115], %broadcast_in_dim3A_6 {strides = array<i32>} : memref<128x128xbf16, #tpu.memory_space<vmem>>, vector<32xbf16>,
      %swap3A_117 = arith.index_cast %scan3A_111 : i32 to index
      %swap3A_118 = arith.constant 64 : index
      %swap3A_119 = tpu.vector_load %arg7[%swap3A_117, %swap3A_118] {strides = array<i32>} : memref<128x128xbf16, #tpu.memory_space<vmem>>, vector<32xbf16>,
      tpu.vector_store %arg7[%swap3A_117, %swap3A_118], %broadcast_in_dim3A_6 {strides = array<i32>} : memref<128x128xbf16, #tpu.memory_space<vmem>>, vector<32xbf16>,
      %swap3A_120 = arith.index_cast %scan3A_111 : i32 to index
      %swap3A_121 = arith.constant 96 : index
      %swap3A_122 = tpu.vector_load %arg7[%swap3A_120, %swap3A_121] {strides = array<i32>} : memref<128x128xbf16, #tpu.memory_space<vmem>>, vector<32xbf16>,
      tpu.vector_store %arg7[%swap3A_120, %swap3A_121], %broadcast_in_dim3A_6 {strides = array<i32>} : memref<128x128xbf16, #tpu.memory_space<vmem>>, vector<32xbf16>,
    }
    %scan3A_11 = arith.constant 128 : i32
    %mul3A_12 = arith.constant 640 : i32
    %mul3A_13 = arith.muli %arg1, %mul3A_12 : i32
    %add3A_14 = arith.constant 0 : i32
    %add3A_15 = arith.addi %mul3A_13, %add3A_14 : i32
    "tpu.region"() ({
      %run_scoped3A_111 = tpu.sem_alloc : memref<!tpu.dma_semaphore, #tpu.memory_space<semaphore_mem>>
      %dma_start3A_112 = arith.constant 0 : i32
      %dma_start3A_113 = tpu.memref_slice %arg23[%add3A_15, %dma_start3A_112] : memref<10240x128xbf16, #tpu.memory_space<vmem_shared>> -> memref<128x128xbf16, #tpu.memory_space<vmem_shared>>
      %dma_start3A_114 = arith.constant 0 : i32
      %dma_start3A_115 = tpu.memref_slice %arg23[%add3A_15, %dma_start3A_114] : memref<10240x128xbf16, #tpu.memory_space<vmem_shared>> -> memref<128x128xbf16, #tpu.memory_space<vmem_shared>>
      tpu.enqueue_dma source(%arg7 : memref<128x128xbf16, #tpu.memory_space<vmem>>) target(%dma_start3A_115 : memref<128x128xbf16, #tpu.memory_space<vmem_shared>>) target_semaphore(%run_scoped3A_111 : memref<!tpu.dma_semaphore, #tpu.memory_space<semaphore_mem>>)
      %dma_wait3A_116 = arith.constant 0 : i32
      %dma_wait3A_117 = tpu.memref_slice %arg23[%add3A_15, %dma_wait3A_116] : memref<10240x128xbf16, #tpu.memory_space<vmem_shared>> -> memref<128x128xbf16, #tpu.memory_space<vmem_shared>>
      %dma_wait3A_118 = arith.constant 0 : i32
      %dma_wait3A_119 = tpu.memref_slice %arg23[%add3A_15, %dma_wait3A_118] : memref<10240x128xbf16, #tpu.memory_space<vmem_shared>> -> memref<128x128xbf16, #tpu.memory_space<vmem_shared>>
      tpu.wait_dma2 semaphore(%run_scoped3A_111 : memref<!tpu.dma_semaphore, #tpu.memory_space<semaphore_mem>>) src(%arg7 : memref<128x128xbf16, #tpu.memory_space<vmem>>) dst(%dma_wait3A_119 : memref<128x128xbf16, #tpu.memory_space<vmem_shared>>)
      tpu.yield
    }) : () -> ()
    %mul3A_16 = arith.constant 640 : i32
    %mul3A_17 = arith.muli %arg1, %mul3A_16 : i32
    %add3A_18 = arith.constant 128 : i32
    %add3A_19 = arith.addi %mul3A_17, %add3A_18 : i32
    "tpu.region"() ({
      %run_scoped3A_111 = tpu.sem_alloc : memref<!tpu.dma_semaphore, #tpu.memory_space<semaphore_mem>>
      %dma_start3A_112 = arith.constant 0 : i32
      %dma_start3A_113 = tpu.memref_slice %arg23[%add3A_19, %dma_start3A_112] : memref<10240x128xbf16, #tpu.memory_space<vmem_shared>> -> memref<128x128xbf16, #tpu.memory_space<vmem_shared>>
      %dma_start3A_114 = arith.constant 0 : i32
      %dma_start3A_115 = tpu.memref_slice %arg23[%add3A_19, %dma_start3A_114] : memref<10240x128xbf16, #tpu.memory_space<vmem_shared>> -> memref<128x128xbf16, #tpu.memory_space<vmem_shared>>
      tpu.enqueue_dma source(%arg7 : memref<128x128xbf16, #tpu.memory_space<vmem>>) target(%dma_start3A_115 : memref<128x128xbf16, #tpu.memory_space<vmem_shared>>) target_semaphore(%run_scoped3A_111 : memref<!tpu.dma_semaphore, #tpu.memory_space<semaphore_mem>>)
      %dma_wait3A_116 = arith.constant 0 : i32
      %dma_wait3A_117 = tpu.memref_slice %arg23[%add3A_19, %dma_wait3A_116] : memref<10240x128xbf16, #tpu.memory_space<vmem_shared>> -> memref<128x128xbf16, #tpu.memory_space<vmem_shared>>
      %dma_wait3A_118 = arith.constant 0 : i32
      %dma_wait3A_119 = tpu.memref_slice %arg23[%add3A_19, %dma_wait3A_118] : memref<10240x128xbf16, #tpu.memory_space<vmem_shared>> -> memref<128x128xbf16, #tpu.memory_space<vmem_shared>>
      tpu.wait_dma2 semaphore(%run_scoped3A_111 : memref<!tpu.dma_semaphore, #tpu.memory_space<semaphore_mem>>) src(%arg7 : memref<128x128xbf16, #tpu.memory_space<vmem>>) dst(%dma_wait3A_119 : memref<128x128xbf16, #tpu.memory_space<vmem_shared>>)
      tpu.yield
    }) : () -> ()
    %mul3A_20 = arith.constant 640 : i32
    %mul3A_21 = arith.muli %arg1, %mul3A_20 : i32
    %add3A_22 = arith.constant 256 : i32
    %add3A_23 = arith.addi %mul3A_21, %add3A_22 : i32
    "tpu.region"() ({
      %run_scoped3A_111 = tpu.sem_alloc : memref<!tpu.dma_semaphore, #tpu.memory_space<semaphore_mem>>
      %dma_start3A_112 = arith.constant 0 : i32
      %dma_start3A_113 = tpu.memref_slice %arg23[%add3A_23, %dma_start3A_112] : memref<10240x128xbf16, #tpu.memory_space<vmem_shared>> -> memref<128x128xbf16, #tpu.memory_space<vmem_shared>>
      %dma_start3A_114 = arith.constant 0 : i32
      %dma_start3A_115 = tpu.memref_slice %arg23[%add3A_23, %dma_start3A_114] : memref<10240x128xbf16, #tpu.memory_space<vmem_shared>> -> memref<128x128xbf16, #tpu.memory_space<vmem_shared>>
      tpu.enqueue_dma source(%arg7 : memref<128x128xbf16, #tpu.memory_space<vmem>>) target(%dma_start3A_115 : memref<128x128xbf16, #tpu.memory_space<vmem_shared>>) target_semaphore(%run_scoped3A_111 : memref<!tpu.dma_semaphore, #tpu.memory_space<semaphore_mem>>)
      %dma_wait3A_116 = arith.constant 0 : i32
      %dma_wait3A_117 = tpu.memref_slice %arg23[%add3A_23, %dma_wait3A_116] : memref<10240x128xbf16, #tpu.memory_space<vmem_shared>> -> memref<128x128xbf16, #tpu.memory_space<vmem_shared>>
      %dma_wait3A_118 = arith.constant 0 : i32
      %dma_wait3A_119 = tpu.memref_slice %arg23[%add3A_23, %dma_wait3A_118] : memref<10240x128xbf16, #tpu.memory_space<vmem_shared>> -> memref<128x128xbf16, #tpu.memory_space<vmem_shared>>
      tpu.wait_dma2 semaphore(%run_scoped3A_111 : memref<!tpu.dma_semaphore, #tpu.memory_space<semaphore_mem>>) src(%arg7 : memref<128x128xbf16, #tpu.memory_space<vmem>>) dst(%dma_wait3A_119 : memref<128x128xbf16, #tpu.memory_space<vmem_shared>>)
      tpu.yield
    }) : () -> ()
    %mul3A_24 = arith.constant 640 : i32
    %mul3A_25 = arith.muli %arg1, %mul3A_24 : i32
    %add3A_26 = arith.constant 384 : i32
    %add3A_27 = arith.addi %mul3A_25, %add3A_26 : i32
    "tpu.region"() ({
      %run_scoped3A_111 = tpu.sem_alloc : memref<!tpu.dma_semaphore, #tpu.memory_space<semaphore_mem>>
      %dma_start3A_112 = arith.constant 0 : i32
      %dma_start3A_113 = tpu.memref_slice %arg23[%add3A_27, %dma_start3A_112] : memref<10240x128xbf16, #tpu.memory_space<vmem_shared>> -> memref<128x128xbf16, #tpu.memory_space<vmem_shared>>
      %dma_start3A_114 = arith.constant 0 : i32
      %dma_start3A_115 = tpu.memref_slice %arg23[%add3A_27, %dma_start3A_114] : memref<10240x128xbf16, #tpu.memory_space<vmem_shared>> -> memref<128x128xbf16, #tpu.memory_space<vmem_shared>>
      tpu.enqueue_dma source(%arg7 : memref<128x128xbf16, #tpu.memory_space<vmem>>) target(%dma_start3A_115 : memref<128x128xbf16, #tpu.memory_space<vmem_shared>>) target_semaphore(%run_scoped3A_111 : memref<!tpu.dma_semaphore, #tpu.memory_space<semaphore_mem>>)
      %dma_wait3A_116 = arith.constant 0 : i32
      %dma_wait3A_117 = tpu.memref_slice %arg23[%add3A_27, %dma_wait3A_116] : memref<10240x128xbf16, #tpu.memory_space<vmem_shared>> -> memref<128x128xbf16, #tpu.memory_space<vmem_shared>>
      %dma_wait3A_118 = arith.constant 0 : i32
      %dma_wait3A_119 = tpu.memref_slice %arg23[%add3A_27, %dma_wait3A_118] : memref<10240x128xbf16, #tpu.memory_space<vmem_shared>> -> memref<128x128xbf16, #tpu.memory_space<vmem_shared>>
      tpu.wait_dma2 semaphore(%run_scoped3A_111 : memref<!tpu.dma_semaphore, #tpu.memory_space<semaphore_mem>>) src(%arg7 : memref<128x128xbf16, #tpu.memory_space<vmem>>) dst(%dma_wait3A_119 : memref<128x128xbf16, #tpu.memory_space<vmem_shared>>)
      tpu.yield
    }) : () -> ()
    %mul3A_28 = arith.constant 640 : i32
    %mul3A_29 = arith.muli %arg1, %mul3A_28 : i32
    %add3A_30 = arith.constant 512 : i32
    %add3A_31 = arith.addi %mul3A_29, %add3A_30 : i32
    "tpu.region"() ({
      %run_scoped3A_111 = tpu.sem_alloc : memref<!tpu.dma_semaphore, #tpu.memory_space<semaphore_mem>>
      %dma_start3A_112 = arith.constant 0 : i32
      %dma_start3A_113 = tpu.memref_slice %arg23[%add3A_31, %dma_start3A_112] : memref<10240x128xbf16, #tpu.memory_space<vmem_shared>> -> memref<128x128xbf16, #tpu.memory_space<vmem_shared>>
      %dma_start3A_114 = arith.constant 0 : i32
      %dma_start3A_115 = tpu.memref_slice %arg23[%add3A_31, %dma_start3A_114] : memref<10240x128xbf16, #tpu.memory_space<vmem_shared>> -> memref<128x128xbf16, #tpu.memory_space<vmem_shared>>
      tpu.enqueue_dma source(%arg7 : memref<128x128xbf16, #tpu.memory_space<vmem>>) target(%dma_start3A_115 : memref<128x128xbf16, #tpu.memory_space<vmem_shared>>) target_semaphore(%run_scoped3A_111 : memref<!tpu.dma_semaphore, #tpu.memory_space<semaphore_mem>>)
      %dma_wait3A_116 = arith.constant 0 : i32
      %dma_wait3A_117 = tpu.memref_slice %arg23[%add3A_31, %dma_wait3A_116] : memref<10240x128xbf16, #tpu.memory_space<vmem_shared>> -> memref<128x128xbf16, #tpu.memory_space<vmem_shared>>
      %dma_wait3A_118 = arith.constant 0 : i32
      %dma_wait3A_119 = tpu.memref_slice %arg23[%add3A_31, %dma_wait3A_118] : memref<10240x128xbf16, #tpu.memory_space<vmem_shared>> -> memref<128x128xbf16, #tpu.memory_space<vmem_shared>>
      tpu.wait_dma2 semaphore(%run_scoped3A_111 : memref<!tpu.dma_semaphore, #tpu.memory_space<semaphore_mem>>) src(%arg7 : memref<128x128xbf16, #tpu.memory_space<vmem>>) dst(%dma_wait3A_119 : memref<128x128xbf16, #tpu.memory_space<vmem_shared>>)
      tpu.yield
    }) : () -> ()
    %barrier3A = arith.constant 0 : index
    tpu.barrier barrier_id(%barrier3A)
    %dma_start3A = arith.constant 0 : i32
    %dma_start3A_32 = arith.constant 0 : i32
    %dma_start3A_33 = tpu.memref_slice %arg5[%dma_start3A, %dma_start3A_32] : memref<80x128xi32, #tpu.memory_space<vmem>> -> memref<1x128xi32, #tpu.memory_space<vmem>>
    %dma_start3A_34 = tpu.memref_squeeze %dma_start3A_33 : memref<1x128xi32, #tpu.memory_space<vmem>> -> memref<128xi32, #tpu.memory_space<vmem>>
    %dma_start3A_35 = arith.constant 0 : i32
    %dma_start3A_36 = arith.constant 0 : i32
    %dma_start3A_37 = tpu.memref_slice %arg2[%dma_start3A_35, %dma_start3A_36] : memref<10000x128xbf16, #tpu.memory_space<hbm>> -> memref<10000x128xbf16, #tpu.memory_space<hbm>>
    tpu.enqueue_indirect_dma source(%dma_start3A_37 : memref<10000x128xbf16, #tpu.memory_space<hbm>>) target(%arg8 : memref<128x128xbf16, #tpu.memory_space<vmem>>) offsets(%dma_start3A_34 : memref<128xi32, #tpu.memory_space<vmem>>) semaphore(%arg13 : memref<!tpu.dma_semaphore, #tpu.memory_space<semaphore_mem>>)
    %dma_start3A_38 = arith.constant 1 : i32
    %dma_start3A_39 = arith.constant 0 : i32
    %dma_start3A_40 = tpu.memref_slice %arg5[%dma_start3A_38, %dma_start3A_39] : memref<80x128xi32, #tpu.memory_space<vmem>> -> memref<1x128xi32, #tpu.memory_space<vmem>>
    %dma_start3A_41 = tpu.memref_squeeze %dma_start3A_40 : memref<1x128xi32, #tpu.memory_space<vmem>> -> memref<128xi32, #tpu.memory_space<vmem>>
    %dma_start3A_42 = arith.constant 0 : i32
    %dma_start3A_43 = arith.constant 0 : i32
    %dma_start3A_44 = tpu.memref_slice %arg2[%dma_start3A_42, %dma_start3A_43] : memref<10000x128xbf16, #tpu.memory_space<hbm>> -> memref<10000x128xbf16, #tpu.memory_space<hbm>>
    tpu.enqueue_indirect_dma source(%dma_start3A_44 : memref<10000x128xbf16, #tpu.memory_space<hbm>>) target(%arg9 : memref<128x128xbf16, #tpu.memory_space<vmem>>) offsets(%dma_start3A_41 : memref<128xi32, #tpu.memory_space<vmem>>) semaphore(%arg14 : memref<!tpu.dma_semaphore, #tpu.memory_space<semaphore_mem>>)
    %dma_start3A_45 = arith.constant 2 : i32
    %dma_start3A_46 = arith.constant 0 : i32
    %dma_start3A_47 = tpu.memref_slice %arg5[%dma_start3A_45, %dma_start3A_46] : memref<80x128xi32, #tpu.memory_space<vmem>> -> memref<1x128xi32, #tpu.memory_space<vmem>>
    %dma_start3A_48 = tpu.memref_squeeze %dma_start3A_47 : memref<1x128xi32, #tpu.memory_space<vmem>> -> memref<128xi32, #tpu.memory_space<vmem>>
    %dma_start3A_49 = arith.constant 0 : i32
    %dma_start3A_50 = arith.constant 0 : i32
    %dma_start3A_51 = tpu.memref_slice %arg2[%dma_start3A_49, %dma_start3A_50] : memref<10000x128xbf16, #tpu.memory_space<hbm>> -> memref<10000x128xbf16, #tpu.memory_space<hbm>>
    tpu.enqueue_indirect_dma source(%dma_start3A_51 : memref<10000x128xbf16, #tpu.memory_space<hbm>>) target(%arg10 : memref<128x128xbf16, #tpu.memory_space<vmem>>) offsets(%dma_start3A_48 : memref<128xi32, #tpu.memory_space<vmem>>) semaphore(%arg15 : memref<!tpu.dma_semaphore, #tpu.memory_space<semaphore_mem>>)
    %dma_start3A_52 = arith.constant 3 : i32
    %dma_start3A_53 = arith.constant 0 : i32
    %dma_start3A_54 = tpu.memref_slice %arg5[%dma_start3A_52, %dma_start3A_53] : memref<80x128xi32, #tpu.memory_space<vmem>> -> memref<1x128xi32, #tpu.memory_space<vmem>>
    %dma_start3A_55 = tpu.memref_squeeze %dma_start3A_54 : memref<1x128xi32, #tpu.memory_space<vmem>> -> memref<128xi32, #tpu.memory_space<vmem>>
    %dma_start3A_56 = arith.constant 0 : i32
    %dma_start3A_57 = arith.constant 0 : i32
    %dma_start3A_58 = tpu.memref_slice %arg2[%dma_start3A_56, %dma_start3A_57] : memref<10000x128xbf16, #tpu.memory_space<hbm>> -> memref<10000x128xbf16, #tpu.memory_space<hbm>>
    tpu.enqueue_indirect_dma source(%dma_start3A_58 : memref<10000x128xbf16, #tpu.memory_space<hbm>>) target(%arg11 : memref<128x128xbf16, #tpu.memory_space<vmem>>) offsets(%dma_start3A_55 : memref<128xi32, #tpu.memory_space<vmem>>) semaphore(%arg16 : memref<!tpu.dma_semaphore, #tpu.memory_space<semaphore_mem>>)
    %dma_start3A_59 = arith.constant 4 : i32
    %dma_start3A_60 = arith.constant 0 : i32
    %dma_start3A_61 = tpu.memref_slice %arg5[%dma_start3A_59, %dma_start3A_60] : memref<80x128xi32, #tpu.memory_space<vmem>> -> memref<1x128xi32, #tpu.memory_space<vmem>>
    %dma_start3A_62 = tpu.memref_squeeze %dma_start3A_61 : memref<1x128xi32, #tpu.memory_space<vmem>> -> memref<128xi32, #tpu.memory_space<vmem>>
    %dma_start3A_63 = arith.constant 0 : i32
    %dma_start3A_64 = arith.constant 0 : i32
    %dma_start3A_65 = tpu.memref_slice %arg2[%dma_start3A_63, %dma_start3A_64] : memref<10000x128xbf16, #tpu.memory_space<hbm>> -> memref<10000x128xbf16, #tpu.memory_space<hbm>>
    tpu.enqueue_indirect_dma source(%dma_start3A_65 : memref<10000x128xbf16, #tpu.memory_space<hbm>>) target(%arg12 : memref<128x128xbf16, #tpu.memory_space<vmem>>) offsets(%dma_start3A_62 : memref<128xi32, #tpu.memory_space<vmem>>) semaphore(%arg17 : memref<!tpu.dma_semaphore, #tpu.memory_space<semaphore_mem>>)
    %scan3A_66 = arith.constant 0 : i32
    %scan3A_67 = arith.constant 0 : i32
    %scan3A_68 = arith.constant 16 : i32
    %scan3A_69 = arith.addi %scan3A_67, %scan3A_68 : i32
    %scan3A_70 = arith.constant 1 : i32
    scf.for %scan3A_111 = %scan3A_67 to %scan3A_69 step %scan3A_70  : i32 {
      %mul3A_112 = arith.constant 5 : i32
      %mul3A_113 = arith.muli %scan3A_111, %mul3A_112 : i32
      %add3A_114 = arith.constant 0 : i32
      %add3A_115 = arith.addi %mul3A_113, %add3A_114 : i32
      %dma_wait3A_116 = arith.constant 0 : i32
      %dma_wait3A_117 = tpu.memref_slice %arg5[%add3A_115, %dma_wait3A_116] : memref<80x128xi32, #tpu.memory_space<vmem>> -> memref<1x128xi32, #tpu.memory_space<vmem>>
      %dma_wait3A_118 = tpu.memref_squeeze %dma_wait3A_117 : memref<1x128xi32, #tpu.memory_space<vmem>> -> memref<128xi32, #tpu.memory_space<vmem>>
      %dma_wait3A_119 = arith.constant 0 : i32
      %dma_wait3A_120 = arith.constant 0 : i32
      %dma_wait3A_121 = tpu.memref_slice %arg2[%dma_wait3A_119, %dma_wait3A_120] : memref<10000x128xbf16, #tpu.memory_space<hbm>> -> memref<10000x128xbf16, #tpu.memory_space<hbm>>
      tpu.wait_indirect_dma semaphore(%arg13 : memref<!tpu.dma_semaphore, #tpu.memory_space<semaphore_mem>>) src(%dma_wait3A_121 : memref<10000x128xbf16, #tpu.memory_space<hbm>>) dst(%arg8 : memref<128x128xbf16, #tpu.memory_space<vmem>>)
      %dma_start3A_122 = arith.constant 0 : i32
      %dma_start3A_123 = tpu.memref_slice %arg6[%add3A_115, %dma_start3A_122] : memref<80x128xi32, #tpu.memory_space<vmem>> -> memref<1x128xi32, #tpu.memory_space<vmem>>
      %dma_start3A_124 = tpu.memref_squeeze %dma_start3A_123 : memref<1x128xi32, #tpu.memory_space<vmem>> -> memref<128xi32, #tpu.memory_space<vmem>>
      %dma_start3A_125 = arith.constant 0 : i32
      %dma_start3A_126 = arith.constant 0 : i32
      %dma_start3A_127 = tpu.memref_slice %arg23[%dma_start3A_125, %dma_start3A_126] : memref<10240x128xbf16, #tpu.memory_space<vmem_shared>> -> memref<10240x128xbf16, #tpu.memory_space<vmem_shared>>
      tpu.enqueue_indirect_dma source(%arg8 : memref<128x128xbf16, #tpu.memory_space<vmem>>) target(%dma_start3A_127 : memref<10240x128xbf16, #tpu.memory_space<vmem_shared>>) offsets(%dma_start3A_124 : memref<128xi32, #tpu.memory_space<vmem>>) semaphore(%arg18 : memref<!tpu.dma_semaphore, #tpu.memory_space<semaphore_mem>>) {add = true}
      %lt3A = arith.constant 15 : i32
      %lt3A_128 = arith.cmpi slt, %scan3A_111, %lt3A : i32
      %convert_element_type3A = arith.extui %lt3A_128 : i1 to i32
      %cond3A = arith.constant 0 : i32
      %cond3A_129 = arith.cmpi ne, %convert_element_type3A, %cond3A : i32
      scf.if %cond3A_129 {
        %dma_wait3A_214 = arith.constant 0 : i32
        %dma_wait3A_215 = tpu.memref_slice %arg6[%add3A_115, %dma_wait3A_214] : memref<80x128xi32, #tpu.memory_space<vmem>> -> memref<1x128xi32, #tpu.memory_space<vmem>>
        %dma_wait3A_216 = tpu.memref_squeeze %dma_wait3A_215 : memref<1x128xi32, #tpu.memory_space<vmem>> -> memref<128xi32, #tpu.memory_space<vmem>>
        %dma_wait3A_217 = arith.constant 0 : i32
        %dma_wait3A_218 = arith.constant 0 : i32
        %dma_wait3A_219 = tpu.memref_slice %arg23[%dma_wait3A_217, %dma_wait3A_218] : memref<10240x128xbf16, #tpu.memory_space<vmem_shared>> -> memref<10240x128xbf16, #tpu.memory_space<vmem_shared>>
        tpu.wait_indirect_dma semaphore(%arg18 : memref<!tpu.dma_semaphore, #tpu.memory_space<semaphore_mem>>) src(%arg8 : memref<128x128xbf16, #tpu.memory_space<vmem>>) dst(%dma_wait3A_219 : memref<10240x128xbf16, #tpu.memory_space<vmem_shared>>)
        %add3A_220 = arith.constant 5 : i32
        %add3A_221 = arith.addi %add3A_115, %add3A_220 : i32
        %dma_start3A_222 = arith.constant 0 : i32
        %dma_start3A_223 = tpu.memref_slice %arg5[%add3A_221, %dma_start3A_222] : memref<80x128xi32, #tpu.memory_space<vmem>> -> memref<1x128xi32, #tpu.memory_space<vmem>>
        %dma_start3A_224 = tpu.memref_squeeze %dma_start3A_223 : memref<1x128xi32, #tpu.memory_space<vmem>> -> memref<128xi32, #tpu.memory_space<vmem>>
        %dma_start3A_225 = arith.constant 0 : i32
        %dma_start3A_226 = arith.constant 0 : i32
        %dma_start3A_227 = tpu.memref_slice %arg2[%dma_start3A_225, %dma_start3A_226] : memref<10000x128xbf16, #tpu.memory_space<hbm>> -> memref<10000x128xbf16, #tpu.memory_space<hbm>>
        tpu.enqueue_indirect_dma source(%dma_start3A_227 : memref<10000x128xbf16, #tpu.memory_space<hbm>>) target(%arg8 : memref<128x128xbf16, #tpu.memory_space<vmem>>) offsets(%dma_start3A_224 : memref<128xi32, #tpu.memory_space<vmem>>) semaphore(%arg13 : memref<!tpu.dma_semaphore, #tpu.memory_space<semaphore_mem>>)
      } else {
      }
      %mul3A_130 = arith.constant 5 : i32
      %mul3A_131 = arith.muli %scan3A_111, %mul3A_130 : i32
      %add3A_132 = arith.constant 1 : i32
      %add3A_133 = arith.addi %mul3A_131, %add3A_132 : i32
      %dma_wait3A_134 = arith.constant 0 : i32
      %dma_wait3A_135 = tpu.memref_slice %arg5[%add3A_133, %dma_wait3A_134] : memref<80x128xi32, #tpu.memory_space<vmem>> -> memref<1x128xi32, #tpu.memory_space<vmem>>
      %dma_wait3A_136 = tpu.memref_squeeze %dma_wait3A_135 : memref<1x128xi32, #tpu.memory_space<vmem>> -> memref<128xi32, #tpu.memory_space<vmem>>
      %dma_wait3A_137 = arith.constant 0 : i32
      %dma_wait3A_138 = arith.constant 0 : i32
      %dma_wait3A_139 = tpu.memref_slice %arg2[%dma_wait3A_137, %dma_wait3A_138] : memref<10000x128xbf16, #tpu.memory_space<hbm>> -> memref<10000x128xbf16, #tpu.memory_space<hbm>>
      tpu.wait_indirect_dma semaphore(%arg14 : memref<!tpu.dma_semaphore, #tpu.memory_space<semaphore_mem>>) src(%dma_wait3A_139 : memref<10000x128xbf16, #tpu.memory_space<hbm>>) dst(%arg9 : memref<128x128xbf16, #tpu.memory_space<vmem>>)
      %dma_start3A_140 = arith.constant 0 : i32
      %dma_start3A_141 = tpu.memref_slice %arg6[%add3A_133, %dma_start3A_140] : memref<80x128xi32, #tpu.memory_space<vmem>> -> memref<1x128xi32, #tpu.memory_space<vmem>>
      %dma_start3A_142 = tpu.memref_squeeze %dma_start3A_141 : memref<1x128xi32, #tpu.memory_space<vmem>> -> memref<128xi32, #tpu.memory_space<vmem>>
      %dma_start3A_143 = arith.constant 0 : i32
      %dma_start3A_144 = arith.constant 0 : i32
      %dma_start3A_145 = tpu.memref_slice %arg23[%dma_start3A_143, %dma_start3A_144] : memref<10240x128xbf16, #tpu.memory_space<vmem_shared>> -> memref<10240x128xbf16, #tpu.memory_space<vmem_shared>>
      tpu.enqueue_indirect_dma source(%arg9 : memref<128x128xbf16, #tpu.memory_space<vmem>>) target(%dma_start3A_145 : memref<10240x128xbf16, #tpu.memory_space<vmem_shared>>) offsets(%dma_start3A_142 : memref<128xi32, #tpu.memory_space<vmem>>) semaphore(%arg19 : memref<!tpu.dma_semaphore, #tpu.memory_space<semaphore_mem>>) {add = true}
      %lt3A_146 = arith.constant 15 : i32
      %lt3A_147 = arith.cmpi slt, %scan3A_111, %lt3A_146 : i32
      %convert_element_type3A_148 = arith.extui %lt3A_147 : i1 to i32
      %cond3A_149 = arith.constant 0 : i32
      %cond3A_150 = arith.cmpi ne, %convert_element_type3A_148, %cond3A_149 : i32
      scf.if %cond3A_150 {
        %dma_wait3A_214 = arith.constant 0 : i32
        %dma_wait3A_215 = tpu.memref_slice %arg6[%add3A_133, %dma_wait3A_214] : memref<80x128xi32, #tpu.memory_space<vmem>> -> memref<1x128xi32, #tpu.memory_space<vmem>>
        %dma_wait3A_216 = tpu.memref_squeeze %dma_wait3A_215 : memref<1x128xi32, #tpu.memory_space<vmem>> -> memref<128xi32, #tpu.memory_space<vmem>>
        %dma_wait3A_217 = arith.constant 0 : i32
        %dma_wait3A_218 = arith.constant 0 : i32
        %dma_wait3A_219 = tpu.memref_slice %arg23[%dma_wait3A_217, %dma_wait3A_218] : memref<10240x128xbf16, #tpu.memory_space<vmem_shared>> -> memref<10240x128xbf16, #tpu.memory_space<vmem_shared>>
        tpu.wait_indirect_dma semaphore(%arg19 : memref<!tpu.dma_semaphore, #tpu.memory_space<semaphore_mem>>) src(%arg9 : memref<128x128xbf16, #tpu.memory_space<vmem>>) dst(%dma_wait3A_219 : memref<10240x128xbf16, #tpu.memory_space<vmem_shared>>)
        %add3A_220 = arith.constant 5 : i32
        %add3A_221 = arith.addi %add3A_133, %add3A_220 : i32
        %dma_start3A_222 = arith.constant 0 : i32
        %dma_start3A_223 = tpu.memref_slice %arg5[%add3A_221, %dma_start3A_222] : memref<80x128xi32, #tpu.memory_space<vmem>> -> memref<1x128xi32, #tpu.memory_space<vmem>>
        %dma_start3A_224 = tpu.memref_squeeze %dma_start3A_223 : memref<1x128xi32, #tpu.memory_space<vmem>> -> memref<128xi32, #tpu.memory_space<vmem>>
        %dma_start3A_225 = arith.constant 0 : i32
        %dma_start3A_226 = arith.constant 0 : i32
        %dma_start3A_227 = tpu.memref_slice %arg2[%dma_start3A_225, %dma_start3A_226] : memref<10000x128xbf16, #tpu.memory_space<hbm>> -> memref<10000x128xbf16, #tpu.memory_space<hbm>>
        tpu.enqueue_indirect_dma source(%dma_start3A_227 : memref<10000x128xbf16, #tpu.memory_space<hbm>>) target(%arg9 : memref<128x128xbf16, #tpu.memory_space<vmem>>) offsets(%dma_start3A_224 : memref<128xi32, #tpu.memory_space<vmem>>) semaphore(%arg14 : memref<!tpu.dma_semaphore, #tpu.memory_space<semaphore_mem>>)
      } else {
      }
      %mul3A_151 = arith.constant 5 : i32
      %mul3A_152 = arith.muli %scan3A_111, %mul3A_151 : i32
      %add3A_153 = arith.constant 2 : i32
      %add3A_154 = arith.addi %mul3A_152, %add3A_153 : i32
      %dma_wait3A_155 = arith.constant 0 : i32
      %dma_wait3A_156 = tpu.memref_slice %arg5[%add3A_154, %dma_wait3A_155] : memref<80x128xi32, #tpu.memory_space<vmem>> -> memref<1x128xi32, #tpu.memory_space<vmem>>
      %dma_wait3A_157 = tpu.memref_squeeze %dma_wait3A_156 : memref<1x128xi32, #tpu.memory_space<vmem>> -> memref<128xi32, #tpu.memory_space<vmem>>
      %dma_wait3A_158 = arith.constant 0 : i32
      %dma_wait3A_159 = arith.constant 0 : i32
      %dma_wait3A_160 = tpu.memref_slice %arg2[%dma_wait3A_158, %dma_wait3A_159] : memref<10000x128xbf16, #tpu.memory_space<hbm>> -> memref<10000x128xbf16, #tpu.memory_space<hbm>>
      tpu.wait_indirect_dma semaphore(%arg15 : memref<!tpu.dma_semaphore, #tpu.memory_space<semaphore_mem>>) src(%dma_wait3A_160 : memref<10000x128xbf16, #tpu.memory_space<hbm>>) dst(%arg10 : memref<128x128xbf16, #tpu.memory_space<vmem>>)
      %dma_start3A_161 = arith.constant 0 : i32
      %dma_start3A_162 = tpu.memref_slice %arg6[%add3A_154, %dma_start3A_161] : memref<80x128xi32, #tpu.memory_space<vmem>> -> memref<1x128xi32, #tpu.memory_space<vmem>>
      %dma_start3A_163 = tpu.memref_squeeze %dma_start3A_162 : memref<1x128xi32, #tpu.memory_space<vmem>> -> memref<128xi32, #tpu.memory_space<vmem>>
      %dma_start3A_164 = arith.constant 0 : i32
      %dma_start3A_165 = arith.constant 0 : i32
      %dma_start3A_166 = tpu.memref_slice %arg23[%dma_start3A_164, %dma_start3A_165] : memref<10240x128xbf16, #tpu.memory_space<vmem_shared>> -> memref<10240x128xbf16, #tpu.memory_space<vmem_shared>>
      tpu.enqueue_indirect_dma source(%arg10 : memref<128x128xbf16, #tpu.memory_space<vmem>>) target(%dma_start3A_166 : memref<10240x128xbf16, #tpu.memory_space<vmem_shared>>) offsets(%dma_start3A_163 : memref<128xi32, #tpu.memory_space<vmem>>) semaphore(%arg20 : memref<!tpu.dma_semaphore, #tpu.memory_space<semaphore_mem>>) {add = true}
      %lt3A_167 = arith.constant 15 : i32
      %lt3A_168 = arith.cmpi slt, %scan3A_111, %lt3A_167 : i32
      %convert_element_type3A_169 = arith.extui %lt3A_168 : i1 to i32
      %cond3A_170 = arith.constant 0 : i32
      %cond3A_171 = arith.cmpi ne, %convert_element_type3A_169, %cond3A_170 : i32
      scf.if %cond3A_171 {
        %dma_wait3A_214 = arith.constant 0 : i32
        %dma_wait3A_215 = tpu.memref_slice %arg6[%add3A_154, %dma_wait3A_214] : memref<80x128xi32, #tpu.memory_space<vmem>> -> memref<1x128xi32, #tpu.memory_space<vmem>>
        %dma_wait3A_216 = tpu.memref_squeeze %dma_wait3A_215 : memref<1x128xi32, #tpu.memory_space<vmem>> -> memref<128xi32, #tpu.memory_space<vmem>>
        %dma_wait3A_217 = arith.constant 0 : i32
        %dma_wait3A_218 = arith.constant 0 : i32
        %dma_wait3A_219 = tpu.memref_slice %arg23[%dma_wait3A_217, %dma_wait3A_218] : memref<10240x128xbf16, #tpu.memory_space<vmem_shared>> -> memref<10240x128xbf16, #tpu.memory_space<vmem_shared>>
        tpu.wait_indirect_dma semaphore(%arg20 : memref<!tpu.dma_semaphore, #tpu.memory_space<semaphore_mem>>) src(%arg10 : memref<128x128xbf16, #tpu.memory_space<vmem>>) dst(%dma_wait3A_219 : memref<10240x128xbf16, #tpu.memory_space<vmem_shared>>)
        %add3A_220 = arith.constant 5 : i32
        %add3A_221 = arith.addi %add3A_154, %add3A_220 : i32
        %dma_start3A_222 = arith.constant 0 : i32
        %dma_start3A_223 = tpu.memref_slice %arg5[%add3A_221, %dma_start3A_222] : memref<80x128xi32, #tpu.memory_space<vmem>> -> memref<1x128xi32, #tpu.memory_space<vmem>>
        %dma_start3A_224 = tpu.memref_squeeze %dma_start3A_223 : memref<1x128xi32, #tpu.memory_space<vmem>> -> memref<128xi32, #tpu.memory_space<vmem>>
        %dma_start3A_225 = arith.constant 0 : i32
        %dma_start3A_226 = arith.constant 0 : i32
        %dma_start3A_227 = tpu.memref_slice %arg2[%dma_start3A_225, %dma_start3A_226] : memref<10000x128xbf16, #tpu.memory_space<hbm>> -> memref<10000x128xbf16, #tpu.memory_space<hbm>>
        tpu.enqueue_indirect_dma source(%dma_start3A_227 : memref<10000x128xbf16, #tpu.memory_space<hbm>>) target(%arg10 : memref<128x128xbf16, #tpu.memory_space<vmem>>) offsets(%dma_start3A_224 : memref<128xi32, #tpu.memory_space<vmem>>) semaphore(%arg15 : memref<!tpu.dma_semaphore, #tpu.memory_space<semaphore_mem>>)
      } else {
      }
      %mul3A_172 = arith.constant 5 : i32
      %mul3A_173 = arith.muli %scan3A_111, %mul3A_172 : i32
      %add3A_174 = arith.constant 3 : i32
      %add3A_175 = arith.addi %mul3A_173, %add3A_174 : i32
      %dma_wait3A_176 = arith.constant 0 : i32
      %dma_wait3A_177 = tpu.memref_slice %arg5[%add3A_175, %dma_wait3A_176] : memref<80x128xi32, #tpu.memory_space<vmem>> -> memref<1x128xi32, #tpu.memory_space<vmem>>
      %dma_wait3A_178 = tpu.memref_squeeze %dma_wait3A_177 : memref<1x128xi32, #tpu.memory_space<vmem>> -> memref<128xi32, #tpu.memory_space<vmem>>
      %dma_wait3A_179 = arith.constant 0 : i32
      %dma_wait3A_180 = arith.constant 0 : i32
      %dma_wait3A_181 = tpu.memref_slice %arg2[%dma_wait3A_179, %dma_wait3A_180] : memref<10000x128xbf16, #tpu.memory_space<hbm>> -> memref<10000x128xbf16, #tpu.memory_space<hbm>>
      tpu.wait_indirect_dma semaphore(%arg16 : memref<!tpu.dma_semaphore, #tpu.memory_space<semaphore_mem>>) src(%dma_wait3A_181 : memref<10000x128xbf16, #tpu.memory_space<hbm>>) dst(%arg11 : memref<128x128xbf16, #tpu.memory_space<vmem>>)
      %dma_start3A_182 = arith.constant 0 : i32
      %dma_start3A_183 = tpu.memref_slice %arg6[%add3A_175, %dma_start3A_182] : memref<80x128xi32, #tpu.memory_space<vmem>> -> memref<1x128xi32, #tpu.memory_space<vmem>>
      %dma_start3A_184 = tpu.memref_squeeze %dma_start3A_183 : memref<1x128xi32, #tpu.memory_space<vmem>> -> memref<128xi32, #tpu.memory_space<vmem>>
      %dma_start3A_185 = arith.constant 0 : i32
      %dma_start3A_186 = arith.constant 0 : i32
      %dma_start3A_187 = tpu.memref_slice %arg23[%dma_start3A_185, %dma_start3A_186] : memref<10240x128xbf16, #tpu.memory_space<vmem_shared>> -> memref<10240x128xbf16, #tpu.memory_space<vmem_shared>>
      tpu.enqueue_indirect_dma source(%arg11 : memref<128x128xbf16, #tpu.memory_space<vmem>>) target(%dma_start3A_187 : memref<10240x128xbf16, #tpu.memory_space<vmem_shared>>) offsets(%dma_start3A_184 : memref<128xi32, #tpu.memory_space<vmem>>) semaphore(%arg21 : memref<!tpu.dma_semaphore, #tpu.memory_space<semaphore_mem>>) {add = true}
      %lt3A_188 = arith.constant 15 : i32
      %lt3A_189 = arith.cmpi slt, %scan3A_111, %lt3A_188 : i32
      %convert_element_type3A_190 = arith.extui %lt3A_189 : i1 to i32
      %cond3A_191 = arith.constant 0 : i32
      %cond3A_192 = arith.cmpi ne, %convert_element_type3A_190, %cond3A_191 : i32
      scf.if %cond3A_192 {
        %dma_wait3A_214 = arith.constant 0 : i32
        %dma_wait3A_215 = tpu.memref_slice %arg6[%add3A_175, %dma_wait3A_214] : memref<80x128xi32, #tpu.memory_space<vmem>> -> memref<1x128xi32, #tpu.memory_space<vmem>>
        %dma_wait3A_216 = tpu.memref_squeeze %dma_wait3A_215 : memref<1x128xi32, #tpu.memory_space<vmem>> -> memref<128xi32, #tpu.memory_space<vmem>>
        %dma_wait3A_217 = arith.constant 0 : i32
        %dma_wait3A_218 = arith.constant 0 : i32
        %dma_wait3A_219 = tpu.memref_slice %arg23[%dma_wait3A_217, %dma_wait3A_218] : memref<10240x128xbf16, #tpu.memory_space<vmem_shared>> -> memref<10240x128xbf16, #tpu.memory_space<vmem_shared>>
        tpu.wait_indirect_dma semaphore(%arg21 : memref<!tpu.dma_semaphore, #tpu.memory_space<semaphore_mem>>) src(%arg11 : memref<128x128xbf16, #tpu.memory_space<vmem>>) dst(%dma_wait3A_219 : memref<10240x128xbf16, #tpu.memory_space<vmem_shared>>)
        %add3A_220 = arith.constant 5 : i32
        %add3A_221 = arith.addi %add3A_175, %add3A_220 : i32
        %dma_start3A_222 = arith.constant 0 : i32
        %dma_start3A_223 = tpu.memref_slice %arg5[%add3A_221, %dma_start3A_222] : memref<80x128xi32, #tpu.memory_space<vmem>> -> memref<1x128xi32, #tpu.memory_space<vmem>>
        %dma_start3A_224 = tpu.memref_squeeze %dma_start3A_223 : memref<1x128xi32, #tpu.memory_space<vmem>> -> memref<128xi32, #tpu.memory_space<vmem>>
        %dma_start3A_225 = arith.constant 0 : i32
        %dma_start3A_226 = arith.constant 0 : i32
        %dma_start3A_227 = tpu.memref_slice %arg2[%dma_start3A_225, %dma_start3A_226] : memref<10000x128xbf16, #tpu.memory_space<hbm>> -> memref<10000x128xbf16, #tpu.memory_space<hbm>>
        tpu.enqueue_indirect_dma source(%dma_start3A_227 : memref<10000x128xbf16, #tpu.memory_space<hbm>>) target(%arg11 : memref<128x128xbf16, #tpu.memory_space<vmem>>) offsets(%dma_start3A_224 : memref<128xi32, #tpu.memory_space<vmem>>) semaphore(%arg16 : memref<!tpu.dma_semaphore, #tpu.memory_space<semaphore_mem>>)
      } else {
      }
      %mul3A_193 = arith.constant 5 : i32
      %mul3A_194 = arith.muli %scan3A_111, %mul3A_193 : i32
      %add3A_195 = arith.constant 4 : i32
      %add3A_196 = arith.addi %mul3A_194, %add3A_195 : i32
      %dma_wait3A_197 = arith.constant 0 : i32
      %dma_wait3A_198 = tpu.memref_slice %arg5[%add3A_196, %dma_wait3A_197] : memref<80x128xi32, #tpu.memory_space<vmem>> -> memref<1x128xi32, #tpu.memory_space<vmem>>
      %dma_wait3A_199 = tpu.memref_squeeze %dma_wait3A_198 : memref<1x128xi32, #tpu.memory_space<vmem>> -> memref<128xi32, #tpu.memory_space<vmem>>
      %dma_wait3A_200 = arith.constant 0 : i32
      %dma_wait3A_201 = arith.constant 0 : i32
      %dma_wait3A_202 = tpu.memref_slice %arg2[%dma_wait3A_200, %dma_wait3A_201] : memref<10000x128xbf16, #tpu.memory_space<hbm>> -> memref<10000x128xbf16, #tpu.memory_space<hbm>>
      tpu.wait_indirect_dma semaphore(%arg17 : memref<!tpu.dma_semaphore, #tpu.memory_space<semaphore_mem>>) src(%dma_wait3A_202 : memref<10000x128xbf16, #tpu.memory_space<hbm>>) dst(%arg12 : memref<128x128xbf16, #tpu.memory_space<vmem>>)
      %dma_start3A_203 = arith.constant 0 : i32
      %dma_start3A_204 = tpu.memref_slice %arg6[%add3A_196, %dma_start3A_203] : memref<80x128xi32, #tpu.memory_space<vmem>> -> memref<1x128xi32, #tpu.memory_space<vmem>>
      %dma_start3A_205 = tpu.memref_squeeze %dma_start3A_204 : memref<1x128xi32, #tpu.memory_space<vmem>> -> memref<128xi32, #tpu.memory_space<vmem>>
      %dma_start3A_206 = arith.constant 0 : i32
      %dma_start3A_207 = arith.constant 0 : i32
      %dma_start3A_208 = tpu.memref_slice %arg23[%dma_start3A_206, %dma_start3A_207] : memref<10240x128xbf16, #tpu.memory_space<vmem_shared>> -> memref<10240x128xbf16, #tpu.memory_space<vmem_shared>>
      tpu.enqueue_indirect_dma source(%arg12 : memref<128x128xbf16, #tpu.memory_space<vmem>>) target(%dma_start3A_208 : memref<10240x128xbf16, #tpu.memory_space<vmem_shared>>) offsets(%dma_start3A_205 : memref<128xi32, #tpu.memory_space<vmem>>) semaphore(%arg22 : memref<!tpu.dma_semaphore, #tpu.memory_space<semaphore_mem>>) {add = true}
      %lt3A_209 = arith.constant 15 : i32
      %lt3A_210 = arith.cmpi slt, %scan3A_111, %lt3A_209 : i32
      %convert_element_type3A_211 = arith.extui %lt3A_210 : i1 to i32
      %cond3A_212 = arith.constant 0 : i32
      %cond3A_213 = arith.cmpi ne, %convert_element_type3A_211, %cond3A_212 : i32
      scf.if %cond3A_213 {
        %dma_wait3A_214 = arith.constant 0 : i32
        %dma_wait3A_215 = tpu.memref_slice %arg6[%add3A_196, %dma_wait3A_214] : memref<80x128xi32, #tpu.memory_space<vmem>> -> memref<1x128xi32, #tpu.memory_space<vmem>>
        %dma_wait3A_216 = tpu.memref_squeeze %dma_wait3A_215 : memref<1x128xi32, #tpu.memory_space<vmem>> -> memref<128xi32, #tpu.memory_space<vmem>>
        %dma_wait3A_217 = arith.constant 0 : i32
        %dma_wait3A_218 = arith.constant 0 : i32
        %dma_wait3A_219 = tpu.memref_slice %arg23[%dma_wait3A_217, %dma_wait3A_218] : memref<10240x128xbf16, #tpu.memory_space<vmem_shared>> -> memref<10240x128xbf16, #tpu.memory_space<vmem_shared>>
        tpu.wait_indirect_dma semaphore(%arg22 : memref<!tpu.dma_semaphore, #tpu.memory_space<semaphore_mem>>) src(%arg12 : memref<128x128xbf16, #tpu.memory_space<vmem>>) dst(%dma_wait3A_219 : memref<10240x128xbf16, #tpu.memory_space<vmem_shared>>)
        %add3A_220 = arith.constant 5 : i32
        %add3A_221 = arith.addi %add3A_196, %add3A_220 : i32
        %dma_start3A_222 = arith.constant 0 : i32
        %dma_start3A_223 = tpu.memref_slice %arg5[%add3A_221, %dma_start3A_222] : memref<80x128xi32, #tpu.memory_space<vmem>> -> memref<1x128xi32, #tpu.memory_space<vmem>>
        %dma_start3A_224 = tpu.memref_squeeze %dma_start3A_223 : memref<1x128xi32, #tpu.memory_space<vmem>> -> memref<128xi32, #tpu.memory_space<vmem>>
        %dma_start3A_225 = arith.constant 0 : i32
        %dma_start3A_226 = arith.constant 0 : i32
        %dma_start3A_227 = tpu.memref_slice %arg2[%dma_start3A_225, %dma_start3A_226] : memref<10000x128xbf16, #tpu.memory_space<hbm>> -> memref<10000x128xbf16, #tpu.memory_space<hbm>>
        tpu.enqueue_indirect_dma source(%dma_start3A_227 : memref<10000x128xbf16, #tpu.memory_space<hbm>>) target(%arg12 : memref<128x128xbf16, #tpu.memory_space<vmem>>) offsets(%dma_start3A_224 : memref<128xi32, #tpu.memory_space<vmem>>) semaphore(%arg17 : memref<!tpu.dma_semaphore, #tpu.memory_space<semaphore_mem>>)
      } else {
      }
    }
    %scan3A_71 = arith.constant 16 : i32
    %dma_wait3A = arith.constant 0 : i32
    %dma_wait3A_72 = arith.constant 0 : i32
    %dma_wait3A_73 = tpu.memref_slice %arg6[%dma_wait3A, %dma_wait3A_72] : memref<80x128xi32, #tpu.memory_space<vmem>> -> memref<1x128xi32, #tpu.memory_space<vmem>>
    %dma_wait3A_74 = tpu.memref_squeeze %dma_wait3A_73 : memref<1x128xi32, #tpu.memory_space<vmem>> -> memref<128xi32, #tpu.memory_space<vmem>>
    %dma_wait3A_75 = arith.constant 0 : i32
    %dma_wait3A_76 = arith.constant 0 : i32
    %dma_wait3A_77 = tpu.memref_slice %arg23[%dma_wait3A_75, %dma_wait3A_76] : memref<10240x128xbf16, #tpu.memory_space<vmem_shared>> -> memref<10240x128xbf16, #tpu.memory_space<vmem_shared>>
    tpu.wait_indirect_dma semaphore(%arg18 : memref<!tpu.dma_semaphore, #tpu.memory_space<semaphore_mem>>) src(%arg8 : memref<128x128xbf16, #tpu.memory_space<vmem>>) dst(%dma_wait3A_77 : memref<10240x128xbf16, #tpu.memory_space<vmem_shared>>)
    %dma_wait3A_78 = arith.constant 0 : i32
    %dma_wait3A_79 = arith.constant 0 : i32
    %dma_wait3A_80 = tpu.memref_slice %arg6[%dma_wait3A_78, %dma_wait3A_79] : memref<80x128xi32, #tpu.memory_space<vmem>> -> memref<1x128xi32, #tpu.memory_space<vmem>>
    %dma_wait3A_81 = tpu.memref_squeeze %dma_wait3A_80 : memref<1x128xi32, #tpu.memory_space<vmem>> -> memref<128xi32, #tpu.memory_space<vmem>>
    %dma_wait3A_82 = arith.constant 0 : i32
    %dma_wait3A_83 = arith.constant 0 : i32
    %dma_wait3A_84 = tpu.memref_slice %arg23[%dma_wait3A_82, %dma_wait3A_83] : memref<10240x128xbf16, #tpu.memory_space<vmem_shared>> -> memref<10240x128xbf16, #tpu.memory_space<vmem_shared>>
    tpu.wait_indirect_dma semaphore(%arg19 : memref<!tpu.dma_semaphore, #tpu.memory_space<semaphore_mem>>) src(%arg9 : memref<128x128xbf16, #tpu.memory_space<vmem>>) dst(%dma_wait3A_84 : memref<10240x128xbf16, #tpu.memory_space<vmem_shared>>)
    %dma_wait3A_85 = arith.constant 0 : i32
    %dma_wait3A_86 = arith.constant 0 : i32
    %dma_wait3A_87 = tpu.memref_slice %arg6[%dma_wait3A_85, %dma_wait3A_86] : memref<80x128xi32, #tpu.memory_space<vmem>> -> memref<1x128xi32, #tpu.memory_space<vmem>>
    %dma_wait3A_88 = tpu.memref_squeeze %dma_wait3A_87 : memref<1x128xi32, #tpu.memory_space<vmem>> -> memref<128xi32, #tpu.memory_space<vmem>>
    %dma_wait3A_89 = arith.constant 0 : i32
    %dma_wait3A_90 = arith.constant 0 : i32
    %dma_wait3A_91 = tpu.memref_slice %arg23[%dma_wait3A_89, %dma_wait3A_90] : memref<10240x128xbf16, #tpu.memory_space<vmem_shared>> -> memref<10240x128xbf16, #tpu.memory_space<vmem_shared>>
    tpu.wait_indirect_dma semaphore(%arg20 : memref<!tpu.dma_semaphore, #tpu.memory_space<semaphore_mem>>) src(%arg10 : memref<128x128xbf16, #tpu.memory_space<vmem>>) dst(%dma_wait3A_91 : memref<10240x128xbf16, #tpu.memory_space<vmem_shared>>)
    %dma_wait3A_92 = arith.constant 0 : i32
    %dma_wait3A_93 = arith.constant 0 : i32
    %dma_wait3A_94 = tpu.memref_slice %arg6[%dma_wait3A_92, %dma_wait3A_93] : memref<80x128xi32, #tpu.memory_space<vmem>> -> memref<1x128xi32, #tpu.memory_space<vmem>>
    %dma_wait3A_95 = tpu.memref_squeeze %dma_wait3A_94 : memref<1x128xi32, #tpu.memory_space<vmem>> -> memref<128xi32, #tpu.memory_space<vmem>>
    %dma_wait3A_96 = arith.constant 0 : i32
    %dma_wait3A_97 = arith.constant 0 : i32
    %dma_wait3A_98 = tpu.memref_slice %arg23[%dma_wait3A_96, %dma_wait3A_97] : memref<10240x128xbf16, #tpu.memory_space<vmem_shared>> -> memref<10240x128xbf16, #tpu.memory_space<vmem_shared>>
    tpu.wait_indirect_dma semaphore(%arg21 : memref<!tpu.dma_semaphore, #tpu.memory_space<semaphore_mem>>) src(%arg11 : memref<128x128xbf16, #tpu.memory_space<vmem>>) dst(%dma_wait3A_98 : memref<10240x128xbf16, #tpu.memory_space<vmem_shared>>)
    %dma_wait3A_99 = arith.constant 0 : i32
    %dma_wait3A_100 = arith.constant 0 : i32
    %dma_wait3A_101 = tpu.memref_slice %arg6[%dma_wait3A_99, %dma_wait3A_100] : memref<80x128xi32, #tpu.memory_space<vmem>> -> memref<1x128xi32, #tpu.memory_space<vmem>>
    %dma_wait3A_102 = tpu.memref_squeeze %dma_wait3A_101 : memref<1x128xi32, #tpu.memory_space<vmem>> -> memref<128xi32, #tpu.memory_space<vmem>>
    %dma_wait3A_103 = arith.constant 0 : i32
    %dma_wait3A_104 = arith.constant 0 : i32
    %dma_wait3A_105 = tpu.memref_slice %arg23[%dma_wait3A_103, %dma_wait3A_104] : memref<10240x128xbf16, #tpu.memory_space<vmem_shared>> -> memref<10240x128xbf16, #tpu.memory_space<vmem_shared>>
    tpu.wait_indirect_dma semaphore(%arg22 : memref<!tpu.dma_semaphore, #tpu.memory_space<semaphore_mem>>) src(%arg12 : memref<128x128xbf16, #tpu.memory_space<vmem>>) dst(%dma_wait3A_105 : memref<10240x128xbf16, #tpu.memory_space<vmem_shared>>)
    %barrier3A_106 = arith.constant 0 : index
    tpu.barrier barrier_id(%barrier3A_106)
    %mul3A_107 = arith.constant 640 : i32
    %mul3A_108 = arith.muli %arg1, %mul3A_107 : i32
    %mul3A_109 = arith.constant 640 : i32
    %mul3A_110 = arith.muli %arg1, %mul3A_109 : i32
    "tpu.region"() ({
      %run_scoped3A_111 = tpu.sem_alloc : memref<!tpu.dma_semaphore, #tpu.memory_space<semaphore_mem>>
      %dma_start3A_112 = arith.constant 0 : i32
      %dma_start3A_113 = tpu.memref_slice %arg4[%arg0, %mul3A_110, %dma_start3A_112] : memref<2x10240x128xbf16, #tpu.memory_space<hbm>> -> memref<1x640x128xbf16, #tpu.memory_space<hbm>>
      %dma_start3A_114 = tpu.memref_squeeze %dma_start3A_113 : memref<1x640x128xbf16, #tpu.memory_space<hbm>> -> memref<640x128xbf16, #tpu.memory_space<hbm>>
      %dma_start3A_115 = arith.constant 0 : i32
      %dma_start3A_116 = tpu.memref_slice %arg23[%mul3A_108, %dma_start3A_115] : memref<10240x128xbf16, #tpu.memory_space<vmem_shared>> -> memref<640x128xbf16, #tpu.memory_space<vmem_shared>>
      tpu.enqueue_dma source(%dma_start3A_116 : memref<640x128xbf16, #tpu.memory_space<vmem_shared>>) target(%dma_start3A_114 : memref<640x128xbf16, #tpu.memory_space<hbm>>) target_semaphore(%run_scoped3A_111 : memref<!tpu.dma_semaphore, #tpu.memory_space<semaphore_mem>>)
      %dma_wait3A_117 = arith.constant 0 : i32
      %dma_wait3A_118 = tpu.memref_slice %arg4[%arg0, %mul3A_110, %dma_wait3A_117] : memref<2x10240x128xbf16, #tpu.memory_space<hbm>> -> memref<1x640x128xbf16, #tpu.memory_space<hbm>>
      %dma_wait3A_119 = tpu.memref_squeeze %dma_wait3A_118 : memref<1x640x128xbf16, #tpu.memory_space<hbm>> -> memref<640x128xbf16, #tpu.memory_space<hbm>>
      %dma_wait3A_120 = arith.constant 0 : i32
      %dma_wait3A_121 = tpu.memref_slice %arg23[%mul3A_108, %dma_wait3A_120] : memref<10240x128xbf16, #tpu.memory_space<vmem_shared>> -> memref<640x128xbf16, #tpu.memory_space<vmem_shared>>
      tpu.wait_dma2 semaphore(%run_scoped3A_111 : memref<!tpu.dma_semaphore, #tpu.memory_space<semaphore_mem>>) src(%dma_wait3A_121 : memref<640x128xbf16, #tpu.memory_space<vmem_shared>>) dst(%dma_wait3A_119 : memref<640x128xbf16, #tpu.memory_space<hbm>>)
      tpu.yield
    }) : () -> ()
    return
  }
}

#map = affine_map<(d0, d1) -> (0, 0)>
#map1 = affine_map<(d0, d1) -> (0, 0, 0)>
module attributes {stable_mosaic.version = 14 : i64} {
  func.func @_scatter_body(%arg0: i32, %arg1: i32, %arg2: memref<10000x128xbf16, #tpu.memory_space<hbm>>, %arg3: memref<2x2560x128xi32, #tpu.memory_space<hbm>>, %arg4: memref<2x10240x128xbf16, #tpu.memory_space<hbm>>, %arg5: memref<80x128xi32, #tpu.memory_space<vmem>>, %arg6: memref<80x128xi32, #tpu.memory_space<vmem>>, %arg7: memref<128x128xbf16, #tpu.memory_space<vmem>>, %arg8: memref<128x128xbf16, #tpu.memory_space<vmem>>, %arg9: memref<128x128xbf16, #tpu.memory_space<vmem>>, %arg10: memref<128x128xbf16, #tpu.memory_space<vmem>>, %arg11: memref<128x128xbf16, #tpu.memory_space<vmem>>, %arg12: memref<128x128xbf16, #tpu.memory_space<vmem>>, %arg13: memref<!tpu.dma_semaphore, #tpu.memory_space<semaphore_mem>>, %arg14: memref<!tpu.dma_semaphore, #tpu.memory_space<semaphore_mem>>, %arg15: memref<!tpu.dma_semaphore, #tpu.memory_space<semaphore_mem>>, %arg16: memref<!tpu.dma_semaphore, #tpu.memory_space<semaphore_mem>>, %arg17: memref<!tpu.dma_semaphore, #tpu.memory_space<semaphore_mem>>, %arg18: memref<!tpu.dma_semaphore, #tpu.memory_space<semaphore_mem>>, %arg19: memref<!tpu.dma_semaphore, #tpu.memory_space<semaphore_mem>>, %arg20: memref<!tpu.dma_semaphore, #tpu.memory_space<semaphore_mem>>, %arg21: memref<!tpu.dma_semaphore, #tpu.memory_space<semaphore_mem>>, %arg22: memref<!tpu.dma_semaphore, #tpu.memory_space<semaphore_mem>>, %arg23: memref<10240x128xbf16, #tpu.memory_space<vmem_shared>>) attributes {dimension_semantics = [#tpu.dimension_semantics<core_parallel>, #tpu.dimension_semantics<subcore_parallel>], iteration_bounds = array<i64: 2, 16>, scalar_prefetch = 0 : i64, scratch_operands = 19 : i64, tpu.core_type = #tpu.core_type<sc_vector_subcore>, window_params = [{transform_indices = #map}, {transform_indices = #map1}, {transform_indices = #map1}]} {
    %mul3A = arith.constant 16 : i32
    %mul3A_0 = arith.muli %arg0, %mul3A : i32
    %add3A = arith.addi %mul3A_0, %arg1 : i32
    %mul3A_1 = arith.constant 80 : i32
    %mul3A_2 = arith.muli %add3A, %mul3A_1 : i32
    %run_scoped3A = arith.constant 0 : i32
    "tpu.region"() ({
      %run_scoped3A_111 = tpu.sem_alloc : memref<!tpu.dma_semaphore, #tpu.memory_space<semaphore_mem>>
      %dma_start3A_112 = arith.constant 0 : i32
      %dma_start3A_113 = tpu.memref_slice %arg3[%run_scoped3A, %mul3A_2, %dma_start3A_112] : memref<2x2560x128xi32, #tpu.memory_space<hbm>> -> memref<1x80x128xi32, #tpu.memory_space<hbm>>
      %dma_start3A_114 = tpu.memref_squeeze %dma_start3A_113 : memref<1x80x128xi32, #tpu.memory_space<hbm>> -> memref<80x128xi32, #tpu.memory_space<hbm>>
      %dma_start3A_115 = arith.constant 0 : i32
      %dma_start3A_116 = tpu.memref_slice %arg3[%run_scoped3A, %mul3A_2, %dma_start3A_115] : memref<2x2560x128xi32, #tpu.memory_space<hbm>> -> memref<1x80x128xi32, #tpu.memory_space<hbm>>
      %dma_start3A_117 = tpu.memref_squeeze %dma_start3A_116 : memref<1x80x128xi32, #tpu.memory_space<hbm>> -> memref<80x128xi32, #tpu.memory_space<hbm>>
      tpu.enqueue_dma source(%dma_start3A_117 : memref<80x128xi32, #tpu.memory_space<hbm>>) target(%arg5 : memref<80x128xi32, #tpu.memory_space<vmem>>) target_semaphore(%run_scoped3A_111 : memref<!tpu.dma_semaphore, #tpu.memory_space<semaphore_mem>>)
      %dma_wait3A_118 = arith.constant 0 : i32
      %dma_wait3A_119 = tpu.memref_slice %arg3[%run_scoped3A, %mul3A_2, %dma_wait3A_118] : memref<2x2560x128xi32, #tpu.memory_space<hbm>> -> memref<1x80x128xi32, #tpu.memory_space<hbm>>
      %dma_wait3A_120 = tpu.memref_squeeze %dma_wait3A_119 : memref<1x80x128xi32, #tpu.memory_space<hbm>> -> memref<80x128xi32, #tpu.memory_space<hbm>>
      %dma_wait3A_121 = arith.constant 0 : i32
      %dma_wait3A_122 = tpu.memref_slice %arg3[%run_scoped3A, %mul3A_2, %dma_wait3A_121] : memref<2x2560x128xi32, #tpu.memory_space<hbm>> -> memref<1x80x128xi32, #tpu.memory_space<hbm>>
      %dma_wait3A_123 = tpu.memref_squeeze %dma_wait3A_122 : memref<1x80x128xi32, #tpu.memory_space<hbm>> -> memref<80x128xi32, #tpu.memory_space<hbm>>
      tpu.wait_dma2 semaphore(%run_scoped3A_111 : memref<!tpu.dma_semaphore, #tpu.memory_space<semaphore_mem>>) src(%dma_wait3A_123 : memref<80x128xi32, #tpu.memory_space<hbm>>) dst(%arg5 : memref<80x128xi32, #tpu.memory_space<vmem>>)
      tpu.yield
    }) : () -> ()
    %mul3A_3 = arith.constant 80 : i32
    %mul3A_4 = arith.muli %add3A, %mul3A_3 : i32
    %run_scoped3A_5 = arith.constant 1 : i32
    "tpu.region"() ({
      %run_scoped3A_111 = tpu.sem_alloc : memref<!tpu.dma_semaphore, #tpu.memory_space<semaphore_mem>>
      %dma_start3A_112 = arith.constant 0 : i32
      %dma_start3A_113 = tpu.memref_slice %arg3[%run_scoped3A_5, %mul3A_4, %dma_start3A_112] : memref<2x2560x128xi32, #tpu.memory_space<hbm>> -> memref<1x80x128xi32, #tpu.memory_space<hbm>>
      %dma_start3A_114 = tpu.memref_squeeze %dma_start3A_113 : memref<1x80x128xi32, #tpu.memory_space<hbm>> -> memref<80x128xi32, #tpu.memory_space<hbm>>
      %dma_start3A_115 = arith.constant 0 : i32
      %dma_start3A_116 = tpu.memref_slice %arg3[%run_scoped3A_5, %mul3A_4, %dma_start3A_115] : memref<2x2560x128xi32, #tpu.memory_space<hbm>> -> memref<1x80x128xi32, #tpu.memory_space<hbm>>
      %dma_start3A_117 = tpu.memref_squeeze %dma_start3A_116 : memref<1x80x128xi32, #tpu.memory_space<hbm>> -> memref<80x128xi32, #tpu.memory_space<hbm>>
      tpu.enqueue_dma source(%dma_start3A_117 : memref<80x128xi32, #tpu.memory_space<hbm>>) target(%arg6 : memref<80x128xi32, #tpu.memory_space<vmem>>) target_semaphore(%run_scoped3A_111 : memref<!tpu.dma_semaphore, #tpu.memory_space<semaphore_mem>>)
      %dma_wait3A_118 = arith.constant 0 : i32
      %dma_wait3A_119 = tpu.memref_slice %arg3[%run_scoped3A_5, %mul3A_4, %dma_wait3A_118] : memref<2x2560x128xi32, #tpu.memory_space<hbm>> -> memref<1x80x128xi32, #tpu.memory_space<hbm>>
      %dma_wait3A_120 = tpu.memref_squeeze %dma_wait3A_119 : memref<1x80x128xi32, #tpu.memory_space<hbm>> -> memref<80x128xi32, #tpu.memory_space<hbm>>
      %dma_wait3A_121 = arith.constant 0 : i32
      %dma_wait3A_122 = tpu.memref_slice %arg3[%run_scoped3A_5, %mul3A_4, %dma_wait3A_121] : memref<2x2560x128xi32, #tpu.memory_space<hbm>> -> memref<1x80x128xi32, #tpu.memory_space<hbm>>
      %dma_wait3A_123 = tpu.memref_squeeze %dma_wait3A_122 : memref<1x80x128xi32, #tpu.memory_space<hbm>> -> memref<80x128xi32, #tpu.memory_space<hbm>>
      tpu.wait_dma2 semaphore(%run_scoped3A_111 : memref<!tpu.dma_semaphore, #tpu.memory_space<semaphore_mem>>) src(%dma_wait3A_123 : memref<80x128xi32, #tpu.memory_space<hbm>>) dst(%arg6 : memref<80x128xi32, #tpu.memory_space<vmem>>)
      tpu.yield
    }) : () -> ()
    %broadcast_in_dim3A = arith.constant 0.000000e+00 : bf16
    %broadcast_in_dim3A_6 = vector.broadcast %broadcast_in_dim3A : bf16 to vector<32xbf16>
    %scan3A = arith.constant 0 : i32
    %scan3A_7 = arith.constant 0 : i32
    %scan3A_8 = arith.constant 128 : i32
    %scan3A_9 = arith.addi %scan3A_7, %scan3A_8 : i32
    %scan3A_10 = arith.constant 1 : i32
    scf.for %scan3A_111 = %scan3A_7 to %scan3A_9 step %scan3A_10  : i32 {
      %swap3A = arith.index_cast %scan3A_111 : i32 to index
      %swap3A_112 = arith.constant 0 : index
      %swap3A_113 = tpu.vector_load %arg7[%swap3A, %swap3A_112] {strides = array<i32>} : memref<128x128xbf16, #tpu.memory_space<vmem>>, vector<32xbf16>,
      tpu.vector_store %arg7[%swap3A, %swap3A_112], %broadcast_in_dim3A_6 {strides = array<i32>} : memref<128x128xbf16, #tpu.memory_space<vmem>>, vector<32xbf16>,
      %swap3A_114 = arith.index_cast %scan3A_111 : i32 to index
      %swap3A_115 = arith.constant 32 : index
      %swap3A_116 = tpu.vector_load %arg7[%swap3A_114, %swap3A_115] {strides = array<i32>} : memref<128x128xbf16, #tpu.memory_space<vmem>>, vector<32xbf16>,
      tpu.vector_store %arg7[%swap3A_114, %swap3A_115], %broadcast_in_dim3A_6 {strides = array<i32>} : memref<128x128xbf16, #tpu.memory_space<vmem>>, vector<32xbf16>,
      %swap3A_117 = arith.index_cast %scan3A_111 : i32 to index
      %swap3A_118 = arith.constant 64 : index
      %swap3A_119 = tpu.vector_load %arg7[%swap3A_117, %swap3A_118] {strides = array<i32>} : memref<128x128xbf16, #tpu.memory_space<vmem>>, vector<32xbf16>,
      tpu.vector_store %arg7[%swap3A_117, %swap3A_118], %broadcast_in_dim3A_6 {strides = array<i32>} : memref<128x128xbf16, #tpu.memory_space<vmem>>, vector<32xbf16>,
      %swap3A_120 = arith.index_cast %scan3A_111 : i32 to index
      %swap3A_121 = arith.constant 96 : index
      %swap3A_122 = tpu.vector_load %arg7[%swap3A_120, %swap3A_121] {strides = array<i32>} : memref<128x128xbf16, #tpu.memory_space<vmem>>, vector<32xbf16>,
      tpu.vector_store %arg7[%swap3A_120, %swap3A_121], %broadcast_in_dim3A_6 {strides = array<i32>} : memref<128x128xbf16, #tpu.memory_space<vmem>>, vector<32xbf16>,
    }
    %scan3A_11 = arith.constant 128 : i32
    %mul3A_12 = arith.constant 640 : i32
    %mul3A_13 = arith.muli %arg1, %mul3A_12 : i32
    %add3A_14 = arith.constant 0 : i32
    %add3A_15 = arith.addi %mul3A_13, %add3A_14 : i32
    "tpu.region"() ({
      %run_scoped3A_111 = tpu.sem_alloc : memref<!tpu.dma_semaphore, #tpu.memory_space<semaphore_mem>>
      %dma_start3A_112 = arith.constant 0 : i32
      %dma_start3A_113 = tpu.memref_slice %arg23[%add3A_15, %dma_start3A_112] : memref<10240x128xbf16, #tpu.memory_space<vmem_shared>> -> memref<128x128xbf16, #tpu.memory_space<vmem_shared>>
      %dma_start3A_114 = arith.constant 0 : i32
      %dma_start3A_115 = tpu.memref_slice %arg23[%add3A_15, %dma_start3A_114] : memref<10240x128xbf16, #tpu.memory_space<vmem_shared>> -> memref<128x128xbf16, #tpu.memory_space<vmem_shared>>
      tpu.enqueue_dma source(%arg7 : memref<128x128xbf16, #tpu.memory_space<vmem>>) target(%dma_start3A_115 : memref<128x128xbf16, #tpu.memory_space<vmem_shared>>) target_semaphore(%run_scoped3A_111 : memref<!tpu.dma_semaphore, #tpu.memory_space<semaphore_mem>>)
      %dma_wait3A_116 = arith.constant 0 : i32
      %dma_wait3A_117 = tpu.memref_slice %arg23[%add3A_15, %dma_wait3A_116] : memref<10240x128xbf16, #tpu.memory_space<vmem_shared>> -> memref<128x128xbf16, #tpu.memory_space<vmem_shared>>
      %dma_wait3A_118 = arith.constant 0 : i32
      %dma_wait3A_119 = tpu.memref_slice %arg23[%add3A_15, %dma_wait3A_118] : memref<10240x128xbf16, #tpu.memory_space<vmem_shared>> -> memref<128x128xbf16, #tpu.memory_space<vmem_shared>>
      tpu.wait_dma2 semaphore(%run_scoped3A_111 : memref<!tpu.dma_semaphore, #tpu.memory_space<semaphore_mem>>) src(%arg7 : memref<128x128xbf16, #tpu.memory_space<vmem>>) dst(%dma_wait3A_119 : memref<128x128xbf16, #tpu.memory_space<vmem_shared>>)
      tpu.yield
    }) : () -> ()
    %mul3A_16 = arith.constant 640 : i32
    %mul3A_17 = arith.muli %arg1, %mul3A_16 : i32
    %add3A_18 = arith.constant 128 : i32
    %add3A_19 = arith.addi %mul3A_17, %add3A_18 : i32
    "tpu.region"() ({
      %run_scoped3A_111 = tpu.sem_alloc : memref<!tpu.dma_semaphore, #tpu.memory_space<semaphore_mem>>
      %dma_start3A_112 = arith.constant 0 : i32
      %dma_start3A_113 = tpu.memref_slice %arg23[%add3A_19, %dma_start3A_112] : memref<10240x128xbf16, #tpu.memory_space<vmem_shared>> -> memref<128x128xbf16, #tpu.memory_space<vmem_shared>>
      %dma_start3A_114 = arith.constant 0 : i32
      %dma_start3A_115 = tpu.memref_slice %arg23[%add3A_19, %dma_start3A_114] : memref<10240x128xbf16, #tpu.memory_space<vmem_shared>> -> memref<128x128xbf16, #tpu.memory_space<vmem_shared>>
      tpu.enqueue_dma source(%arg7 : memref<128x128xbf16, #tpu.memory_space<vmem>>) target(%dma_start3A_115 : memref<128x128xbf16, #tpu.memory_space<vmem_shared>>) target_semaphore(%run_scoped3A_111 : memref<!tpu.dma_semaphore, #tpu.memory_space<semaphore_mem>>)
      %dma_wait3A_116 = arith.constant 0 : i32
      %dma_wait3A_117 = tpu.memref_slice %arg23[%add3A_19, %dma_wait3A_116] : memref<10240x128xbf16, #tpu.memory_space<vmem_shared>> -> memref<128x128xbf16, #tpu.memory_space<vmem_shared>>
      %dma_wait3A_118 = arith.constant 0 : i32
      %dma_wait3A_119 = tpu.memref_slice %arg23[%add3A_19, %dma_wait3A_118] : memref<10240x128xbf16, #tpu.memory_space<vmem_shared>> -> memref<128x128xbf16, #tpu.memory_space<vmem_shared>>
      tpu.wait_dma2 semaphore(%run_scoped3A_111 : memref<!tpu.dma_semaphore, #tpu.memory_space<semaphore_mem>>) src(%arg7 : memref<128x128xbf16, #tpu.memory_space<vmem>>) dst(%dma_wait3A_119 : memref<128x128xbf16, #tpu.memory_space<vmem_shared>>)
      tpu.yield
    }) : () -> ()
    %mul3A_20 = arith.constant 640 : i32
    %mul3A_21 = arith.muli %arg1, %mul3A_20 : i32
    %add3A_22 = arith.constant 256 : i32
    %add3A_23 = arith.addi %mul3A_21, %add3A_22 : i32
    "tpu.region"() ({
      %run_scoped3A_111 = tpu.sem_alloc : memref<!tpu.dma_semaphore, #tpu.memory_space<semaphore_mem>>
      %dma_start3A_112 = arith.constant 0 : i32
      %dma_start3A_113 = tpu.memref_slice %arg23[%add3A_23, %dma_start3A_112] : memref<10240x128xbf16, #tpu.memory_space<vmem_shared>> -> memref<128x128xbf16, #tpu.memory_space<vmem_shared>>
      %dma_start3A_114 = arith.constant 0 : i32
      %dma_start3A_115 = tpu.memref_slice %arg23[%add3A_23, %dma_start3A_114] : memref<10240x128xbf16, #tpu.memory_space<vmem_shared>> -> memref<128x128xbf16, #tpu.memory_space<vmem_shared>>
      tpu.enqueue_dma source(%arg7 : memref<128x128xbf16, #tpu.memory_space<vmem>>) target(%dma_start3A_115 : memref<128x128xbf16, #tpu.memory_space<vmem_shared>>) target_semaphore(%run_scoped3A_111 : memref<!tpu.dma_semaphore, #tpu.memory_space<semaphore_mem>>)
      %dma_wait3A_116 = arith.constant 0 : i32
      %dma_wait3A_117 = tpu.memref_slice %arg23[%add3A_23, %dma_wait3A_116] : memref<10240x128xbf16, #tpu.memory_space<vmem_shared>> -> memref<128x128xbf16, #tpu.memory_space<vmem_shared>>
      %dma_wait3A_118 = arith.constant 0 : i32
      %dma_wait3A_119 = tpu.memref_slice %arg23[%add3A_23, %dma_wait3A_118] : memref<10240x128xbf16, #tpu.memory_space<vmem_shared>> -> memref<128x128xbf16, #tpu.memory_space<vmem_shared>>
      tpu.wait_dma2 semaphore(%run_scoped3A_111 : memref<!tpu.dma_semaphore, #tpu.memory_space<semaphore_mem>>) src(%arg7 : memref<128x128xbf16, #tpu.memory_space<vmem>>) dst(%dma_wait3A_119 : memref<128x128xbf16, #tpu.memory_space<vmem_shared>>)
      tpu.yield
    }) : () -> ()
    %mul3A_24 = arith.constant 640 : i32
    %mul3A_25 = arith.muli %arg1, %mul3A_24 : i32
    %add3A_26 = arith.constant 384 : i32
    %add3A_27 = arith.addi %mul3A_25, %add3A_26 : i32
    "tpu.region"() ({
      %run_scoped3A_111 = tpu.sem_alloc : memref<!tpu.dma_semaphore, #tpu.memory_space<semaphore_mem>>
      %dma_start3A_112 = arith.constant 0 : i32
      %dma_start3A_113 = tpu.memref_slice %arg23[%add3A_27, %dma_start3A_112] : memref<10240x128xbf16, #tpu.memory_space<vmem_shared>> -> memref<128x128xbf16, #tpu.memory_space<vmem_shared>>
      %dma_start3A_114 = arith.constant 0 : i32
      %dma_start3A_115 = tpu.memref_slice %arg23[%add3A_27, %dma_start3A_114] : memref<10240x128xbf16, #tpu.memory_space<vmem_shared>> -> memref<128x128xbf16, #tpu.memory_space<vmem_shared>>
      tpu.enqueue_dma source(%arg7 : memref<128x128xbf16, #tpu.memory_space<vmem>>) target(%dma_start3A_115 : memref<128x128xbf16, #tpu.memory_space<vmem_shared>>) target_semaphore(%run_scoped3A_111 : memref<!tpu.dma_semaphore, #tpu.memory_space<semaphore_mem>>)
      %dma_wait3A_116 = arith.constant 0 : i32
      %dma_wait3A_117 = tpu.memref_slice %arg23[%add3A_27, %dma_wait3A_116] : memref<10240x128xbf16, #tpu.memory_space<vmem_shared>> -> memref<128x128xbf16, #tpu.memory_space<vmem_shared>>
      %dma_wait3A_118 = arith.constant 0 : i32
      %dma_wait3A_119 = tpu.memref_slice %arg23[%add3A_27, %dma_wait3A_118] : memref<10240x128xbf16, #tpu.memory_space<vmem_shared>> -> memref<128x128xbf16, #tpu.memory_space<vmem_shared>>
      tpu.wait_dma2 semaphore(%run_scoped3A_111 : memref<!tpu.dma_semaphore, #tpu.memory_space<semaphore_mem>>) src(%arg7 : memref<128x128xbf16, #tpu.memory_space<vmem>>) dst(%dma_wait3A_119 : memref<128x128xbf16, #tpu.memory_space<vmem_shared>>)
      tpu.yield
    }) : () -> ()
    %mul3A_28 = arith.constant 640 : i32
    %mul3A_29 = arith.muli %arg1, %mul3A_28 : i32
    %add3A_30 = arith.constant 512 : i32
    %add3A_31 = arith.addi %mul3A_29, %add3A_30 : i32
    "tpu.region"() ({
      %run_scoped3A_111 = tpu.sem_alloc : memref<!tpu.dma_semaphore, #tpu.memory_space<semaphore_mem>>
      %dma_start3A_112 = arith.constant 0 : i32
      %dma_start3A_113 = tpu.memref_slice %arg23[%add3A_31, %dma_start3A_112] : memref<10240x128xbf16, #tpu.memory_space<vmem_shared>> -> memref<128x128xbf16, #tpu.memory_space<vmem_shared>>
      %dma_start3A_114 = arith.constant 0 : i32
      %dma_start3A_115 = tpu.memref_slice %arg23[%add3A_31, %dma_start3A_114] : memref<10240x128xbf16, #tpu.memory_space<vmem_shared>> -> memref<128x128xbf16, #tpu.memory_space<vmem_shared>>
      tpu.enqueue_dma source(%arg7 : memref<128x128xbf16, #tpu.memory_space<vmem>>) target(%dma_start3A_115 : memref<128x128xbf16, #tpu.memory_space<vmem_shared>>) target_semaphore(%run_scoped3A_111 : memref<!tpu.dma_semaphore, #tpu.memory_space<semaphore_mem>>)
      %dma_wait3A_116 = arith.constant 0 : i32
      %dma_wait3A_117 = tpu.memref_slice %arg23[%add3A_31, %dma_wait3A_116] : memref<10240x128xbf16, #tpu.memory_space<vmem_shared>> -> memref<128x128xbf16, #tpu.memory_space<vmem_shared>>
      %dma_wait3A_118 = arith.constant 0 : i32
      %dma_wait3A_119 = tpu.memref_slice %arg23[%add3A_31, %dma_wait3A_118] : memref<10240x128xbf16, #tpu.memory_space<vmem_shared>> -> memref<128x128xbf16, #tpu.memory_space<vmem_shared>>
      tpu.wait_dma2 semaphore(%run_scoped3A_111 : memref<!tpu.dma_semaphore, #tpu.memory_space<semaphore_mem>>) src(%arg7 : memref<128x128xbf16, #tpu.memory_space<vmem>>) dst(%dma_wait3A_119 : memref<128x128xbf16, #tpu.memory_space<vmem_shared>>)
      tpu.yield
    }) : () -> ()
    %barrier3A = arith.constant 0 : index
    tpu.barrier barrier_id(%barrier3A)
    %dma_start3A = arith.constant 0 : i32
    %dma_start3A_32 = arith.constant 0 : i32
    %dma_start3A_33 = tpu.memref_slice %arg5[%dma_start3A, %dma_start3A_32] : memref<80x128xi32, #tpu.memory_space<vmem>> -> memref<1x128xi32, #tpu.memory_space<vmem>>
    %dma_start3A_34 = tpu.memref_squeeze %dma_start3A_33 : memref<1x128xi32, #tpu.memory_space<vmem>> -> memref<128xi32, #tpu.memory_space<vmem>>
    %dma_start3A_35 = arith.constant 0 : i32
    %dma_start3A_36 = arith.constant 0 : i32
    %dma_start3A_37 = tpu.memref_slice %arg2[%dma_start3A_35, %dma_start3A_36] : memref<10000x128xbf16, #tpu.memory_space<hbm>> -> memref<10000x128xbf16, #tpu.memory_space<hbm>>
    tpu.enqueue_indirect_dma source(%dma_start3A_37 : memref<10000x128xbf16, #tpu.memory_space<hbm>>) target(%arg8 : memref<128x128xbf16, #tpu.memory_space<vmem>>) offsets(%dma_start3A_34 : memref<128xi32, #tpu.memory_space<vmem>>) semaphore(%arg13 : memref<!tpu.dma_semaphore, #tpu.memory_space<semaphore_mem>>)
    %dma_start3A_38 = arith.constant 1 : i32
    %dma_start3A_39 = arith.constant 0 : i32
    %dma_start3A_40 = tpu.memref_slice %arg5[%dma_start3A_38, %dma_start3A_39] : memref<80x128xi32, #tpu.memory_space<vmem>> -> memref<1x128xi32, #tpu.memory_space<vmem>>
    %dma_start3A_41 = tpu.memref_squeeze %dma_start3A_40 : memref<1x128xi32, #tpu.memory_space<vmem>> -> memref<128xi32, #tpu.memory_space<vmem>>
    %dma_start3A_42 = arith.constant 0 : i32
    %dma_start3A_43 = arith.constant 0 : i32
    %dma_start3A_44 = tpu.memref_slice %arg2[%dma_start3A_42, %dma_start3A_43] : memref<10000x128xbf16, #tpu.memory_space<hbm>> -> memref<10000x128xbf16, #tpu.memory_space<hbm>>
    tpu.enqueue_indirect_dma source(%dma_start3A_44 : memref<10000x128xbf16, #tpu.memory_space<hbm>>) target(%arg9 : memref<128x128xbf16, #tpu.memory_space<vmem>>) offsets(%dma_start3A_41 : memref<128xi32, #tpu.memory_space<vmem>>) semaphore(%arg14 : memref<!tpu.dma_semaphore, #tpu.memory_space<semaphore_mem>>)
    %dma_start3A_45 = arith.constant 2 : i32
    %dma_start3A_46 = arith.constant 0 : i32
    %dma_start3A_47 = tpu.memref_slice %arg5[%dma_start3A_45, %dma_start3A_46] : memref<80x128xi32, #tpu.memory_space<vmem>> -> memref<1x128xi32, #tpu.memory_space<vmem>>
    %dma_start3A_48 = tpu.memref_squeeze %dma_start3A_47 : memref<1x128xi32, #tpu.memory_space<vmem>> -> memref<128xi32, #tpu.memory_space<vmem>>
    %dma_start3A_49 = arith.constant 0 : i32
    %dma_start3A_50 = arith.constant 0 : i32
    %dma_start3A_51 = tpu.memref_slice %arg2[%dma_start3A_49, %dma_start3A_50] : memref<10000x128xbf16, #tpu.memory_space<hbm>> -> memref<10000x128xbf16, #tpu.memory_space<hbm>>
    tpu.enqueue_indirect_dma source(%dma_start3A_51 : memref<10000x128xbf16, #tpu.memory_space<hbm>>) target(%arg10 : memref<128x128xbf16, #tpu.memory_space<vmem>>) offsets(%dma_start3A_48 : memref<128xi32, #tpu.memory_space<vmem>>) semaphore(%arg15 : memref<!tpu.dma_semaphore, #tpu.memory_space<semaphore_mem>>)
    %dma_start3A_52 = arith.constant 3 : i32
    %dma_start3A_53 = arith.constant 0 : i32
    %dma_start3A_54 = tpu.memref_slice %arg5[%dma_start3A_52, %dma_start3A_53] : memref<80x128xi32, #tpu.memory_space<vmem>> -> memref<1x128xi32, #tpu.memory_space<vmem>>
    %dma_start3A_55 = tpu.memref_squeeze %dma_start3A_54 : memref<1x128xi32, #tpu.memory_space<vmem>> -> memref<128xi32, #tpu.memory_space<vmem>>
    %dma_start3A_56 = arith.constant 0 : i32
    %dma_start3A_57 = arith.constant 0 : i32
    %dma_start3A_58 = tpu.memref_slice %arg2[%dma_start3A_56, %dma_start3A_57] : memref<10000x128xbf16, #tpu.memory_space<hbm>> -> memref<10000x128xbf16, #tpu.memory_space<hbm>>
    tpu.enqueue_indirect_dma source(%dma_start3A_58 : memref<10000x128xbf16, #tpu.memory_space<hbm>>) target(%arg11 : memref<128x128xbf16, #tpu.memory_space<vmem>>) offsets(%dma_start3A_55 : memref<128xi32, #tpu.memory_space<vmem>>) semaphore(%arg16 : memref<!tpu.dma_semaphore, #tpu.memory_space<semaphore_mem>>)
    %dma_start3A_59 = arith.constant 4 : i32
    %dma_start3A_60 = arith.constant 0 : i32
    %dma_start3A_61 = tpu.memref_slice %arg5[%dma_start3A_59, %dma_start3A_60] : memref<80x128xi32, #tpu.memory_space<vmem>> -> memref<1x128xi32, #tpu.memory_space<vmem>>
    %dma_start3A_62 = tpu.memref_squeeze %dma_start3A_61 : memref<1x128xi32, #tpu.memory_space<vmem>> -> memref<128xi32, #tpu.memory_space<vmem>>
    %dma_start3A_63 = arith.constant 0 : i32
    %dma_start3A_64 = arith.constant 0 : i32
    %dma_start3A_65 = tpu.memref_slice %arg2[%dma_start3A_63, %dma_start3A_64] : memref<10000x128xbf16, #tpu.memory_space<hbm>> -> memref<10000x128xbf16, #tpu.memory_space<hbm>>
    tpu.enqueue_indirect_dma source(%dma_start3A_65 : memref<10000x128xbf16, #tpu.memory_space<hbm>>) target(%arg12 : memref<128x128xbf16, #tpu.memory_space<vmem>>) offsets(%dma_start3A_62 : memref<128xi32, #tpu.memory_space<vmem>>) semaphore(%arg17 : memref<!tpu.dma_semaphore, #tpu.memory_space<semaphore_mem>>)
    %scan3A_66 = arith.constant 0 : i32
    %scan3A_67 = arith.constant 0 : i32
    %scan3A_68 = arith.constant 16 : i32
    %scan3A_69 = arith.addi %scan3A_67, %scan3A_68 : i32
    %scan3A_70 = arith.constant 1 : i32
    scf.for %scan3A_111 = %scan3A_67 to %scan3A_69 step %scan3A_70  : i32 {
      %mul3A_112 = arith.constant 5 : i32
      %mul3A_113 = arith.muli %scan3A_111, %mul3A_112 : i32
      %add3A_114 = arith.constant 0 : i32
      %add3A_115 = arith.addi %mul3A_113, %add3A_114 : i32
      %dma_wait3A_116 = arith.constant 0 : i32
      %dma_wait3A_117 = tpu.memref_slice %arg5[%add3A_115, %dma_wait3A_116] : memref<80x128xi32, #tpu.memory_space<vmem>> -> memref<1x128xi32, #tpu.memory_space<vmem>>
      %dma_wait3A_118 = tpu.memref_squeeze %dma_wait3A_117 : memref<1x128xi32, #tpu.memory_space<vmem>> -> memref<128xi32, #tpu.memory_space<vmem>>
      %dma_wait3A_119 = arith.constant 0 : i32
      %dma_wait3A_120 = arith.constant 0 : i32
      %dma_wait3A_121 = tpu.memref_slice %arg2[%dma_wait3A_119, %dma_wait3A_120] : memref<10000x128xbf16, #tpu.memory_space<hbm>> -> memref<10000x128xbf16, #tpu.memory_space<hbm>>
      tpu.wait_indirect_dma semaphore(%arg13 : memref<!tpu.dma_semaphore, #tpu.memory_space<semaphore_mem>>) src(%dma_wait3A_121 : memref<10000x128xbf16, #tpu.memory_space<hbm>>) dst(%arg8 : memref<128x128xbf16, #tpu.memory_space<vmem>>)
      %dma_start3A_122 = arith.constant 0 : i32
      %dma_start3A_123 = tpu.memref_slice %arg6[%add3A_115, %dma_start3A_122] : memref<80x128xi32, #tpu.memory_space<vmem>> -> memref<1x128xi32, #tpu.memory_space<vmem>>
      %dma_start3A_124 = tpu.memref_squeeze %dma_start3A_123 : memref<1x128xi32, #tpu.memory_space<vmem>> -> memref<128xi32, #tpu.memory_space<vmem>>
      %dma_start3A_125 = arith.constant 0 : i32
      %dma_start3A_126 = arith.constant 0 : i32
      %dma_start3A_127 = tpu.memref_slice %arg23[%dma_start3A_125, %dma_start3A_126] : memref<10240x128xbf16, #tpu.memory_space<vmem_shared>> -> memref<10240x128xbf16, #tpu.memory_space<vmem_shared>>
      tpu.enqueue_indirect_dma source(%arg8 : memref<128x128xbf16, #tpu.memory_space<vmem>>) target(%dma_start3A_127 : memref<10240x128xbf16, #tpu.memory_space<vmem_shared>>) offsets(%dma_start3A_124 : memref<128xi32, #tpu.memory_space<vmem>>) semaphore(%arg18 : memref<!tpu.dma_semaphore, #tpu.memory_space<semaphore_mem>>) {add = true}
      %lt3A = arith.constant 15 : i32
      %lt3A_128 = arith.cmpi slt, %scan3A_111, %lt3A : i32
      %convert_element_type3A = arith.extui %lt3A_128 : i1 to i32
      %cond3A = arith.constant 0 : i32
      %cond3A_129 = arith.cmpi ne, %convert_element_type3A, %cond3A : i32
      scf.if %cond3A_129 {
        %dma_wait3A_214 = arith.constant 0 : i32
        %dma_wait3A_215 = tpu.memref_slice %arg6[%add3A_115, %dma_wait3A_214] : memref<80x128xi32, #tpu.memory_space<vmem>> -> memref<1x128xi32, #tpu.memory_space<vmem>>
        %dma_wait3A_216 = tpu.memref_squeeze %dma_wait3A_215 : memref<1x128xi32, #tpu.memory_space<vmem>> -> memref<128xi32, #tpu.memory_space<vmem>>
        %dma_wait3A_217 = arith.constant 0 : i32
        %dma_wait3A_218 = arith.constant 0 : i32
        %dma_wait3A_219 = tpu.memref_slice %arg23[%dma_wait3A_217, %dma_wait3A_218] : memref<10240x128xbf16, #tpu.memory_space<vmem_shared>> -> memref<10240x128xbf16, #tpu.memory_space<vmem_shared>>
        tpu.wait_indirect_dma semaphore(%arg18 : memref<!tpu.dma_semaphore, #tpu.memory_space<semaphore_mem>>) src(%arg8 : memref<128x128xbf16, #tpu.memory_space<vmem>>) dst(%dma_wait3A_219 : memref<10240x128xbf16, #tpu.memory_space<vmem_shared>>)
        %add3A_220 = arith.constant 5 : i32
        %add3A_221 = arith.addi %add3A_115, %add3A_220 : i32
        %dma_start3A_222 = arith.constant 0 : i32
        %dma_start3A_223 = tpu.memref_slice %arg5[%add3A_221, %dma_start3A_222] : memref<80x128xi32, #tpu.memory_space<vmem>> -> memref<1x128xi32, #tpu.memory_space<vmem>>
        %dma_start3A_224 = tpu.memref_squeeze %dma_start3A_223 : memref<1x128xi32, #tpu.memory_space<vmem>> -> memref<128xi32, #tpu.memory_space<vmem>>
        %dma_start3A_225 = arith.constant 0 : i32
        %dma_start3A_226 = arith.constant 0 : i32
        %dma_start3A_227 = tpu.memref_slice %arg2[%dma_start3A_225, %dma_start3A_226] : memref<10000x128xbf16, #tpu.memory_space<hbm>> -> memref<10000x128xbf16, #tpu.memory_space<hbm>>
        tpu.enqueue_indirect_dma source(%dma_start3A_227 : memref<10000x128xbf16, #tpu.memory_space<hbm>>) target(%arg8 : memref<128x128xbf16, #tpu.memory_space<vmem>>) offsets(%dma_start3A_224 : memref<128xi32, #tpu.memory_space<vmem>>) semaphore(%arg13 : memref<!tpu.dma_semaphore, #tpu.memory_space<semaphore_mem>>)
      } else {
      }
      %mul3A_130 = arith.constant 5 : i32
      %mul3A_131 = arith.muli %scan3A_111, %mul3A_130 : i32
      %add3A_132 = arith.constant 1 : i32
      %add3A_133 = arith.addi %mul3A_131, %add3A_132 : i32
      %dma_wait3A_134 = arith.constant 0 : i32
      %dma_wait3A_135 = tpu.memref_slice %arg5[%add3A_133, %dma_wait3A_134] : memref<80x128xi32, #tpu.memory_space<vmem>> -> memref<1x128xi32, #tpu.memory_space<vmem>>
      %dma_wait3A_136 = tpu.memref_squeeze %dma_wait3A_135 : memref<1x128xi32, #tpu.memory_space<vmem>> -> memref<128xi32, #tpu.memory_space<vmem>>
      %dma_wait3A_137 = arith.constant 0 : i32
      %dma_wait3A_138 = arith.constant 0 : i32
      %dma_wait3A_139 = tpu.memref_slice %arg2[%dma_wait3A_137, %dma_wait3A_138] : memref<10000x128xbf16, #tpu.memory_space<hbm>> -> memref<10000x128xbf16, #tpu.memory_space<hbm>>
      tpu.wait_indirect_dma semaphore(%arg14 : memref<!tpu.dma_semaphore, #tpu.memory_space<semaphore_mem>>) src(%dma_wait3A_139 : memref<10000x128xbf16, #tpu.memory_space<hbm>>) dst(%arg9 : memref<128x128xbf16, #tpu.memory_space<vmem>>)
      %dma_start3A_140 = arith.constant 0 : i32
      %dma_start3A_141 = tpu.memref_slice %arg6[%add3A_133, %dma_start3A_140] : memref<80x128xi32, #tpu.memory_space<vmem>> -> memref<1x128xi32, #tpu.memory_space<vmem>>
      %dma_start3A_142 = tpu.memref_squeeze %dma_start3A_141 : memref<1x128xi32, #tpu.memory_space<vmem>> -> memref<128xi32, #tpu.memory_space<vmem>>
      %dma_start3A_143 = arith.constant 0 : i32
      %dma_start3A_144 = arith.constant 0 : i32
      %dma_start3A_145 = tpu.memref_slice %arg23[%dma_start3A_143, %dma_start3A_144] : memref<10240x128xbf16, #tpu.memory_space<vmem_shared>> -> memref<10240x128xbf16, #tpu.memory_space<vmem_shared>>
      tpu.enqueue_indirect_dma source(%arg9 : memref<128x128xbf16, #tpu.memory_space<vmem>>) target(%dma_start3A_145 : memref<10240x128xbf16, #tpu.memory_space<vmem_shared>>) offsets(%dma_start3A_142 : memref<128xi32, #tpu.memory_space<vmem>>) semaphore(%arg19 : memref<!tpu.dma_semaphore, #tpu.memory_space<semaphore_mem>>) {add = true}
      %lt3A_146 = arith.constant 15 : i32
      %lt3A_147 = arith.cmpi slt, %scan3A_111, %lt3A_146 : i32
      %convert_element_type3A_148 = arith.extui %lt3A_147 : i1 to i32
      %cond3A_149 = arith.constant 0 : i32
      %cond3A_150 = arith.cmpi ne, %convert_element_type3A_148, %cond3A_149 : i32
      scf.if %cond3A_150 {
        %dma_wait3A_214 = arith.constant 0 : i32
        %dma_wait3A_215 = tpu.memref_slice %arg6[%add3A_133, %dma_wait3A_214] : memref<80x128xi32, #tpu.memory_space<vmem>> -> memref<1x128xi32, #tpu.memory_space<vmem>>
        %dma_wait3A_216 = tpu.memref_squeeze %dma_wait3A_215 : memref<1x128xi32, #tpu.memory_space<vmem>> -> memref<128xi32, #tpu.memory_space<vmem>>
        %dma_wait3A_217 = arith.constant 0 : i32
        %dma_wait3A_218 = arith.constant 0 : i32
        %dma_wait3A_219 = tpu.memref_slice %arg23[%dma_wait3A_217, %dma_wait3A_218] : memref<10240x128xbf16, #tpu.memory_space<vmem_shared>> -> memref<10240x128xbf16, #tpu.memory_space<vmem_shared>>
        tpu.wait_indirect_dma semaphore(%arg19 : memref<!tpu.dma_semaphore, #tpu.memory_space<semaphore_mem>>) src(%arg9 : memref<128x128xbf16, #tpu.memory_space<vmem>>) dst(%dma_wait3A_219 : memref<10240x128xbf16, #tpu.memory_space<vmem_shared>>)
        %add3A_220 = arith.constant 5 : i32
        %add3A_221 = arith.addi %add3A_133, %add3A_220 : i32
        %dma_start3A_222 = arith.constant 0 : i32
        %dma_start3A_223 = tpu.memref_slice %arg5[%add3A_221, %dma_start3A_222] : memref<80x128xi32, #tpu.memory_space<vmem>> -> memref<1x128xi32, #tpu.memory_space<vmem>>
        %dma_start3A_224 = tpu.memref_squeeze %dma_start3A_223 : memref<1x128xi32, #tpu.memory_space<vmem>> -> memref<128xi32, #tpu.memory_space<vmem>>
        %dma_start3A_225 = arith.constant 0 : i32
        %dma_start3A_226 = arith.constant 0 : i32
        %dma_start3A_227 = tpu.memref_slice %arg2[%dma_start3A_225, %dma_start3A_226] : memref<10000x128xbf16, #tpu.memory_space<hbm>> -> memref<10000x128xbf16, #tpu.memory_space<hbm>>
        tpu.enqueue_indirect_dma source(%dma_start3A_227 : memref<10000x128xbf16, #tpu.memory_space<hbm>>) target(%arg9 : memref<128x128xbf16, #tpu.memory_space<vmem>>) offsets(%dma_start3A_224 : memref<128xi32, #tpu.memory_space<vmem>>) semaphore(%arg14 : memref<!tpu.dma_semaphore, #tpu.memory_space<semaphore_mem>>)
      } else {
      }
      %mul3A_151 = arith.constant 5 : i32
      %mul3A_152 = arith.muli %scan3A_111, %mul3A_151 : i32
      %add3A_153 = arith.constant 2 : i32
      %add3A_154 = arith.addi %mul3A_152, %add3A_153 : i32
      %dma_wait3A_155 = arith.constant 0 : i32
      %dma_wait3A_156 = tpu.memref_slice %arg5[%add3A_154, %dma_wait3A_155] : memref<80x128xi32, #tpu.memory_space<vmem>> -> memref<1x128xi32, #tpu.memory_space<vmem>>
      %dma_wait3A_157 = tpu.memref_squeeze %dma_wait3A_156 : memref<1x128xi32, #tpu.memory_space<vmem>> -> memref<128xi32, #tpu.memory_space<vmem>>
      %dma_wait3A_158 = arith.constant 0 : i32
      %dma_wait3A_159 = arith.constant 0 : i32
      %dma_wait3A_160 = tpu.memref_slice %arg2[%dma_wait3A_158, %dma_wait3A_159] : memref<10000x128xbf16, #tpu.memory_space<hbm>> -> memref<10000x128xbf16, #tpu.memory_space<hbm>>
      tpu.wait_indirect_dma semaphore(%arg15 : memref<!tpu.dma_semaphore, #tpu.memory_space<semaphore_mem>>) src(%dma_wait3A_160 : memref<10000x128xbf16, #tpu.memory_space<hbm>>) dst(%arg10 : memref<128x128xbf16, #tpu.memory_space<vmem>>)
      %dma_start3A_161 = arith.constant 0 : i32
      %dma_start3A_162 = tpu.memref_slice %arg6[%add3A_154, %dma_start3A_161] : memref<80x128xi32, #tpu.memory_space<vmem>> -> memref<1x128xi32, #tpu.memory_space<vmem>>
      %dma_start3A_163 = tpu.memref_squeeze %dma_start3A_162 : memref<1x128xi32, #tpu.memory_space<vmem>> -> memref<128xi32, #tpu.memory_space<vmem>>
      %dma_start3A_164 = arith.constant 0 : i32
      %dma_start3A_165 = arith.constant 0 : i32
      %dma_start3A_166 = tpu.memref_slice %arg23[%dma_start3A_164, %dma_start3A_165] : memref<10240x128xbf16, #tpu.memory_space<vmem_shared>> -> memref<10240x128xbf16, #tpu.memory_space<vmem_shared>>
      tpu.enqueue_indirect_dma source(%arg10 : memref<128x128xbf16, #tpu.memory_space<vmem>>) target(%dma_start3A_166 : memref<10240x128xbf16, #tpu.memory_space<vmem_shared>>) offsets(%dma_start3A_163 : memref<128xi32, #tpu.memory_space<vmem>>) semaphore(%arg20 : memref<!tpu.dma_semaphore, #tpu.memory_space<semaphore_mem>>) {add = true}
      %lt3A_167 = arith.constant 15 : i32
      %lt3A_168 = arith.cmpi slt, %scan3A_111, %lt3A_167 : i32
      %convert_element_type3A_169 = arith.extui %lt3A_168 : i1 to i32
      %cond3A_170 = arith.constant 0 : i32
      %cond3A_171 = arith.cmpi ne, %convert_element_type3A_169, %cond3A_170 : i32
      scf.if %cond3A_171 {
        %dma_wait3A_214 = arith.constant 0 : i32
        %dma_wait3A_215 = tpu.memref_slice %arg6[%add3A_154, %dma_wait3A_214] : memref<80x128xi32, #tpu.memory_space<vmem>> -> memref<1x128xi32, #tpu.memory_space<vmem>>
        %dma_wait3A_216 = tpu.memref_squeeze %dma_wait3A_215 : memref<1x128xi32, #tpu.memory_space<vmem>> -> memref<128xi32, #tpu.memory_space<vmem>>
        %dma_wait3A_217 = arith.constant 0 : i32
        %dma_wait3A_218 = arith.constant 0 : i32
        %dma_wait3A_219 = tpu.memref_slice %arg23[%dma_wait3A_217, %dma_wait3A_218] : memref<10240x128xbf16, #tpu.memory_space<vmem_shared>> -> memref<10240x128xbf16, #tpu.memory_space<vmem_shared>>
        tpu.wait_indirect_dma semaphore(%arg20 : memref<!tpu.dma_semaphore, #tpu.memory_space<semaphore_mem>>) src(%arg10 : memref<128x128xbf16, #tpu.memory_space<vmem>>) dst(%dma_wait3A_219 : memref<10240x128xbf16, #tpu.memory_space<vmem_shared>>)
        %add3A_220 = arith.constant 5 : i32
        %add3A_221 = arith.addi %add3A_154, %add3A_220 : i32
        %dma_start3A_222 = arith.constant 0 : i32
        %dma_start3A_223 = tpu.memref_slice %arg5[%add3A_221, %dma_start3A_222] : memref<80x128xi32, #tpu.memory_space<vmem>> -> memref<1x128xi32, #tpu.memory_space<vmem>>
        %dma_start3A_224 = tpu.memref_squeeze %dma_start3A_223 : memref<1x128xi32, #tpu.memory_space<vmem>> -> memref<128xi32, #tpu.memory_space<vmem>>
        %dma_start3A_225 = arith.constant 0 : i32
        %dma_start3A_226 = arith.constant 0 : i32
        %dma_start3A_227 = tpu.memref_slice %arg2[%dma_start3A_225, %dma_start3A_226] : memref<10000x128xbf16, #tpu.memory_space<hbm>> -> memref<10000x128xbf16, #tpu.memory_space<hbm>>
        tpu.enqueue_indirect_dma source(%dma_start3A_227 : memref<10000x128xbf16, #tpu.memory_space<hbm>>) target(%arg10 : memref<128x128xbf16, #tpu.memory_space<vmem>>) offsets(%dma_start3A_224 : memref<128xi32, #tpu.memory_space<vmem>>) semaphore(%arg15 : memref<!tpu.dma_semaphore, #tpu.memory_space<semaphore_mem>>)
      } else {
      }
      %mul3A_172 = arith.constant 5 : i32
      %mul3A_173 = arith.muli %scan3A_111, %mul3A_172 : i32
      %add3A_174 = arith.constant 3 : i32
      %add3A_175 = arith.addi %mul3A_173, %add3A_174 : i32
      %dma_wait3A_176 = arith.constant 0 : i32
      %dma_wait3A_177 = tpu.memref_slice %arg5[%add3A_175, %dma_wait3A_176] : memref<80x128xi32, #tpu.memory_space<vmem>> -> memref<1x128xi32, #tpu.memory_space<vmem>>
      %dma_wait3A_178 = tpu.memref_squeeze %dma_wait3A_177 : memref<1x128xi32, #tpu.memory_space<vmem>> -> memref<128xi32, #tpu.memory_space<vmem>>
      %dma_wait3A_179 = arith.constant 0 : i32
      %dma_wait3A_180 = arith.constant 0 : i32
      %dma_wait3A_181 = tpu.memref_slice %arg2[%dma_wait3A_179, %dma_wait3A_180] : memref<10000x128xbf16, #tpu.memory_space<hbm>> -> memref<10000x128xbf16, #tpu.memory_space<hbm>>
      tpu.wait_indirect_dma semaphore(%arg16 : memref<!tpu.dma_semaphore, #tpu.memory_space<semaphore_mem>>) src(%dma_wait3A_181 : memref<10000x128xbf16, #tpu.memory_space<hbm>>) dst(%arg11 : memref<128x128xbf16, #tpu.memory_space<vmem>>)
      %dma_start3A_182 = arith.constant 0 : i32
      %dma_start3A_183 = tpu.memref_slice %arg6[%add3A_175, %dma_start3A_182] : memref<80x128xi32, #tpu.memory_space<vmem>> -> memref<1x128xi32, #tpu.memory_space<vmem>>
      %dma_start3A_184 = tpu.memref_squeeze %dma_start3A_183 : memref<1x128xi32, #tpu.memory_space<vmem>> -> memref<128xi32, #tpu.memory_space<vmem>>
      %dma_start3A_185 = arith.constant 0 : i32
      %dma_start3A_186 = arith.constant 0 : i32
      %dma_start3A_187 = tpu.memref_slice %arg23[%dma_start3A_185, %dma_start3A_186] : memref<10240x128xbf16, #tpu.memory_space<vmem_shared>> -> memref<10240x128xbf16, #tpu.memory_space<vmem_shared>>
      tpu.enqueue_indirect_dma source(%arg11 : memref<128x128xbf16, #tpu.memory_space<vmem>>) target(%dma_start3A_187 : memref<10240x128xbf16, #tpu.memory_space<vmem_shared>>) offsets(%dma_start3A_184 : memref<128xi32, #tpu.memory_space<vmem>>) semaphore(%arg21 : memref<!tpu.dma_semaphore, #tpu.memory_space<semaphore_mem>>) {add = true}
      %lt3A_188 = arith.constant 15 : i32
      %lt3A_189 = arith.cmpi slt, %scan3A_111, %lt3A_188 : i32
      %convert_element_type3A_190 = arith.extui %lt3A_189 : i1 to i32
      %cond3A_191 = arith.constant 0 : i32
      %cond3A_192 = arith.cmpi ne, %convert_element_type3A_190, %cond3A_191 : i32
      scf.if %cond3A_192 {
        %dma_wait3A_214 = arith.constant 0 : i32
        %dma_wait3A_215 = tpu.memref_slice %arg6[%add3A_175, %dma_wait3A_214] : memref<80x128xi32, #tpu.memory_space<vmem>> -> memref<1x128xi32, #tpu.memory_space<vmem>>
        %dma_wait3A_216 = tpu.memref_squeeze %dma_wait3A_215 : memref<1x128xi32, #tpu.memory_space<vmem>> -> memref<128xi32, #tpu.memory_space<vmem>>
        %dma_wait3A_217 = arith.constant 0 : i32
        %dma_wait3A_218 = arith.constant 0 : i32
        %dma_wait3A_219 = tpu.memref_slice %arg23[%dma_wait3A_217, %dma_wait3A_218] : memref<10240x128xbf16, #tpu.memory_space<vmem_shared>> -> memref<10240x128xbf16, #tpu.memory_space<vmem_shared>>
        tpu.wait_indirect_dma semaphore(%arg21 : memref<!tpu.dma_semaphore, #tpu.memory_space<semaphore_mem>>) src(%arg11 : memref<128x128xbf16, #tpu.memory_space<vmem>>) dst(%dma_wait3A_219 : memref<10240x128xbf16, #tpu.memory_space<vmem_shared>>)
        %add3A_220 = arith.constant 5 : i32
        %add3A_221 = arith.addi %add3A_175, %add3A_220 : i32
        %dma_start3A_222 = arith.constant 0 : i32
        %dma_start3A_223 = tpu.memref_slice %arg5[%add3A_221, %dma_start3A_222] : memref<80x128xi32, #tpu.memory_space<vmem>> -> memref<1x128xi32, #tpu.memory_space<vmem>>
        %dma_start3A_224 = tpu.memref_squeeze %dma_start3A_223 : memref<1x128xi32, #tpu.memory_space<vmem>> -> memref<128xi32, #tpu.memory_space<vmem>>
        %dma_start3A_225 = arith.constant 0 : i32
        %dma_start3A_226 = arith.constant 0 : i32
        %dma_start3A_227 = tpu.memref_slice %arg2[%dma_start3A_225, %dma_start3A_226] : memref<10000x128xbf16, #tpu.memory_space<hbm>> -> memref<10000x128xbf16, #tpu.memory_space<hbm>>
        tpu.enqueue_indirect_dma source(%dma_start3A_227 : memref<10000x128xbf16, #tpu.memory_space<hbm>>) target(%arg11 : memref<128x128xbf16, #tpu.memory_space<vmem>>) offsets(%dma_start3A_224 : memref<128xi32, #tpu.memory_space<vmem>>) semaphore(%arg16 : memref<!tpu.dma_semaphore, #tpu.memory_space<semaphore_mem>>)
      } else {
      }
      %mul3A_193 = arith.constant 5 : i32
      %mul3A_194 = arith.muli %scan3A_111, %mul3A_193 : i32
      %add3A_195 = arith.constant 4 : i32
      %add3A_196 = arith.addi %mul3A_194, %add3A_195 : i32
      %dma_wait3A_197 = arith.constant 0 : i32
      %dma_wait3A_198 = tpu.memref_slice %arg5[%add3A_196, %dma_wait3A_197] : memref<80x128xi32, #tpu.memory_space<vmem>> -> memref<1x128xi32, #tpu.memory_space<vmem>>
      %dma_wait3A_199 = tpu.memref_squeeze %dma_wait3A_198 : memref<1x128xi32, #tpu.memory_space<vmem>> -> memref<128xi32, #tpu.memory_space<vmem>>
      %dma_wait3A_200 = arith.constant 0 : i32
      %dma_wait3A_201 = arith.constant 0 : i32
      %dma_wait3A_202 = tpu.memref_slice %arg2[%dma_wait3A_200, %dma_wait3A_201] : memref<10000x128xbf16, #tpu.memory_space<hbm>> -> memref<10000x128xbf16, #tpu.memory_space<hbm>>
      tpu.wait_indirect_dma semaphore(%arg17 : memref<!tpu.dma_semaphore, #tpu.memory_space<semaphore_mem>>) src(%dma_wait3A_202 : memref<10000x128xbf16, #tpu.memory_space<hbm>>) dst(%arg12 : memref<128x128xbf16, #tpu.memory_space<vmem>>)
      %dma_start3A_203 = arith.constant 0 : i32
      %dma_start3A_204 = tpu.memref_slice %arg6[%add3A_196, %dma_start3A_203] : memref<80x128xi32, #tpu.memory_space<vmem>> -> memref<1x128xi32, #tpu.memory_space<vmem>>
      %dma_start3A_205 = tpu.memref_squeeze %dma_start3A_204 : memref<1x128xi32, #tpu.memory_space<vmem>> -> memref<128xi32, #tpu.memory_space<vmem>>
      %dma_start3A_206 = arith.constant 0 : i32
      %dma_start3A_207 = arith.constant 0 : i32
      %dma_start3A_208 = tpu.memref_slice %arg23[%dma_start3A_206, %dma_start3A_207] : memref<10240x128xbf16, #tpu.memory_space<vmem_shared>> -> memref<10240x128xbf16, #tpu.memory_space<vmem_shared>>
      tpu.enqueue_indirect_dma source(%arg12 : memref<128x128xbf16, #tpu.memory_space<vmem>>) target(%dma_start3A_208 : memref<10240x128xbf16, #tpu.memory_space<vmem_shared>>) offsets(%dma_start3A_205 : memref<128xi32, #tpu.memory_space<vmem>>) semaphore(%arg22 : memref<!tpu.dma_semaphore, #tpu.memory_space<semaphore_mem>>) {add = true}
      %lt3A_209 = arith.constant 15 : i32
      %lt3A_210 = arith.cmpi slt, %scan3A_111, %lt3A_209 : i32
      %convert_element_type3A_211 = arith.extui %lt3A_210 : i1 to i32
      %cond3A_212 = arith.constant 0 : i32
      %cond3A_213 = arith.cmpi ne, %convert_element_type3A_211, %cond3A_212 : i32
      scf.if %cond3A_213 {
        %dma_wait3A_214 = arith.constant 0 : i32
        %dma_wait3A_215 = tpu.memref_slice %arg6[%add3A_196, %dma_wait3A_214] : memref<80x128xi32, #tpu.memory_space<vmem>> -> memref<1x128xi32, #tpu.memory_space<vmem>>
        %dma_wait3A_216 = tpu.memref_squeeze %dma_wait3A_215 : memref<1x128xi32, #tpu.memory_space<vmem>> -> memref<128xi32, #tpu.memory_space<vmem>>
        %dma_wait3A_217 = arith.constant 0 : i32
        %dma_wait3A_218 = arith.constant 0 : i32
        %dma_wait3A_219 = tpu.memref_slice %arg23[%dma_wait3A_217, %dma_wait3A_218] : memref<10240x128xbf16, #tpu.memory_space<vmem_shared>> -> memref<10240x128xbf16, #tpu.memory_space<vmem_shared>>
        tpu.wait_indirect_dma semaphore(%arg22 : memref<!tpu.dma_semaphore, #tpu.memory_space<semaphore_mem>>) src(%arg12 : memref<128x128xbf16, #tpu.memory_space<vmem>>) dst(%dma_wait3A_219 : memref<10240x128xbf16, #tpu.memory_space<vmem_shared>>)
        %add3A_220 = arith.constant 5 : i32
        %add3A_221 = arith.addi %add3A_196, %add3A_220 : i32
        %dma_start3A_222 = arith.constant 0 : i32
        %dma_start3A_223 = tpu.memref_slice %arg5[%add3A_221, %dma_start3A_222] : memref<80x128xi32, #tpu.memory_space<vmem>> -> memref<1x128xi32, #tpu.memory_space<vmem>>
        %dma_start3A_224 = tpu.memref_squeeze %dma_start3A_223 : memref<1x128xi32, #tpu.memory_space<vmem>> -> memref<128xi32, #tpu.memory_space<vmem>>
        %dma_start3A_225 = arith.constant 0 : i32
        %dma_start3A_226 = arith.constant 0 : i32
        %dma_start3A_227 = tpu.memref_slice %arg2[%dma_start3A_225, %dma_start3A_226] : memref<10000x128xbf16, #tpu.memory_space<hbm>> -> memref<10000x128xbf16, #tpu.memory_space<hbm>>
        tpu.enqueue_indirect_dma source(%dma_start3A_227 : memref<10000x128xbf16, #tpu.memory_space<hbm>>) target(%arg12 : memref<128x128xbf16, #tpu.memory_space<vmem>>) offsets(%dma_start3A_224 : memref<128xi32, #tpu.memory_space<vmem>>) semaphore(%arg17 : memref<!tpu.dma_semaphore, #tpu.memory_space<semaphore_mem>>)
      } else {
      }
    }
    %scan3A_71 = arith.constant 16 : i32
    %dma_wait3A = arith.constant 0 : i32
    %dma_wait3A_72 = arith.constant 0 : i32
    %dma_wait3A_73 = tpu.memref_slice %arg6[%dma_wait3A, %dma_wait3A_72] : memref<80x128xi32, #tpu.memory_space<vmem>> -> memref<1x128xi32, #tpu.memory_space<vmem>>
    %dma_wait3A_74 = tpu.memref_squeeze %dma_wait3A_73 : memref<1x128xi32, #tpu.memory_space<vmem>> -> memref<128xi32, #tpu.memory_space<vmem>>
    %dma_wait3A_75 = arith.constant 0 : i32
    %dma_wait3A_76 = arith.constant 0 : i32
    %dma_wait3A_77 = tpu.memref_slice %arg23[%dma_wait3A_75, %dma_wait3A_76] : memref<10240x128xbf16, #tpu.memory_space<vmem_shared>> -> memref<10240x128xbf16, #tpu.memory_space<vmem_shared>>
    tpu.wait_indirect_dma semaphore(%arg18 : memref<!tpu.dma_semaphore, #tpu.memory_space<semaphore_mem>>) src(%arg8 : memref<128x128xbf16, #tpu.memory_space<vmem>>) dst(%dma_wait3A_77 : memref<10240x128xbf16, #tpu.memory_space<vmem_shared>>)
    %dma_wait3A_78 = arith.constant 0 : i32
    %dma_wait3A_79 = arith.constant 0 : i32
    %dma_wait3A_80 = tpu.memref_slice %arg6[%dma_wait3A_78, %dma_wait3A_79] : memref<80x128xi32, #tpu.memory_space<vmem>> -> memref<1x128xi32, #tpu.memory_space<vmem>>
    %dma_wait3A_81 = tpu.memref_squeeze %dma_wait3A_80 : memref<1x128xi32, #tpu.memory_space<vmem>> -> memref<128xi32, #tpu.memory_space<vmem>>
    %dma_wait3A_82 = arith.constant 0 : i32
    %dma_wait3A_83 = arith.constant 0 : i32
    %dma_wait3A_84 = tpu.memref_slice %arg23[%dma_wait3A_82, %dma_wait3A_83] : memref<10240x128xbf16, #tpu.memory_space<vmem_shared>> -> memref<10240x128xbf16, #tpu.memory_space<vmem_shared>>
    tpu.wait_indirect_dma semaphore(%arg19 : memref<!tpu.dma_semaphore, #tpu.memory_space<semaphore_mem>>) src(%arg9 : memref<128x128xbf16, #tpu.memory_space<vmem>>) dst(%dma_wait3A_84 : memref<10240x128xbf16, #tpu.memory_space<vmem_shared>>)
    %dma_wait3A_85 = arith.constant 0 : i32
    %dma_wait3A_86 = arith.constant 0 : i32
    %dma_wait3A_87 = tpu.memref_slice %arg6[%dma_wait3A_85, %dma_wait3A_86] : memref<80x128xi32, #tpu.memory_space<vmem>> -> memref<1x128xi32, #tpu.memory_space<vmem>>
    %dma_wait3A_88 = tpu.memref_squeeze %dma_wait3A_87 : memref<1x128xi32, #tpu.memory_space<vmem>> -> memref<128xi32, #tpu.memory_space<vmem>>
    %dma_wait3A_89 = arith.constant 0 : i32
    %dma_wait3A_90 = arith.constant 0 : i32
    %dma_wait3A_91 = tpu.memref_slice %arg23[%dma_wait3A_89, %dma_wait3A_90] : memref<10240x128xbf16, #tpu.memory_space<vmem_shared>> -> memref<10240x128xbf16, #tpu.memory_space<vmem_shared>>
    tpu.wait_indirect_dma semaphore(%arg20 : memref<!tpu.dma_semaphore, #tpu.memory_space<semaphore_mem>>) src(%arg10 : memref<128x128xbf16, #tpu.memory_space<vmem>>) dst(%dma_wait3A_91 : memref<10240x128xbf16, #tpu.memory_space<vmem_shared>>)
    %dma_wait3A_92 = arith.constant 0 : i32
    %dma_wait3A_93 = arith.constant 0 : i32
    %dma_wait3A_94 = tpu.memref_slice %arg6[%dma_wait3A_92, %dma_wait3A_93] : memref<80x128xi32, #tpu.memory_space<vmem>> -> memref<1x128xi32, #tpu.memory_space<vmem>>
    %dma_wait3A_95 = tpu.memref_squeeze %dma_wait3A_94 : memref<1x128xi32, #tpu.memory_space<vmem>> -> memref<128xi32, #tpu.memory_space<vmem>>
    %dma_wait3A_96 = arith.constant 0 : i32
    %dma_wait3A_97 = arith.constant 0 : i32
    %dma_wait3A_98 = tpu.memref_slice %arg23[%dma_wait3A_96, %dma_wait3A_97] : memref<10240x128xbf16, #tpu.memory_space<vmem_shared>> -> memref<10240x128xbf16, #tpu.memory_space<vmem_shared>>
    tpu.wait_indirect_dma semaphore(%arg21 : memref<!tpu.dma_semaphore, #tpu.memory_space<semaphore_mem>>) src(%arg11 : memref<128x128xbf16, #tpu.memory_space<vmem>>) dst(%dma_wait3A_98 : memref<10240x128xbf16, #tpu.memory_space<vmem_shared>>)
    %dma_wait3A_99 = arith.constant 0 : i32
    %dma_wait3A_100 = arith.constant 0 : i32
    %dma_wait3A_101 = tpu.memref_slice %arg6[%dma_wait3A_99, %dma_wait3A_100] : memref<80x128xi32, #tpu.memory_space<vmem>> -> memref<1x128xi32, #tpu.memory_space<vmem>>
    %dma_wait3A_102 = tpu.memref_squeeze %dma_wait3A_101 : memref<1x128xi32, #tpu.memory_space<vmem>> -> memref<128xi32, #tpu.memory_space<vmem>>
    %dma_wait3A_103 = arith.constant 0 : i32
    %dma_wait3A_104 = arith.constant 0 : i32
    %dma_wait3A_105 = tpu.memref_slice %arg23[%dma_wait3A_103, %dma_wait3A_104] : memref<10240x128xbf16, #tpu.memory_space<vmem_shared>> -> memref<10240x128xbf16, #tpu.memory_space<vmem_shared>>
    tpu.wait_indirect_dma semaphore(%arg22 : memref<!tpu.dma_semaphore, #tpu.memory_space<semaphore_mem>>) src(%arg12 : memref<128x128xbf16, #tpu.memory_space<vmem>>) dst(%dma_wait3A_105 : memref<10240x128xbf16, #tpu.memory_space<vmem_shared>>)
    %barrier3A_106 = arith.constant 0 : index
    tpu.barrier barrier_id(%barrier3A_106)
    %mul3A_107 = arith.constant 640 : i32
    %mul3A_108 = arith.muli %arg1, %mul3A_107 : i32
    %mul3A_109 = arith.constant 640 : i32
    %mul3A_110 = arith.muli %arg1, %mul3A_109 : i32
    "tpu.region"() ({
      %run_scoped3A_111 = tpu.sem_alloc : memref<!tpu.dma_semaphore, #tpu.memory_space<semaphore_mem>>
      %dma_start3A_112 = arith.constant 0 : i32
      %dma_start3A_113 = tpu.memref_slice %arg4[%arg0, %mul3A_110, %dma_start3A_112] : memref<2x10240x128xbf16, #tpu.memory_space<hbm>> -> memref<1x640x128xbf16, #tpu.memory_space<hbm>>
      %dma_start3A_114 = tpu.memref_squeeze %dma_start3A_113 : memref<1x640x128xbf16, #tpu.memory_space<hbm>> -> memref<640x128xbf16, #tpu.memory_space<hbm>>
      %dma_start3A_115 = arith.constant 0 : i32
      %dma_start3A_116 = tpu.memref_slice %arg23[%mul3A_108, %dma_start3A_115] : memref<10240x128xbf16, #tpu.memory_space<vmem_shared>> -> memref<640x128xbf16, #tpu.memory_space<vmem_shared>>
      tpu.enqueue_dma source(%dma_start3A_116 : memref<640x128xbf16, #tpu.memory_space<vmem_shared>>) target(%dma_start3A_114 : memref<640x128xbf16, #tpu.memory_space<hbm>>) target_semaphore(%run_scoped3A_111 : memref<!tpu.dma_semaphore, #tpu.memory_space<semaphore_mem>>)
      %dma_wait3A_117 = arith.constant 0 : i32
      %dma_wait3A_118 = tpu.memref_slice %arg4[%arg0, %mul3A_110, %dma_wait3A_117] : memref<2x10240x128xbf16, #tpu.memory_space<hbm>> -> memref<1x640x128xbf16, #tpu.memory_space<hbm>>
      %dma_wait3A_119 = tpu.memref_squeeze %dma_wait3A_118 : memref<1x640x128xbf16, #tpu.memory_space<hbm>> -> memref<640x128xbf16, #tpu.memory_space<hbm>>
      %dma_wait3A_120 = arith.constant 0 : i32
      %dma_wait3A_121 = tpu.memref_slice %arg23[%mul3A_108, %dma_wait3A_120] : memref<10240x128xbf16, #tpu.memory_space<vmem_shared>> -> memref<640x128xbf16, #tpu.memory_space<vmem_shared>>
      tpu.wait_dma2 semaphore(%run_scoped3A_111 : memref<!tpu.dma_semaphore, #tpu.memory_space<semaphore_mem>>) src(%dma_wait3A_121 : memref<640x128xbf16, #tpu.memory_space<vmem_shared>>) dst(%dma_wait3A_119 : memref<640x128xbf16, #tpu.memory_space<hbm>>)
      tpu.yield
    }) : () -> ()
    return
  }
}

module attributes {stable_mosaic.version = 14 : i64} {
  func.func @_tc_first_body(%arg0: i32, %arg1: memref<1024x128xf32, #tpu.memory_space<vmem>>, %arg2: memref<32x1024xf32, #tpu.memory_space<vmem>>, %arg3: memref<2x128xf32, #tpu.memory_space<vmem>>, %arg4: memref<128x128xf32, #tpu.memory_space<vmem>>, %arg5: memref<1024x128xbf16, #tpu.memory_space<vmem>>, %arg6: memref<1024x128xbf16, #tpu.memory_space<vmem>>) attributes {dimension_semantics = [#tpu.dimension_semantics<arbitrary>], iteration_bounds = array<i64: 10>, scalar_prefetch = 0 : i64, scratch_operands = 0 : i64, tpu.core_type = #tpu.core_type<tc>, window_params = [{transform_indices = @transform_0, window_bounds = array<i64: 1024, 128>}, {transform_indices = @transform_1, window_bounds = array<i64: 32, 1024>}, {pipeline_mode = #tpu.pipeline_mode<synchronous>, transform_indices = @transform_2, window_bounds = array<i64: 2, 128>}, {pipeline_mode = #tpu.pipeline_mode<synchronous>, transform_indices = @transform_3, window_bounds = array<i64: 128, 128>}, {transform_indices = @transform_4, window_bounds = array<i64: 1024, 128>}, {transform_indices = @transform_5, window_bounds = array<i64: 1024, 128>}]} {
    %get3A = arith.constant 0 : index
    %get3A_0 = arith.constant 0 : index
    %get3A_1 = vector.load %arg2[%get3A, %get3A_0] : memref<32x1024xf32, #tpu.memory_space<vmem>>, vector<32x1024xf32>
    %broadcast_in_dim3A = arith.constant 1.000000e+00 : f32
    %broadcast_in_dim3A_2 = vector.broadcast %broadcast_in_dim3A : f32 to vector<32x1xf32>
    %dot_general3A = arith.constant dense<0.000000e+00> : vector<1024x1xf32>
    %dot_general3A_3 = tpu.matmul %get3A_1, %broadcast_in_dim3A_2, %dot_general3A {dimension_numbers = #tpu.dot_dimension_numbers<[0], [0], [1], [1], [0, 1, 1, 1], [], []>, transpose_lhs_hint = false} : vector<32x1024xf32>, vector<32x1xf32>, vector<1024x1xf32> -> vector<1024x1xf32>
    %add3A = arith.constant 1.000000e+00 : f32
    %add3A_4 = vector.broadcast %add3A : f32 to vector<1024x1xf32>
    %add3A_5 = arith.addf %dot_general3A_3, %add3A_4 : vector<1024x1xf32>
    %rsqrt3A = math.rsqrt %add3A_5 : vector<1024x1xf32>
    %get3A_6 = arith.constant 0 : index
    %get3A_7 = arith.constant 0 : index
    %get3A_8 = vector.load %arg1[%get3A_6, %get3A_7] : memref<1024x128xf32, #tpu.memory_space<vmem>>, vector<1024x128xf32>
    %get3A_9 = arith.constant 0 : index
    %get3A_10 = arith.constant 0 : index
    %get3A_11 = vector.load %arg3[%get3A_9, %get3A_10] : memref<2x128xf32, #tpu.memory_space<vmem>>, vector<1x128xf32>
    %mul3A = vector.broadcast %get3A_11 : vector<1x128xf32> to vector<1024x128xf32>
    %mul3A_12 = arith.mulf %get3A_8, %mul3A : vector<1024x128xf32>
    %get3A_13 = arith.constant 1 : index
    %get3A_14 = arith.constant 0 : index
    %get3A_15 = vector.load %arg3[%get3A_13, %get3A_14] : memref<2x128xf32, #tpu.memory_space<vmem>>, vector<1x128xf32>
    %add3A_16 = vector.broadcast %get3A_15 : vector<1x128xf32> to vector<1024x128xf32>
    %add3A_17 = arith.addf %mul3A_12, %add3A_16 : vector<1024x128xf32>
    %get3A_18 = arith.constant 0 : index
    %get3A_19 = arith.constant 0 : index
    %get3A_20 = vector.load %arg4[%get3A_18, %get3A_19] : memref<128x128xf32, #tpu.memory_space<vmem>>, vector<128x128xf32>
    %dot_general3A_21 = arith.constant dense<0.000000e+00> : vector<1024x128xf32>
    %dot_general3A_22 = tpu.matmul %add3A_17, %get3A_20, %dot_general3A_21 {dimension_numbers = #tpu.dot_dimension_numbers<[1], [0], [0], [1], [0, 0, 1, 1], [], []>, transpose_lhs_hint = false} : vector<1024x128xf32>, vector<128x128xf32>, vector<1024x128xf32> -> vector<1024x128xf32>
    %mul3A_23 = vector.broadcast %rsqrt3A : vector<1024x1xf32> to vector<1024x128xf32>
    %mul3A_24 = arith.mulf %dot_general3A_22, %mul3A_23 : vector<1024x128xf32>
    %convert_element_type3A = arith.truncf %mul3A_24 : vector<1024x128xf32> to vector<1024x128xbf16>
    %swap3A = arith.constant 0 : index
    %swap3A_25 = arith.constant 0 : index
    %swap3A_26 = vector.load %arg5[%swap3A, %swap3A_25] : memref<1024x128xbf16, #tpu.memory_space<vmem>>, vector<1024x128xbf16>
    tpu.vector_store %arg5[%swap3A, %swap3A_25], %convert_element_type3A {strides = array<i32>} : memref<1024x128xbf16, #tpu.memory_space<vmem>>, vector<1024x128xbf16>,
    %broadcast_in_dim3A_27 = arith.constant 1.000000e+00 : f32
    %broadcast_in_dim3A_28 = vector.broadcast %broadcast_in_dim3A_27 : f32 to vector<1x128xf32>
    %mul3A_29 = vector.broadcast %rsqrt3A : vector<1024x1xf32> to vector<1024x128xf32>
    %mul3A_30 = vector.broadcast %broadcast_in_dim3A_28 : vector<1x128xf32> to vector<1024x128xf32>
    %mul3A_31 = arith.mulf %mul3A_29, %mul3A_30 : vector<1024x128xf32>
    %convert_element_type3A_32 = arith.truncf %mul3A_31 : vector<1024x128xf32> to vector<1024x128xbf16>
    %swap3A_33 = arith.constant 0 : index
    %swap3A_34 = arith.constant 0 : index
    %swap3A_35 = vector.load %arg6[%swap3A_33, %swap3A_34] : memref<1024x128xbf16, #tpu.memory_space<vmem>>, vector<1024x128xbf16>
    tpu.vector_store %arg6[%swap3A_33, %swap3A_34], %convert_element_type3A_32 {strides = array<i32>} : memref<1024x128xbf16, #tpu.memory_space<vmem>>, vector<1024x128xbf16>,
    return
  }
  func.func @transform_0(%arg0: i32) -> (i32, i32) {
    %c0_i32 = arith.constant 0 : i32
    %c0_i32_0 = arith.constant 0 : i32
    return %arg0, %c0_i32 : i32, i32
  }
  func.func @transform_1(%arg0: i32) -> (i32, i32) {
    %c0_i32 = arith.constant 0 : i32
    %c0_i32_0 = arith.constant 0 : i32
    return %c0_i32, %arg0 : i32, i32
  }
  func.func @transform_2(%arg0: i32) -> (i32, i32) {
    %c0_i32 = arith.constant 0 : i32
    %c0_i32_0 = arith.constant 0 : i32
    %c0_i32_1 = arith.constant 0 : i32
    return %c0_i32, %c0_i32_0 : i32, i32
  }
  func.func @transform_3(%arg0: i32) -> (i32, i32) {
    %c0_i32 = arith.constant 0 : i32
    %c0_i32_0 = arith.constant 0 : i32
    %c0_i32_1 = arith.constant 0 : i32
    return %c0_i32, %c0_i32_0 : i32, i32
  }
  func.func @transform_4(%arg0: i32) -> (i32, i32) {
    %c0_i32 = arith.constant 0 : i32
    %c0_i32_0 = arith.constant 0 : i32
    return %arg0, %c0_i32 : i32, i32
  }
  func.func @transform_5(%arg0: i32) -> (i32, i32) {
    %c0_i32 = arith.constant 0 : i32
    %c0_i32_0 = arith.constant 0 : i32
    return %arg0, %c0_i32 : i32, i32
  }
}

module attributes {stable_mosaic.version = 14 : i64} {
  func.func @_tc_mid_body(%arg0: i32, %arg1: memref<2x1024x128xbf16, #tpu.memory_space<vmem>>, %arg2: memref<1024x128xbf16, #tpu.memory_space<vmem>>, %arg3: memref<1024x128xbf16, #tpu.memory_space<vmem>>, %arg4: memref<1x128xf32, #tpu.memory_space<vmem>>, %arg5: memref<128x128xf32, #tpu.memory_space<vmem>>, %arg6: memref<1024x128xbf16, #tpu.memory_space<vmem>>) attributes {dimension_semantics = [#tpu.dimension_semantics<arbitrary>], iteration_bounds = array<i64: 10>, scalar_prefetch = 0 : i64, scratch_operands = 0 : i64, tpu.core_type = #tpu.core_type<tc>, window_params = [{transform_indices = @transform_0, window_bounds = array<i64: 2, 1024, 128>}, {transform_indices = @transform_1, window_bounds = array<i64: 1024, 128>}, {transform_indices = @transform_2, window_bounds = array<i64: 1024, 128>}, {pipeline_mode = #tpu.pipeline_mode<synchronous>, transform_indices = @transform_3, window_bounds = array<i64: 1, 128>}, {pipeline_mode = #tpu.pipeline_mode<synchronous>, transform_indices = @transform_4, window_bounds = array<i64: 128, 128>}, {transform_indices = @transform_5, window_bounds = array<i64: 1024, 128>}]} {
    %get3A = arith.constant 0 : index
    %get3A_0 = arith.constant 0 : index
    %get3A_1 = vector.load %arg3[%get3A, %get3A_0] : memref<1024x128xbf16, #tpu.memory_space<vmem>>, vector<1024x128xbf16>
    %convert_element_type3A = arith.extf %get3A_1 : vector<1024x128xbf16> to vector<1024x128xf32>
    %get3A_2 = arith.constant 0 : index
    %get3A_3 = arith.constant 0 : index
    %get3A_4 = arith.constant 0 : index
    %get3A_5 = vector.load %arg1[%get3A_2, %get3A_3, %get3A_4] : memref<2x1024x128xbf16, #tpu.memory_space<vmem>>, vector<1x1024x128xbf16>
    %get3A_6 = vector.shape_cast %get3A_5 : vector<1x1024x128xbf16> to vector<1024x128xbf16>
    %convert_element_type3A_7 = arith.extf %get3A_6 : vector<1024x128xbf16> to vector<1024x128xf32>
    %get3A_8 = arith.constant 1 : index
    %get3A_9 = arith.constant 0 : index
    %get3A_10 = arith.constant 0 : index
    %get3A_11 = vector.load %arg1[%get3A_8, %get3A_9, %get3A_10] : memref<2x1024x128xbf16, #tpu.memory_space<vmem>>, vector<1x1024x128xbf16>
    %get3A_12 = vector.shape_cast %get3A_11 : vector<1x1024x128xbf16> to vector<1024x128xbf16>
    %convert_element_type3A_13 = arith.extf %get3A_12 : vector<1024x128xbf16> to vector<1024x128xf32>
    %add3A = arith.addf %convert_element_type3A_7, %convert_element_type3A_13 : vector<1024x128xf32>
    %get3A_14 = arith.constant 0 : index
    %get3A_15 = arith.constant 0 : index
    %get3A_16 = vector.load %arg2[%get3A_14, %get3A_15] : memref<1024x128xbf16, #tpu.memory_space<vmem>>, vector<1024x128xbf16>
    %convert_element_type3A_17 = arith.extf %get3A_16 : vector<1024x128xbf16> to vector<1024x128xf32>
    %add3A_18 = arith.addf %add3A, %convert_element_type3A_17 : vector<1024x128xf32>
    %mul3A = arith.mulf %add3A_18, %convert_element_type3A : vector<1024x128xf32>
    %get3A_19 = arith.constant 0 : index
    %get3A_20 = arith.constant 0 : index
    %get3A_21 = vector.load %arg4[%get3A_19, %get3A_20] : memref<1x128xf32, #tpu.memory_space<vmem>>, vector<1x128xf32>
    %add3A_22 = vector.broadcast %get3A_21 : vector<1x128xf32> to vector<1024x128xf32>
    %add3A_23 = arith.addf %mul3A, %add3A_22 : vector<1024x128xf32>
    %max3A = arith.constant 0.000000e+00 : f32
    %max3A_24 = vector.broadcast %max3A : f32 to vector<1024x128xf32>
    %max3A_25 = arith.maximumf %add3A_23, %max3A_24 : vector<1024x128xf32>
    %get3A_26 = arith.constant 0 : index
    %get3A_27 = arith.constant 0 : index
    %get3A_28 = vector.load %arg5[%get3A_26, %get3A_27] : memref<128x128xf32, #tpu.memory_space<vmem>>, vector<128x128xf32>
    %dot_general3A = arith.constant dense<0.000000e+00> : vector<1024x128xf32>
    %dot_general3A_29 = tpu.matmul %max3A_25, %get3A_28, %dot_general3A {dimension_numbers = #tpu.dot_dimension_numbers<[1], [0], [0], [1], [0, 0, 1, 1], [], []>, transpose_lhs_hint = false} : vector<1024x128xf32>, vector<128x128xf32>, vector<1024x128xf32> -> vector<1024x128xf32>
    %mul3A_30 = arith.mulf %dot_general3A_29, %convert_element_type3A : vector<1024x128xf32>
    %convert_element_type3A_31 = arith.truncf %mul3A_30 : vector<1024x128xf32> to vector<1024x128xbf16>
    %swap3A = arith.constant 0 : index
    %swap3A_32 = arith.constant 0 : index
    %swap3A_33 = vector.load %arg6[%swap3A, %swap3A_32] : memref<1024x128xbf16, #tpu.memory_space<vmem>>, vector<1024x128xbf16>
    tpu.vector_store %arg6[%swap3A, %swap3A_32], %convert_element_type3A_31 {strides = array<i32>} : memref<1024x128xbf16, #tpu.memory_space<vmem>>, vector<1024x128xbf16>,
    return
  }
  func.func @transform_0(%arg0: i32) -> (i32, i32, i32) {
    %c0_i32 = arith.constant 0 : i32
    %c0_i32_0 = arith.constant 0 : i32
    %c0_i32_1 = arith.constant 0 : i32
    return %c0_i32, %arg0, %c0_i32_0 : i32, i32, i32
  }
  func.func @transform_1(%arg0: i32) -> (i32, i32) {
    %c0_i32 = arith.constant 0 : i32
    %c0_i32_0 = arith.constant 0 : i32
    return %arg0, %c0_i32 : i32, i32
  }
  func.func @transform_2(%arg0: i32) -> (i32, i32) {
    %c0_i32 = arith.constant 0 : i32
    %c0_i32_0 = arith.constant 0 : i32
    return %arg0, %c0_i32 : i32, i32
  }
  func.func @transform_3(%arg0: i32) -> (i32, i32) {
    %c0_i32 = arith.constant 0 : i32
    %c0_i32_0 = arith.constant 0 : i32
    %c0_i32_1 = arith.constant 0 : i32
    return %c0_i32, %c0_i32_0 : i32, i32
  }
  func.func @transform_4(%arg0: i32) -> (i32, i32) {
    %c0_i32 = arith.constant 0 : i32
    %c0_i32_0 = arith.constant 0 : i32
    %c0_i32_1 = arith.constant 0 : i32
    return %c0_i32, %c0_i32_0 : i32, i32
  }
  func.func @transform_5(%arg0: i32) -> (i32, i32) {
    %c0_i32 = arith.constant 0 : i32
    %c0_i32_0 = arith.constant 0 : i32
    return %arg0, %c0_i32 : i32, i32
  }
}

module attributes {stable_mosaic.version = 14 : i64} {
  func.func @_tc_final_body(%arg0: i32, %arg1: memref<2x1024x128xbf16, #tpu.memory_space<vmem>>, %arg2: memref<1024x128xbf16, #tpu.memory_space<vmem>>, %arg3: memref<1024x128xbf16, #tpu.memory_space<vmem>>, %arg4: memref<1x128xf32, #tpu.memory_space<vmem>>, %arg5: memref<128x2xf32, #tpu.memory_space<vmem>>, %arg6: memref<1x2xf32, #tpu.memory_space<vmem>>, %arg7: memref<1x2xf32, #tpu.memory_space<vmem>>, %arg8: memref<1x128xf32, #tpu.memory_space<vmem>>) attributes {dimension_semantics = [#tpu.dimension_semantics<arbitrary>], iteration_bounds = array<i64: 10>, scalar_prefetch = 0 : i64, scratch_operands = 1 : i64, tpu.core_type = #tpu.core_type<tc>, window_params = [{transform_indices = @transform_0, window_bounds = array<i64: 2, 1024, 128>}, {transform_indices = @transform_1, window_bounds = array<i64: 1024, 128>}, {transform_indices = @transform_2, window_bounds = array<i64: 1024, 128>}, {pipeline_mode = #tpu.pipeline_mode<synchronous>, transform_indices = @transform_3, window_bounds = array<i64: 1, 128>}, {pipeline_mode = #tpu.pipeline_mode<synchronous>, transform_indices = @transform_4, window_bounds = array<i64: 128, 2>}, {pipeline_mode = #tpu.pipeline_mode<synchronous>, transform_indices = @transform_5, window_bounds = array<i64: 1, 2>}, {pipeline_mode = #tpu.pipeline_mode<synchronous>, transform_indices = @transform_6, window_bounds = array<i64: 1, 2>}]} {
    %get3A = arith.constant 0 : index
    %get3A_0 = arith.constant 0 : index
    %get3A_1 = vector.load %arg3[%get3A, %get3A_0] : memref<1024x128xbf16, #tpu.memory_space<vmem>>, vector<1024x128xbf16>
    %convert_element_type3A = arith.extf %get3A_1 : vector<1024x128xbf16> to vector<1024x128xf32>
    %get3A_2 = arith.constant 0 : index
    %get3A_3 = arith.constant 0 : index
    %get3A_4 = arith.constant 0 : index
    %get3A_5 = vector.load %arg1[%get3A_2, %get3A_3, %get3A_4] : memref<2x1024x128xbf16, #tpu.memory_space<vmem>>, vector<1x1024x128xbf16>
    %get3A_6 = vector.shape_cast %get3A_5 : vector<1x1024x128xbf16> to vector<1024x128xbf16>
    %convert_element_type3A_7 = arith.extf %get3A_6 : vector<1024x128xbf16> to vector<1024x128xf32>
    %get3A_8 = arith.constant 1 : index
    %get3A_9 = arith.constant 0 : index
    %get3A_10 = arith.constant 0 : index
    %get3A_11 = vector.load %arg1[%get3A_8, %get3A_9, %get3A_10] : memref<2x1024x128xbf16, #tpu.memory_space<vmem>>, vector<1x1024x128xbf16>
    %get3A_12 = vector.shape_cast %get3A_11 : vector<1x1024x128xbf16> to vector<1024x128xbf16>
    %convert_element_type3A_13 = arith.extf %get3A_12 : vector<1024x128xbf16> to vector<1024x128xf32>
    %add3A = arith.addf %convert_element_type3A_7, %convert_element_type3A_13 : vector<1024x128xf32>
    %get3A_14 = arith.constant 0 : index
    %get3A_15 = arith.constant 0 : index
    %get3A_16 = vector.load %arg2[%get3A_14, %get3A_15] : memref<1024x128xbf16, #tpu.memory_space<vmem>>, vector<1024x128xbf16>
    %convert_element_type3A_17 = arith.extf %get3A_16 : vector<1024x128xbf16> to vector<1024x128xf32>
    %add3A_18 = arith.addf %add3A, %convert_element_type3A_17 : vector<1024x128xf32>
    %mul3A = arith.mulf %add3A_18, %convert_element_type3A : vector<1024x128xf32>
    %get3A_19 = arith.constant 0 : index
    %get3A_20 = arith.constant 0 : index
    %get3A_21 = vector.load %arg4[%get3A_19, %get3A_20] : memref<1x128xf32, #tpu.memory_space<vmem>>, vector<1x128xf32>
    %add3A_22 = vector.broadcast %get3A_21 : vector<1x128xf32> to vector<1024x128xf32>
    %add3A_23 = arith.addf %mul3A, %add3A_22 : vector<1024x128xf32>
    %max3A = arith.constant 0.000000e+00 : f32
    %max3A_24 = vector.broadcast %max3A : f32 to vector<1024x128xf32>
    %max3A_25 = arith.maximumf %add3A_23, %max3A_24 : vector<1024x128xf32>
    %iota3A = tpu.iota {dimensions = array<i32: 0>} : vector<1024x128xi32>
    %mul3A_26 = arith.constant 1024 : i32
    %mul3A_27 = arith.muli %arg0, %mul3A_26 : i32
    %sub3A = arith.constant 10000 : i32
    %sub3A_28 = arith.subi %sub3A, %mul3A_27 : i32
    %lt3A = vector.broadcast %sub3A_28 : i32 to vector<1024x128xi32>
    %lt3A_29 = arith.cmpi slt, %iota3A, %lt3A : vector<1024x128xi32>
    %jit3A = arith.constant 0.000000e+00 : f32
    %broadcast_in_dim3A = vector.broadcast %jit3A : f32 to vector<1024x128xf32>
    %select_n3A = arith.select %lt3A_29, %max3A_25, %broadcast_in_dim3A : vector<1024x128xi1>, vector<1024x128xf32>
    %reduce_sum3A = arith.constant dense<0.000000e+00> : vector<128xf32>
    %reduce_sum3A_30 = vector.multi_reduction <add>, %select_n3A, %reduce_sum3A [0] : vector<1024x128xf32> to vector<128xf32>
    %broadcast_in_dim3A_31 = vector.shape_cast %reduce_sum3A_30 : vector<128xf32> to vector<1x128xf32>
    %eq3A = arith.constant 0 : i32
    %eq3A_32 = arith.cmpi eq, %arg0, %eq3A : i32
    %convert_element_type3A_33 = arith.extui %eq3A_32 : i1 to i32
    %cond3A = arith.constant 0 : i32
    %cond3A_34 = arith.cmpi ne, %convert_element_type3A_33, %cond3A : i32
    scf.if %cond3A_34 {
      %swap3A = arith.constant 0 : index
      %swap3A_44 = arith.constant 0 : index
      %swap3A_45 = vector.load %arg8[%swap3A, %swap3A_44] : memref<1x128xf32, #tpu.memory_space<vmem>>, vector<1x128xf32>
      tpu.vector_store %arg8[%swap3A, %swap3A_44], %broadcast_in_dim3A_31 {strides = array<i32>} : memref<1x128xf32, #tpu.memory_space<vmem>>, vector<1x128xf32>,
    } else {
    }
    %gt3A = arith.constant 0 : i32
    %gt3A_35 = arith.cmpi sgt, %arg0, %gt3A : i32
    %convert_element_type3A_36 = arith.extui %gt3A_35 : i1 to i32
    %cond3A_37 = arith.constant 0 : i32
    %cond3A_38 = arith.cmpi ne, %convert_element_type3A_36, %cond3A_37 : i32
    scf.if %cond3A_38 {
      %get3A_44 = arith.constant 0 : index
      %get3A_45 = arith.constant 0 : index
      %get3A_46 = vector.load %arg8[%get3A_44, %get3A_45] : memref<1x128xf32, #tpu.memory_space<vmem>>, vector<1x128xf32>
      %add3A_47 = arith.addf %get3A_46, %broadcast_in_dim3A_31 : vector<1x128xf32>
      %swap3A = arith.constant 0 : index
      %swap3A_48 = arith.constant 0 : index
      %swap3A_49 = vector.load %arg8[%swap3A, %swap3A_48] : memref<1x128xf32, #tpu.memory_space<vmem>>, vector<1x128xf32>
      tpu.vector_store %arg8[%swap3A, %swap3A_48], %add3A_47 {strides = array<i32>} : memref<1x128xf32, #tpu.memory_space<vmem>>, vector<1x128xf32>,
    } else {
    }
    %eq3A_39 = arith.constant 9 : i32
    %eq3A_40 = arith.cmpi eq, %arg0, %eq3A_39 : i32
    %convert_element_type3A_41 = arith.extui %eq3A_40 : i1 to i32
    %cond3A_42 = arith.constant 0 : i32
    %cond3A_43 = arith.cmpi ne, %convert_element_type3A_41, %cond3A_42 : i32
    scf.if %cond3A_43 {
      %get3A_44 = arith.constant 0 : index
      %get3A_45 = arith.constant 0 : index
      %get3A_46 = vector.load %arg8[%get3A_44, %get3A_45] : memref<1x128xf32, #tpu.memory_space<vmem>>, vector<1x128xf32>
      %mul3A_47 = arith.constant 9.99999974E-5 : f32
      %mul3A_48 = vector.broadcast %mul3A_47 : f32 to vector<1x128xf32>
      %mul3A_49 = arith.mulf %get3A_46, %mul3A_48 : vector<1x128xf32>
      %get3A_50 = arith.constant 0 : index
      %get3A_51 = arith.constant 0 : index
      %get3A_52 = vector.load %arg5[%get3A_50, %get3A_51] : memref<128x2xf32, #tpu.memory_space<vmem>>, vector<128x2xf32>
      %dot_general3A = arith.constant dense<0.000000e+00> : vector<1x2xf32>
      %dot_general3A_53 = tpu.matmul %mul3A_49, %get3A_52, %dot_general3A {dimension_numbers = #tpu.dot_dimension_numbers<[1], [0], [0], [1], [0, 0, 1, 1], [], []>, transpose_lhs_hint = false} : vector<1x128xf32>, vector<128x2xf32>, vector<1x2xf32> -> vector<1x2xf32>
      %get3A_54 = arith.constant 0 : index
      %get3A_55 = arith.constant 0 : index
      %get3A_56 = vector.load %arg6[%get3A_54, %get3A_55] : memref<1x2xf32, #tpu.memory_space<vmem>>, vector<1x2xf32>
      %add3A_57 = arith.addf %dot_general3A_53, %get3A_56 : vector<1x2xf32>
      %reduce_max3A = arith.constant dense<0xFF800000> : vector<1xf32>
      %reduce_max3A_58 = vector.multi_reduction <maximumf>, %add3A_57, %reduce_max3A [1] : vector<1x2xf32> to vector<1xf32>
      %broadcast_in_dim3A_59 = vector.shape_cast %reduce_max3A_58 : vector<1xf32> to vector<1x1xf32>
      %sub3A_60 = vector.broadcast %broadcast_in_dim3A_59 : vector<1x1xf32> to vector<1x2xf32>
      %sub3A_61 = arith.subf %add3A_57, %sub3A_60 : vector<1x2xf32>
      %exp3A = math.exp %sub3A_61 : vector<1x2xf32>
      %reduce_sum3A_62 = arith.constant dense<0.000000e+00> : vector<1xf32>
      %reduce_sum3A_63 = vector.multi_reduction <add>, %exp3A, %reduce_sum3A_62 [1] : vector<1x2xf32> to vector<1xf32>
      %broadcast_in_dim3A_64 = vector.shape_cast %reduce_sum3A_63 : vector<1xf32> to vector<1x1xf32>
      %div3A = vector.broadcast %broadcast_in_dim3A_64 : vector<1x1xf32> to vector<1x2xf32>
      %div3A_65 = arith.divf %exp3A, %div3A : vector<1x2xf32>
      %swap3A = arith.constant 0 : index
      %swap3A_66 = arith.constant 0 : index
      %swap3A_67 = vector.load %arg7[%swap3A, %swap3A_66] : memref<1x2xf32, #tpu.memory_space<vmem>>, vector<1x2xf32>
      tpu.vector_store %arg7[%swap3A, %swap3A_66], %div3A_65 {strides = array<i32>} : memref<1x2xf32, #tpu.memory_space<vmem>>, vector<1x2xf32>,
    } else {
    }
    return
  }
  func.func @transform_0(%arg0: i32) -> (i32, i32, i32) {
    %c0_i32 = arith.constant 0 : i32
    %c0_i32_0 = arith.constant 0 : i32
    %c0_i32_1 = arith.constant 0 : i32
    return %c0_i32, %arg0, %c0_i32_0 : i32, i32, i32
  }
  func.func @transform_1(%arg0: i32) -> (i32, i32) {
    %c0_i32 = arith.constant 0 : i32
    %c0_i32_0 = arith.constant 0 : i32
    return %arg0, %c0_i32 : i32, i32
  }
  func.func @transform_2(%arg0: i32) -> (i32, i32) {
    %c0_i32 = arith.constant 0 : i32
    %c0_i32_0 = arith.constant 0 : i32
    return %arg0, %c0_i32 : i32, i32
  }
  func.func @transform_3(%arg0: i32) -> (i32, i32) {
    %c0_i32 = arith.constant 0 : i32
    %c0_i32_0 = arith.constant 0 : i32
    %c0_i32_1 = arith.constant 0 : i32
    return %c0_i32, %c0_i32_0 : i32, i32
  }
  func.func @transform_4(%arg0: i32) -> (i32, i32) {
    %c0_i32 = arith.constant 0 : i32
    %c0_i32_0 = arith.constant 0 : i32
    %c0_i32_1 = arith.constant 0 : i32
    return %c0_i32, %c0_i32_0 : i32, i32
  }
  func.func @transform_5(%arg0: i32) -> (i32, i32) {
    %c0_i32 = arith.constant 0 : i32
    %c0_i32_0 = arith.constant 0 : i32
    %c0_i32_1 = arith.constant 0 : i32
    return %c0_i32, %c0_i32_0 : i32, i32
  }
  func.func @transform_6(%arg0: i32) -> (i32, i32) {
    %c0_i32 = arith.constant 0 : i32
    %c0_i32_0 = arith.constant 0 : i32
    %c0_i32_1 = arith.constant 0 : i32
    return %c0_i32, %c0_i32_0 : i32, i32
  }
}

</mosaic_0001>

<sc_bundles>
// kernel: kernel.10.cloned.1.call-start
scs
__scs_entry_jumppad:
0x0: {  	(pc) =	sbr.rel $0x88, $3  }
0x1: {  	(tag) =	ssettag $0x0;
	lr =	simm.s32 $0x1  }
0x2: {  	[smem:$0x3F95] =	sst lr;
	_ =	strace $0xD0000000  }
0x3: {  	_ = 	snop  }
0x4: {  	_ = 	snop  }
0x5: {  	_ = 	snop  }
0x6: {  	_ = 	snop  }
0x7: {  	_ = 	snop  }
__scs_overlays_trampoline_lowered:
0x8: {  	[smem:$0x3FA4] =	sst s0  }
0x9: {  	[smem:$0x3FA5] =	sst s1  }
0xa: {  	[smem:$0x3FA6] =	sst s2  }
0xb: {  	[smem:$0x3FA7] =	sst s3  }
0xc: {  	[smem:$0x3FA8] =	sst s4  }
0xd: {  	[smem:$0x3FA9] =	sst s5  }
0xe: {  	[smem:$0x3FAA] =	sst s6  }
0xf: {  	[smem:$0x3FAB] =	sst s7  }
0x10: {  	[smem:$0x3FAC] =	sst s8  }
0x11: {  	[smem:$0x3FAD] =	sst s9;
	s0 =	simm.s32 @!p0 $0x0  }
0x12: {  	s1 =	sld [smem:$0x3F93];
	s0 =	simm.s32 @p0 $0x1  }
0x13: {  	[smem:$0x3FAE] =	sst s0;
	s0 =	simm.s32 @!p1 $0x0  }
0x14: {  	s2 =	sld [smem:$0x3F92];
	s0 =	simm.s32 @p1 $0x1  }
0x15: {  	[smem:$0x3FAF] =	sst s0;
	s0 =	simm.s32 @!p2 $0x0  }
0x16: {  	s3 =	sld [smem:$0x3FDB];
	s0 =	simm.s32 @p2 $0x1  }
0x17: {  	s4 =	simm.s32 $0x1BF5;
	[smem:$0x3FB1] =	sst s0  }
0x18: {  	s0 =	sld [smem:$0x3F94];
	_ =	swait.ge [sflag:s4], $0x0  }
0x19: {  	s7 =	sld [smem:$0x3F95]  }
0x1a: {  	s8 =	sadd.s32 $0xFFFFE003, lr  }
0x1b: {  	s9 =	sadd.s32 $0xFFFFFEF7, lr;
	s5 =	simm.s32 $0xFFFFFFFF;
	p2 =	slt.u32 s8, $0xFFFFF086  }
0x1c: {  	p1 =	slt.u32 s9, $0xF7A;
	s5 =	simm.s32 @!p2 $0x0  }
0x1d: {  	s5 =	simm.s32 @p1 $0x1;
	p0 =	seq.s32 s7, s2  }
0x1e: {  	s7 =	smul.u32 @!p0 $0xF7A, s2;
	p2 =	seq.s32 @!p0 s5, $0x0  }
0x1f: {  	s9 =	smul.u32 $0xF7A, s1;
	s8 =	simm.s32 @!p0 $0x1BF5;
	p2 =	por !p2, p0  }
0x20: {  	[sflag:s8] =	ssyncset.s32 @!p0 $0xFFFFF086;
	s6 =	sadd.s32 @!p0 s3, s7;
	s7 =	simm.s32 @!p0 $0x108  }
0x21: {  	s3 =	sadd.s32 s3, s9;
	s6 =	sadd.s32 @!p0 $0x88, s6;
	s7 =	simm.s32 @p2 $0x1082  }
0x22: {  	[simem:s7], [sflag:s8] =	dma.local @!p0 [hbm:s6], $0xF7A  }
0x23: {  	s9 =	sor.u32 $0xD0000000, s2;
	s6 =	simm.s32 $0x108;
	_ =	swait.ge @!p0 [sflag:s8], $0x0  }
0x24: {  	s3 =	sadd.s32 $0x88, s3;
	s6 =	simm.s32 @!p1 $0x1082;
	[sflag:s4] =	ssyncset.s32 $0xFFFFF086  }
0x25: {  	[simem:s6], [sflag:s4] =	dma.local [hbm:s3], $0xF7A  }
0x26: {  	[smem:$0x3F95] =	sst s1;
	(tag) =	ssettag s2;
	_ =	strace s9  }
0x27: {  	s1 =	sld [smem:$0x3FA5]  }
0x28: {  	s2 =	sld [smem:$0x3FA6]  }
0x29: {  	s4 =	sld [smem:$0x3FA8]  }
0x2a: {  	p0 =	seq.s32 s5, $0x0;
	s5 =	sld [smem:$0x3FA9]  }
0x2b: {  	s6 =	sld [smem:$0x3FAA]  }
0x2c: {  	s7 =	sld [smem:$0x3FAB]  }
0x2d: {  	s3 =	simm.s32 $0x108;
	s8 =	sld [smem:$0x3FAC]  }
0x2e: {  	s3 =	simm.s32 @!p0 $0x1082;
	s9 =	sld [smem:$0x3FAD]  }
0x2f: {  	lr =	sadd.s32 s0, s3;
	s0 =	sld [smem:$0x3FA4]  }
0x30: {  	s3 =	sld [smem:$0x3FA7]  }
0x31: {  	[smem:$0x3FB0] =	sst s10  }
0x32: {  	s10 =	sld [smem:$0x3FAE];
	_ =	sdelay $0x3  }
0x33: {  	p0 =	seq.s32 s10, $0x1;
	s10 =	sld [smem:$0x3FB0];
	_ =	sdelay $0x3  }
0x34: {  	[smem:$0x3FB0] =	sst s10  }
0x35: {  	s10 =	sld [smem:$0x3FAF];
	_ =	sdelay $0x3  }
0x36: {  	p1 =	seq.s32 s10, $0x1;
	s10 =	sld [smem:$0x3FB0];
	_ =	sdelay $0x3  }
0x37: {  	[smem:$0x3FB0] =	sst s10  }
0x38: {  	s10 =	sld [smem:$0x3FB1]  }
0x39: {  	_ = 	snop;
	(pc) =	sbr.ind lr, $3  }
0x3a: {  	_ = 	snop  }
0x3b: {  	_ = 	snop  }
0x3c: {  	p2 =	seq.s32 s10, $0x1;
	s10 =	sld [smem:$0x3FB0]  }
0x3d: {  	_ =	shalt  }
0x3e: {  	_ =	shalt  }
0x3f: {  	_ =	shalt  }
0x40: {  	_ =	shalt  }
0x41: {  	_ =	shalt  }
0x42: {  	_ =	shalt  }
0x43: {  	_ =	shalt  }
0x44: {  	_ =	shalt  }
0x45: {  	_ =	shalt  }
0x46: {  	_ =	shalt  }
0x47: {  	_ =	shalt  }
0x48: {  	_ =	shalt  }
0x49: {  	_ =	shalt  }
0x4a: {  	_ =	shalt  }
0x4b: {  	_ =	shalt  }
0x4c: {  	_ =	shalt  }
0x4d: {  	_ =	shalt  }
0x4e: {  	_ =	shalt  }
0x4f: {  	_ =	shalt  }
0x50: {  	_ =	shalt  }
0x51: {  	_ =	shalt  }
0x52: {  	_ =	shalt  }
0x53: {  	_ =	shalt  }
0x54: {  	_ =	shalt  }
0x55: {  	_ =	shalt  }
0x56: {  	_ =	shalt  }
0x57: {  	_ =	shalt  }
0x58: {  	_ =	shalt  }
0x59: {  	_ =	shalt  }
0x5a: {  	_ =	shalt  }
0x5b: {  	_ =	shalt  }
0x5c: {  	_ =	shalt  }
0x5d: {  	_ =	shalt  }
0x5e: {  	_ =	shalt  }
0x5f: {  	_ =	shalt  }
0x60: {  	_ =	shalt  }
0x61: {  	_ =	shalt  }
0x62: {  	_ =	shalt  }
0x63: {  	_ =	shalt  }
0x64: {  	_ =	shalt  }
0x65: {  	_ =	shalt  }
0x66: {  	_ =	shalt  }
0x67: {  	_ =	shalt  }
0x68: {  	_ =	shalt  }
0x69: {  	_ =	shalt  }
0x6a: {  	_ =	shalt  }
0x6b: {  	_ =	shalt  }
0x6c: {  	_ =	shalt  }
0x6d: {  	_ =	shalt  }
0x6e: {  	_ =	shalt  }
0x6f: {  	_ =	shalt  }
0x70: {  	_ =	shalt  }
0x71: {  	_ =	shalt  }
0x72: {  	_ =	shalt  }
0x73: {  	_ =	shalt  }
0x74: {  	_ =	shalt  }
0x75: {  	_ =	shalt  }
0x76: {  	_ =	shalt  }
0x77: {  	_ =	shalt  }
0x78: {  	_ =	shalt  }
0x79: {  	_ =	shalt  }
0x7a: {  	_ =	shalt  }
0x7b: {  	_ =	shalt  }
0x7c: {  	_ =	shalt  }
0x7d: {  	_ =	shalt  }
0x7e: {  	_ =	shalt  }
0x7f: {  	_ =	shalt  }
0x80: {  	_ =	shalt  }
0x81: {  	_ =	shalt  }
0x82: {  	_ =	shalt  }
0x83: {  	_ =	shalt  }
0x84: {  	_ =	shalt  }
0x85: {  	_ =	shalt  }
0x86: {  	_ =	shalt  }
0x87: {  	_ =	shalt  }
.Lfunc_end0:
.L_simem_size_0:
called_computation_lowered:
.L_overlay_start_0:
0x88: {  	s2 =	sld [smem:$0x3FD9]  }
0x89: {  	s3 =	sld [smem:$0x3FFE];
	_ =	sdelay $0x1  }
0x8a: {  	s1 =	srdreg.scid  }
0x8b: {  	s0 =	sand.u32 $0x1, s1  }
0x8c: {  	s16 =	sshll.u32 s0, $0xA;
	s2 =	sadd.s32 s3, s2  }
0x8d: {  	s2 =	sadd.s32 s2, s16  }
0x8e: {  	[smem:$0x3FBC] =	sst s2  }
0x8f: {  	_ = 	snop  }
0x90: {  	(tm) =	ssettm $0x1  }
0x91: {  	s17 =	sld [smem:$0x3FFB];
	_ =	sdelay $0x3  }
0x92: {  	_ =	strace s17  }
0x93: {  	s2 =	sld [smem:$0x3FFC];
	_ =	sdelay $0x3  }
0x94: {  	_ =	strace s2  }
0x95: {  	s2 =	sld [smem:$0x3FFD];
	_ =	sdelay $0x3  }
0x96: {  	_ =	strace s2  }
0x97: {  	_ =	strace $0x8FFFFFFF  }
0x98: {  	s18 =	sld [smem:$0x3FDB];
	_ =	sdelay $0x1  }
0x99: {  	s19 =	simm.s32 $_scs_section_size  }
0x9a: {  	s4 =	simm.s32 $_size__tile_overlayer_lowered;
	s5 =	simm.s32 $_tile_overlayer_lowered  }
0x9b: {  	s22 =	simm.s32 $0x1BFF;
	s21 =	sshll.u32 s5, $0x1;
	s2 =	sadd.s32 s19, s18  }
0x9c: {  	s6 =	simm.s32 $0x0;
	s20 =	sshll.u32 s4, $0x1;
	s4 =	sadd.s32 s21, s2  }
0x9d: {  	[timem:s6], [sflag:s22] =	dma.local [hbm:s4], s20  }
0x9e: {  	_ =	swait.ge [sflag:s22], s20  }
0x9f: {  	s3 =	ssub.s32 $0x0, s20;
	[sflag:s22] =	ssyncset.done $0x0  }
0xa0: {  	[sflag:s22] =	ssyncadd.s32 s3;
	_ =	sdelay $0x1  }
0xa1: {  	s23 =	simm.s32 $0x1B8B  }
0xa2: {  	_ =	swait.ge [sflag:s23], $0x1  }
0xa3: {  	[sflag:s23] =	ssyncset.done $0x0  }
0xa4: {  	s25 =	simm.s32 $0x1B8E;
	s24 =	sld [smem:$0x3FFE];
	[sflag:s23] =	ssyncadd.s32 $0xFFFFFFFF  }
0xa5: {  	s26 =	simm.s32 $execute0_lowered;
	[smem:$0x3FD2] =	sst s25  }
0xa6: {  	s4 =	sshll.u32 s26, $0x1;
	_ =	strace $0x80000046;
	[dreg:$0x1] =	wrdreg $0xFFFFFFFF  }
0xa7: {  	s28 =	simm.s32 $_size_execute0_lowered;
	s2 =	sadd.s32 s2, s4;
	[dreg:$0x0] =	wrdreg $0x0  }
0xa8: {  	s4 =	sshll.u32 s28, $0x1;
	[dreg:$0x2] =	wrdreg s2  }
0xa9: {  	[dreg:$0x3] =	wrdreg s4  }
0xaa: {  	[dreg:$0x4] =	wrdreg $0xC0  }
0xab: {  	_ =	task [dreg:s6], $0x5FFFF  }
0xac: {  	[dreg:$0x1] =	wrdreg $0xFFFFFFFF  }
0xad: {  	[dreg:$0x0] =	wrdreg $0x60  }
0xae: {  	[dreg:$0x2] =	wrdreg s24  }
0xaf: {  	[dreg:$0x3] =	wrdreg $0x9  }
0xb0: {  	_ =	task.clear_ibuf [dreg:s6], $0x4FFFF;
	_ =	strace $0x90000046  }
0xb1: {  	s29 =	simm.s32 $0x9;
	_ =	strace $0x80000048  }
0xb2: {  	_ =	swait.ge [sflag:s29], $0x1  }
0xb3: {  	[sflag:s29] =	ssyncadd.s32 $0xFFFFFFFF  }
0xb4: {  	_ =	strace $0x90000048  }
0xb5: {  	_ =	sfence  }
0xb6: {  	s30 =	sld [smem:$0x0];
	_ =	sdelay $0x2  }
0xb7: {  	s31 =	sshll.u32 s1, $0xD;
	s1 =	sshrl.u32 s1, $0x2  }
0xb8: {  	s3 =	sand.u32 $0x4000, s31;
	s1 =	sadd.s32 s1, s30  }
0xb9: {  	s0 =	sor.u32 s3, s0;
	s1 =	sshll.u32 s1, $0x11  }
0xba: {  	s0 =	sor.u32 s1, s0  }
0xbb: {  	s0 =	sadd.s32 $0x8F2B, s0  }
0xbc: {  	[sflag:s0] =	ssyncadd.remote.s32 $0x1  }
0xbd: {  	_ =	sfence.sel $0xFFFF  }
0xbe: {  	[dreg:$0x0] =	wrdreg $0xFFFFFFFF;
	(pc) =	sbr.abs _section_cstart, $3  }
0xbf: {  	[dreg:$0x1] =	wrdreg $0xFFFFFFFF  }
0xc0: {  	_ =	task.clear_ibuf [dreg:s6], $0x2FFFF;
	_ =	strace $0x9FFFFFFF  }
0xc1: {  	(tm) =	ssettm $0x7FFFFFFF  }
tec
execute0_lowered:
.L_overlay_start_1:
0x0: {  	(tag) =	ssettag $0x1  }
0x1: {  	s0 =	srdreg.scid  }
0x2: {  	s5 =	rddreg [dreg:$0x0];
	s3 =	sand.u32 $0x1, s0  }
0x3: {  	s2 =	simm.s32 $0x0;
	s0 =	stileid.u32;
	s1 =	sshll.u32 s3, $0x4  }
0x4: {  	s8 =	simm.s32 $0x80;
	s9 =	simm.s32 $0x400;
	s4 =	sor.u32 s0, s1  }
0x5: {  	[smem:$0x7FF] =	sst s2;
	s6 =	sshrl.u32 s4, $0x3;
	s4 =	smul.u32 $0x2800, s4  }
0x6: {  	s7 =	sshll.u32 s0, $0x7;
	s3 =	ssub.s32 $0x2, s3;
	s6 =	smul.u32 $0x14000, s6  }
0x7: {  	s1 =	rddreg [dreg:$0x1];
	_ =	strace $0x80000047;
	s7 =	sand.u32 $0x380, s7  }
0x8: {  	s30 =	sshrl.u32 s3, $0x1;
	s4 =	sshrl.u32 s4, $0x3;
	s6 =	sor.u32 s7, s6  }
0x9: {  	s31 =	ssub.s32 s3, s30;
	s4 =	sadd.s32 s5, s4;
	s6 =	sshrl.u32 s6, $0x3  }
0xa: {  	s7 =	simm.s32 $0x2800;
	s3 =	sadd.s32 $0xD200, s4;
	s5 =	sadd.s32 s6, s5  }
0xb: {  	v0 =	vimm.f32 $0.0e+00;
	v1 =	vimm.f32 $1.000000000e+00;
	s6 =	simm.s32 $0x1;
	s4 =	sadd.s32 $0x17200, s5;
	s5 =	smax.u32 s31, $0x1  }
.LBB2_1:
0xc: {  	s10 =	simm.s32 $0x40;
	s11 =	simm.s32 $0x0  }
.LBB2_2:
0xd: {  	p0 =	sne.s32 s10, $0x9FC0;
	[tilespmem:s11+$0x2800] =	vst v0;
	s11 =	smov.u32 s10;
	s10 =	sadd.s32 $0x40, s10  }
.Ltmp0:
0xe: {  	(pc) =	sbr.rel @p0 .LBB2_2-.Ltmp0, $2  }
0xf: {  	_ =	sdelay $0x2  }
0x10: {  	s11 =	sshra.s32 s11, $0x2  }
0x11: {  	[tilespmem:s11+$0x2800] =	vst v0;
	s10 =	simm.s32 $0x0  }
0x12: {  	[tilespmem:s10], [sflag:$0x1] =	stream.linear.gather [hbm4b:s3+s10], $0x2800, $0x38;
	[tilespmem:$0x5000] =	vst v63  }
0x13: {  	s31 =	sand.u32 $0xFE00, s10;
	_ =	swait.ge [sflag:s6], $0x2800  }
0x14: {  	s10 =	sand.u32 $0x70, s10;
	s11 =	sshrl.u32 s31, $0x2;
	[sflag:s6] =	ssyncset.done $0x0  }
0x15: {  	s10 =	sor.u32 s10, s11;
	[sflag:s6] =	ssyncadd.s32 $0xFFFFD800  }
0x16: {  	v2 =	vld [tilespmem:s10+$0x0];
	_ =	sdelay $0x4  }
0x17: {  	s12 =	simm.s32 $0x40  }
0x18: {  	s12 =	sand.u32 $0xFE00, s12;
	s11 =	simm.s32 $0x80;
	s10 =	simm.s32 $0x10  }
.LBB2_4:
0x19: {  	p0 =	sne.s32 s11, $0x9FC0;
	s13 =	sand.u32 $0x70, s10;
	s12 =	sshrl.u32 s12, $0x2  }
0x1a: {  	s12 =	sor.u32 s13, s12;
	[tilespmem:v2+s7+$0x0] =	vst.idx.add.f32.msk $0xffff, v1  }
0x1b: {  	v2 =	vld [tilespmem:s12+$0x0];
	_ =	sdelay $0x1  }
.Ltmp1:
0x1c: {  	(pc) =	sbr.rel @p0 .LBB2_4-.Ltmp1, $2  }
0x1d: {  	_ =	sdelay $0x2  }
0x1e: {  	s10 =	sadd.s32 $0x10, s10;
	s12 =	sand.u32 $0xFE00, s11;
	s11 =	sadd.s32 $0x40, s11  }
0x1f: {  	_ =	sdelay $0x2  }
0x20: {  	s10 =	sand.u32 $0x70, s10;
	s11 =	sshrl.u32 s12, $0x2  }
0x21: {  	[tilespmem:v2+s7+$0x0] =	vst.idx.add.f32.msk $0xffff, v1;
	s10 =	sor.u32 s10, s11  }
0x22: {  	v2 =	vld [tilespmem:s10+$0x0];
	_ =	sdelay $0x5  }
0x23: {  	s2 =	sadd.s32 $0x1, s2  }
0x24: {  	p0 =	sne.s32 s2, s5  }
.Ltmp2:
0x25: {  	[tilespmem:v2+s7+$0x0] =	vst.idx.add.f32.msk $0xffff, v1;
	(pc) =	sbr.rel @p0 .LBB2_1-.Ltmp2, $4  }
0x26: {  	[hbm4b:s4+s8] =	stream.strided.scatter [tilespmem:s7], [sflag:$0x1], $0x2800, s9, s8, $0x38;
	[tilespmem:$0x5000] =	vst v63  }
0x27: {  	_ =	swait.ge [sflag:s6], $0x2800  }
0x28: {  	[sflag:s6] =	ssyncset.done $0x0  }
0x29: {  	[sflag:s6] =	ssyncadd.s32 $0xFFFFD800  }
0x2a: {  	_ =	sfence.sel $0x180000  }
0x2b: {  	[bflag:$0x0] =	sbarrier.arrive $0xFFFF  }
0x2c: {  	p0 =	sne.s32 s0, $0x0;
	_ =	strace $0x90000047  }
0x2d: {  	s0 =	sadd.s32 @!p0 $0x100000, s1;
	[bflag:$0x2] =	sbarrier.arrive $0xFFFF  }
0x2e: {  	[sflag:s0] =	ssyncadd.tile.s32 @!p0 $0x1;
	_ =	shalt  }
.Lfunc_end2:
_tile_overlayer_lowered:
.L_overlay_start_2:
0x2f: {  	(tag) =	ssettag $0x2  }
0x30: {  	s0 =	rddreg [dreg:$0x0];
	s2 =	stileid.u32  }
0x31: {  	s1 =	rddreg [dreg:$0x1];
	p0 =	sne.s32 s2, $0x0  }
0x32: {  	s3 =	rddreg [dreg:$0x2];
	[bflag:$0x3] =	sbarrier.arrive $0xFFFF;
	s2 =	simm.s32 @!p0 $0x1C01  }
0x33: {  	[timem:s3], [sflag:s2] =	dma.local @!p0 [hbm:s0], s1  }
0x34: {  	s0 =	simm.s32 @!p0 $0x1  }
0x35: {  	_ =	swait.ge @!p0 [sflag:s0], s1  }
0x36: {  	s1 =	ssub.s32 @!p0 $0x0, s1;
	[sflag:s0] =	ssyncset.done @!p0 $0x0  }
0x37: {  	[sflag:s0] =	ssyncadd.s32 @!p0 s1  }
0x38: {  	[bflag:$0x3] =	sbarrier.arrive $0xFFFF  }
0x39: {  	_ =	shalt  }

// kernel: kernel.13.cloned.1.call-start
scs
__scs_entry_jumppad:
0x0: {  	(pc) =	sbr.rel $0x88, $3  }
0x1: {  	(tag) =	ssettag $0x0;
	lr =	simm.s32 $0x1  }
0x2: {  	[smem:$0x3F95] =	sst lr;
	_ =	strace $0xD0000000  }
0x3: {  	_ = 	snop  }
0x4: {  	_ = 	snop  }
0x5: {  	_ = 	snop  }
0x6: {  	_ = 	snop  }
0x7: {  	_ = 	snop  }
__scs_overlays_trampoline_lowered:
0x8: {  	[smem:$0x3FA4] =	sst s0  }
0x9: {  	[smem:$0x3FA5] =	sst s1  }
0xa: {  	[smem:$0x3FA6] =	sst s2  }
0xb: {  	[smem:$0x3FA7] =	sst s3  }
0xc: {  	[smem:$0x3FA8] =	sst s4  }
0xd: {  	[smem:$0x3FA9] =	sst s5  }
0xe: {  	[smem:$0x3FAA] =	sst s6  }
0xf: {  	[smem:$0x3FAB] =	sst s7  }
0x10: {  	[smem:$0x3FAC] =	sst s8  }
0x11: {  	[smem:$0x3FAD] =	sst s9;
	s0 =	simm.s32 @!p0 $0x0  }
0x12: {  	s1 =	sld [smem:$0x3F93];
	s0 =	simm.s32 @p0 $0x1  }
0x13: {  	[smem:$0x3FAE] =	sst s0;
	s0 =	simm.s32 @!p1 $0x0  }
0x14: {  	s2 =	sld [smem:$0x3F92];
	s0 =	simm.s32 @p1 $0x1  }
0x15: {  	[smem:$0x3FAF] =	sst s0;
	s0 =	simm.s32 @!p2 $0x0  }
0x16: {  	s3 =	sld [smem:$0x3FDB];
	s0 =	simm.s32 @p2 $0x1  }
0x17: {  	s4 =	simm.s32 $0x1BF5;
	[smem:$0x3FB1] =	sst s0  }
0x18: {  	s0 =	sld [smem:$0x3F94];
	_ =	swait.ge [sflag:s4], $0x0  }
0x19: {  	s7 =	sld [smem:$0x3F95]  }
0x1a: {  	s8 =	sadd.s32 $0xFFFFE003, lr  }
0x1b: {  	s9 =	sadd.s32 $0xFFFFFEF7, lr;
	s5 =	simm.s32 $0xFFFFFFFF;
	p2 =	slt.u32 s8, $0xFFFFF086  }
0x1c: {  	p1 =	slt.u32 s9, $0xF7A;
	s5 =	simm.s32 @!p2 $0x0  }
0x1d: {  	s5 =	simm.s32 @p1 $0x1;
	p0 =	seq.s32 s7, s2  }
0x1e: {  	s7 =	smul.u32 @!p0 $0xF7A, s2;
	p2 =	seq.s32 @!p0 s5, $0x0  }
0x1f: {  	s9 =	smul.u32 $0xF7A, s1;
	s8 =	simm.s32 @!p0 $0x1BF5;
	p2 =	por !p2, p0  }
0x20: {  	[sflag:s8] =	ssyncset.s32 @!p0 $0xFFFFF086;
	s6 =	sadd.s32 @!p0 s3, s7;
	s7 =	simm.s32 @!p0 $0x108  }
0x21: {  	s3 =	sadd.s32 s3, s9;
	s6 =	sadd.s32 @!p0 $0x88, s6;
	s7 =	simm.s32 @p2 $0x1082  }
0x22: {  	[simem:s7], [sflag:s8] =	dma.local @!p0 [hbm:s6], $0xF7A  }
0x23: {  	s9 =	sor.u32 $0xD0000000, s2;
	s6 =	simm.s32 $0x108;
	_ =	swait.ge @!p0 [sflag:s8], $0x0  }
0x24: {  	s3 =	sadd.s32 $0x88, s3;
	s6 =	simm.s32 @!p1 $0x1082;
	[sflag:s4] =	ssyncset.s32 $0xFFFFF086  }
0x25: {  	[simem:s6], [sflag:s4] =	dma.local [hbm:s3], $0xF7A  }
0x26: {  	[smem:$0x3F95] =	sst s1;
	(tag) =	ssettag s2;
	_ =	strace s9  }
0x27: {  	s1 =	sld [smem:$0x3FA5]  }
0x28: {  	s2 =	sld [smem:$0x3FA6]  }
0x29: {  	s4 =	sld [smem:$0x3FA8]  }
0x2a: {  	p0 =	seq.s32 s5, $0x0;
	s5 =	sld [smem:$0x3FA9]  }
0x2b: {  	s6 =	sld [smem:$0x3FAA]  }
0x2c: {  	s7 =	sld [smem:$0x3FAB]  }
0x2d: {  	s3 =	simm.s32 $0x108;
	s8 =	sld [smem:$0x3FAC]  }
0x2e: {  	s3 =	simm.s32 @!p0 $0x1082;
	s9 =	sld [smem:$0x3FAD]  }
0x2f: {  	lr =	sadd.s32 s0, s3;
	s0 =	sld [smem:$0x3FA4]  }
0x30: {  	s3 =	sld [smem:$0x3FA7]  }
0x31: {  	[smem:$0x3FB0] =	sst s10  }
0x32: {  	s10 =	sld [smem:$0x3FAE];
	_ =	sdelay $0x3  }
0x33: {  	p0 =	seq.s32 s10, $0x1;
	s10 =	sld [smem:$0x3FB0];
	_ =	sdelay $0x3  }
0x34: {  	[smem:$0x3FB0] =	sst s10  }
0x35: {  	s10 =	sld [smem:$0x3FAF];
	_ =	sdelay $0x3  }
0x36: {  	p1 =	seq.s32 s10, $0x1;
	s10 =	sld [smem:$0x3FB0];
	_ =	sdelay $0x3  }
0x37: {  	[smem:$0x3FB0] =	sst s10  }
0x38: {  	s10 =	sld [smem:$0x3FB1]  }
0x39: {  	_ = 	snop;
	(pc) =	sbr.ind lr, $3  }
0x3a: {  	_ = 	snop  }
0x3b: {  	_ = 	snop  }
0x3c: {  	p2 =	seq.s32 s10, $0x1;
	s10 =	sld [smem:$0x3FB0]  }
0x3d: {  	_ =	shalt  }
0x3e: {  	_ =	shalt  }
0x3f: {  	_ =	shalt  }
0x40: {  	_ =	shalt  }
0x41: {  	_ =	shalt  }
0x42: {  	_ =	shalt  }
0x43: {  	_ =	shalt  }
0x44: {  	_ =	shalt  }
0x45: {  	_ =	shalt  }
0x46: {  	_ =	shalt  }
0x47: {  	_ =	shalt  }
0x48: {  	_ =	shalt  }
0x49: {  	_ =	shalt  }
0x4a: {  	_ =	shalt  }
0x4b: {  	_ =	shalt  }
0x4c: {  	_ =	shalt  }
0x4d: {  	_ =	shalt  }
0x4e: {  	_ =	shalt  }
0x4f: {  	_ =	shalt  }
0x50: {  	_ =	shalt  }
0x51: {  	_ =	shalt  }
0x52: {  	_ =	shalt  }
0x53: {  	_ =	shalt  }
0x54: {  	_ =	shalt  }
0x55: {  	_ =	shalt  }
0x56: {  	_ =	shalt  }
0x57: {  	_ =	shalt  }
0x58: {  	_ =	shalt  }
0x59: {  	_ =	shalt  }
0x5a: {  	_ =	shalt  }
0x5b: {  	_ =	shalt  }
0x5c: {  	_ =	shalt  }
0x5d: {  	_ =	shalt  }
0x5e: {  	_ =	shalt  }
0x5f: {  	_ =	shalt  }
0x60: {  	_ =	shalt  }
0x61: {  	_ =	shalt  }
0x62: {  	_ =	shalt  }
0x63: {  	_ =	shalt  }
0x64: {  	_ =	shalt  }
0x65: {  	_ =	shalt  }
0x66: {  	_ =	shalt  }
0x67: {  	_ =	shalt  }
0x68: {  	_ =	shalt  }
0x69: {  	_ =	shalt  }
0x6a: {  	_ =	shalt  }
0x6b: {  	_ =	shalt  }
0x6c: {  	_ =	shalt  }
0x6d: {  	_ =	shalt  }
0x6e: {  	_ =	shalt  }
0x6f: {  	_ =	shalt  }
0x70: {  	_ =	shalt  }
0x71: {  	_ =	shalt  }
0x72: {  	_ =	shalt  }
0x73: {  	_ =	shalt  }
0x74: {  	_ =	shalt  }
0x75: {  	_ =	shalt  }
0x76: {  	_ =	shalt  }
0x77: {  	_ =	shalt  }
0x78: {  	_ =	shalt  }
0x79: {  	_ =	shalt  }
0x7a: {  	_ =	shalt  }
0x7b: {  	_ =	shalt  }
0x7c: {  	_ =	shalt  }
0x7d: {  	_ =	shalt  }
0x7e: {  	_ =	shalt  }
0x7f: {  	_ =	shalt  }
0x80: {  	_ =	shalt  }
0x81: {  	_ =	shalt  }
0x82: {  	_ =	shalt  }
0x83: {  	_ =	shalt  }
0x84: {  	_ =	shalt  }
0x85: {  	_ =	shalt  }
0x86: {  	_ =	shalt  }
0x87: {  	_ =	shalt  }
.Lfunc_end0:
.L_simem_size_0:
called_computation.1_lowered:
.L_overlay_start_0:
0x88: {  	s2 =	sld [smem:$0x3FD9]  }
0x89: {  	s3 =	sld [smem:$0x3FFE];
	_ =	sdelay $0x1  }
0x8a: {  	s1 =	srdreg.scid  }
0x8b: {  	s0 =	sand.u32 $0x1, s1  }
0x8c: {  	s16 =	sshll.u32 s0, $0xA;
	s2 =	sadd.s32 s3, s2  }
0x8d: {  	s2 =	sadd.s32 s2, s16  }
0x8e: {  	[smem:$0x3FBC] =	sst s2  }
0x8f: {  	_ = 	snop  }
0x90: {  	(tm) =	ssettm $0x1  }
0x91: {  	s17 =	sld [smem:$0x3FFB];
	_ =	sdelay $0x3  }
0x92: {  	_ =	strace s17  }
0x93: {  	s2 =	sld [smem:$0x3FFC];
	_ =	sdelay $0x3  }
0x94: {  	_ =	strace s2  }
0x95: {  	s2 =	sld [smem:$0x3FFD];
	_ =	sdelay $0x3  }
0x96: {  	_ =	strace s2  }
0x97: {  	_ =	strace $0x8FFFFFFF  }
0x98: {  	s18 =	sld [smem:$0x3FDB];
	_ =	sdelay $0x1  }
0x99: {  	s19 =	simm.s32 $_scs_section_size  }
0x9a: {  	s4 =	simm.s32 $_size__tile_overlayer_lowered;
	s5 =	simm.s32 $_tile_overlayer_lowered  }
0x9b: {  	s22 =	simm.s32 $0x1BFF;
	s21 =	sshll.u32 s5, $0x1;
	s2 =	sadd.s32 s19, s18  }
0x9c: {  	s6 =	simm.s32 $0x0;
	s20 =	sshll.u32 s4, $0x1;
	s4 =	sadd.s32 s21, s2  }
0x9d: {  	[timem:s6], [sflag:s22] =	dma.local [hbm:s4], s20  }
0x9e: {  	_ =	swait.ge [sflag:s22], s20  }
0x9f: {  	s3 =	ssub.s32 $0x0, s20;
	[sflag:s22] =	ssyncset.done $0x0  }
0xa0: {  	[sflag:s22] =	ssyncadd.s32 s3;
	_ =	sdelay $0x1  }
0xa1: {  	s23 =	simm.s32 $0x1B8B  }
0xa2: {  	_ =	swait.ge [sflag:s23], $0x1  }
0xa3: {  	[sflag:s23] =	ssyncset.done $0x0  }
0xa4: {  	s25 =	simm.s32 $0x1B8E;
	s24 =	sld [smem:$0x3FFE];
	[sflag:s23] =	ssyncadd.s32 $0xFFFFFFFF  }
0xa5: {  	s26 =	simm.s32 $execute0_lowered;
	[smem:$0x3FD2] =	sst s25  }
0xa6: {  	s4 =	sshll.u32 s26, $0x1;
	_ =	strace $0x80000049;
	[dreg:$0x1] =	wrdreg $0xFFFFFFFF  }
0xa7: {  	s28 =	simm.s32 $_size_execute0_lowered;
	s2 =	sadd.s32 s2, s4;
	[dreg:$0x0] =	wrdreg $0x0  }
0xa8: {  	s4 =	sshll.u32 s28, $0x1;
	[dreg:$0x2] =	wrdreg s2  }
0xa9: {  	[dreg:$0x3] =	wrdreg s4  }
0xaa: {  	[dreg:$0x4] =	wrdreg $0xC0  }
0xab: {  	_ =	task [dreg:s6], $0x5FFFF  }
0xac: {  	[dreg:$0x1] =	wrdreg $0xFFFFFFFF  }
0xad: {  	[dreg:$0x0] =	wrdreg $0x60  }
0xae: {  	[dreg:$0x2] =	wrdreg s24  }
0xaf: {  	[dreg:$0x3] =	wrdreg $0x110000  }
0xb0: {  	[dreg:$0x4] =	wrdreg $0x9  }
0xb1: {  	_ =	task.clear_ibuf [dreg:s6], $0x5FFFF;
	_ =	strace $0x90000049  }
0xb2: {  	s29 =	simm.s32 $0x9;
	_ =	strace $0x8000004B  }
0xb3: {  	_ =	swait.ge [sflag:s29], $0x1  }
0xb4: {  	[sflag:s29] =	ssyncadd.s32 $0xFFFFFFFF  }
0xb5: {  	_ =	strace $0x9000004B  }
0xb6: {  	_ =	sfence  }
0xb7: {  	s30 =	sld [smem:$0x0];
	_ =	sdelay $0x2  }
0xb8: {  	s31 =	sshll.u32 s1, $0xD;
	s1 =	sshrl.u32 s1, $0x2  }
0xb9: {  	s3 =	sand.u32 $0x4000, s31;
	s1 =	sadd.s32 s1, s30  }
0xba: {  	s0 =	sor.u32 s3, s0;
	s1 =	sshll.u32 s1, $0x11  }
0xbb: {  	s0 =	sor.u32 s1, s0  }
0xbc: {  	s0 =	sadd.s32 $0x8F2B, s0  }
0xbd: {  	[sflag:s0] =	ssyncadd.remote.s32 $0x1  }
0xbe: {  	_ =	sfence.sel $0xFFFF  }
0xbf: {  	[dreg:$0x0] =	wrdreg $0xFFFFFFFF;
	(pc) =	sbr.abs _section_cstart, $3  }
0xc0: {  	[dreg:$0x1] =	wrdreg $0xFFFFFFFF  }
0xc1: {  	_ =	task.clear_ibuf [dreg:s6], $0x2FFFF;
	_ =	strace $0x9FFFFFFF  }
0xc2: {  	(tm) =	ssettm $0x7FFFFFFF  }
0xc3: {  	_ =	shalt  }
tec
execute0_lowered:
.L_overlay_start_1:
0x0: {  	(tag) =	ssettag $0x1  }
0x1: {  	s0 =	srdreg.scid;
	s3 =	rddreg [dreg:$0x0]  }
0x2: {  	s7 =	stileid.u32;
	s2 =	rddreg [dreg:$0x1];
	s4 =	simm.s32 $0x0  }
0x3: {  	s14 =	simm.s32 $0xB;
	s16 =	simm.s32 $0x5000;
	s17 =	simm.s32 $0x80  }
0x4: {  	s18 =	simm.s32 $0x7000;
	s19 =	simm.s32 $0x9000;
	s21 =	simm.s32 $0xB000  }
0x5: {  	s23 =	simm.s32 $0xD000;
	s28 =	simm.s32 $0x6;
	s29 =	simm.s32 $0x2  }
0x6: {  	s30 =	simm.s32 $0x7;
	s31 =	simm.s32 $0x3;
	s15 =	simm.s32 $0x9  }
0x7: {  	s20 =	simm.s32 $0x5;
	s22 =	simm.s32 $0xA;
	s24 =	simm.s32 $0x0  }
0x8: {  	s0 =	sand.u32 $0x1, s0;
	s5 =	smul.u32 $0x14000, s7;
	[smem:$0x7FF] =	sst s4  }
0x9: {  	s4 =	sadd.s32 $0x3200, s3;
	s1 =	sshll.u32 s0, $0x4;
	s6 =	smul.u32 $0x140000, s0  }
0xa: {  	s0 =	ssub.s32 $0x2, s0;
	s1 =	sor.u32 s7, s1;
	s7 =	smul.u32 $0x28000, s7  }
0xb: {  	_ =	strace $0x8000004A;
	s8 =	sshrl.u32 s0, $0x1;
	s1 =	smul.u32 $0x2800, s1  }
0xc: {  	s6 =	sadd.s32 s5, s6;
	s0 =	ssub.s32 s0, s8;
	s5 =	sshrl.u32 s5, $0x1  }
0xd: {  	s6 =	sshrl.u32 s6, $0x4;
	s25 =	sshrl.u32 s7, $0x2;
	s7 =	sadd.s32 s5, s2  }
0xe: {  	s13 =	smax.u32 s0, $0x1;
	s0 =	simm.s32 $0x4;
	s1 =	sshrl.u32 s1, $0x3  }
0xf: {  	s11 =	sadd.s32 s25, s2;
	s25 =	simm.s32 $0xF000;
	s1 =	sadd.s32 s1, s3  }
0x10: {  	s3 =	sadd.s32 s6, s3;
	s8 =	sadd.s32 $0x2000, s11;
	s9 =	sadd.s32 $0x4000, s11  }
0x11: {  	s10 =	sadd.s32 $0x6000, s11;
	s11 =	sadd.s32 $0x8000, s11;
	s26 =	sadd.s32 $0x21200, s1  }
0x12: {  	s1 =	sadd.s32 $0x2B200, s1;
	s12 =	sadd.s32 $0x35200, s3;
	[dreg:$0x3] =	wrdreg s26  }
0x13: {  	v0 =	vimm.bf16 $0.0e+00;
	[dreg:$0x4] =	wrdreg s1;
	s26 =	simm.s32 $0x1;
	s1 =	simm.s32 $0x8  }
.LBB2_1:
0x14: {  	s3 =	simm.s32 $0x0;
	s5 =	rddreg [dreg:$0x3]  }
0x15: {  	[tilespmem:s3], [sflag:$0xB] =	stream.linear.gather [hbm4b:s5+s3], $0x2800, $0x38;
	[tilespmem:$0x1B000] =	vst v63  }
0x16: {  	_ =	swait.ge [sflag:s14], $0x2800  }
0x17: {  	[sflag:s14] =	ssyncset.done $0x0  }
0x18: {  	s6 =	simm.s32 $0x2800;
	s5 =	rddreg [dreg:$0x4];
	[sflag:s14] =	ssyncadd.s32 $0xFFFFD800  }
0x19: {  	[tilespmem:s6], [sflag:$0xB] =	stream.linear.gather [hbm4b:s5+s3], $0x2800, $0x38;
	[tilespmem:$0x1B000] =	vst v63  }
0x1a: {  	_ =	swait.ge [sflag:s14], $0x2800  }
0x1b: {  	[sflag:s14] =	ssyncset.done $0x0  }
0x1c: {  	s5 =	simm.s32 $0x100;
	s3 =	simm.s32 $0x0;
	[sflag:s14] =	ssyncadd.s32 $0xFFFFD800  }
.LBB2_2:
0x1d: {  	p0 =	sne.s32 s5, $0x7F00;
	[tilespmem:s3+$0x5030] =	vst v0;
	s6 =	smov.u32 s5;
	s5 =	sadd.s32 $0x100, s5  }
.Ltmp0:
0x1e: {  	[tilespmem:s3+$0x5020] =	vst v0;
	(pc) =	sbr.rel @p0 .LBB2_2-.Ltmp0, $3  }
0x1f: {  	[tilespmem:s3+$0x5000] =	vst v0  }
0x20: {  	[tilespmem:s3+$0x5010] =	vst v0;
	_ =	sdelay $0x1  }
0x21: {  	s3 =	sshra.s32 s6, $0x2  }
0x22: {  	[tilespmem:s3+$0x5030] =	vst v0  }
0x23: {  	[tilespmem:s3+$0x5020] =	vst v0  }
0x24: {  	[tilespmem:s3+$0x5000] =	vst v0  }
0x25: {  	[tilespmem:s3+$0x5010] =	vst v0  }
0x26: {  	[spmem:s7] =	stream.linear.scatter [tilespmem:s16], [sflag:$0xB], $0x2000, $0x38;
	[tilespmem:$0x1B000] =	vst v63  }
0x27: {  	_ =	swait.ge [sflag:s14], $0x2000  }
0x28: {  	[sflag:s14] =	ssyncset.done $0x0  }
0x29: {  	[sflag:s14] =	ssyncadd.s32 $0xFFFFE000  }
0x2a: {  	[spmem:s8] =	stream.linear.scatter [tilespmem:s16], [sflag:$0xB], $0x2000, $0x38;
	[tilespmem:$0x1B000] =	vst v63  }
0x2b: {  	_ =	swait.ge [sflag:s14], $0x2000  }
0x2c: {  	[sflag:s14] =	ssyncset.done $0x0  }
0x2d: {  	[sflag:s14] =	ssyncadd.s32 $0xFFFFE000  }
0x2e: {  	[spmem:s9] =	stream.linear.scatter [tilespmem:s16], [sflag:$0xB], $0x2000, $0x38;
	[tilespmem:$0x1B000] =	vst v63  }
0x2f: {  	_ =	swait.ge [sflag:s14], $0x2000  }
0x30: {  	[sflag:s14] =	ssyncset.done $0x0  }
0x31: {  	[sflag:s14] =	ssyncadd.s32 $0xFFFFE000  }
0x32: {  	[spmem:s10] =	stream.linear.scatter [tilespmem:s16], [sflag:$0xB], $0x2000, $0x38;
	[tilespmem:$0x1B000] =	vst v63  }
0x33: {  	_ =	swait.ge [sflag:s14], $0x2000  }
0x34: {  	[sflag:s14] =	ssyncset.done $0x0  }
0x35: {  	[sflag:s14] =	ssyncadd.s32 $0xFFFFE000  }
0x36: {  	[spmem:s11] =	stream.linear.scatter [tilespmem:s16], [sflag:$0xB], $0x2000, $0x38;
	[tilespmem:$0x1B000] =	vst v63  }
0x37: {  	_ =	swait.ge [sflag:s14], $0x2000  }
0x38: {  	[sflag:s14] =	ssyncset.done $0x0  }
0x39: {  	[sflag:s14] =	ssyncadd.s32 $0xFFFFE000  }
0x3a: {  	s6 =	simm.s32 $0x0;
	[bflag:$0x0] =	sbarrier.arrive $0xFFFF  }
0x3b: {  	[tilespmem:s18], [sflag:$0x1] =	stream.indirect.gather [hbm4b:s4+s17], $0x40, s6, s17, $0xb8;
	[tilespmem:$0x1B000] =	vst v63  }
0x3c: {  	_ = 	snop  }
0x3d: {  	[tilespmem:s19], [sflag:$0x2] =	stream.indirect.gather [hbm4b:s4+s17], $0x40, s17, s17, $0xb8;
	[tilespmem:$0x1B000] =	vst v63  }
0x3e: {  	s5 =	simm.s32 $0x100  }
0x3f: {  	[tilespmem:s21], [sflag:$0x3] =	stream.indirect.gather [hbm4b:s4+s17], $0x40, s5, s17, $0xb8;
	[tilespmem:$0x1B000] =	vst v63  }
0x40: {  	s6 =	simm.s32 $0x180  }
0x41: {  	[tilespmem:s23], [sflag:$0x4] =	stream.indirect.gather [hbm4b:s4+s17], $0x40, s6, s17, $0xb8;
	[tilespmem:$0x1B000] =	vst v63  }
0x42: {  	s5 =	simm.s32 $0x200  }
0x43: {  	[tilespmem:s25], [sflag:$0x5] =	stream.indirect.gather [hbm4b:s4+s17], $0x40, s5, s17, $0xb8;
	[tilespmem:$0x1B000] =	vst v63  }
0x44: {  	_ =	swait.ge [sflag:s26], $0x2000  }
0x45: {  	[sflag:s26] =	ssyncset.done $0x0  }
0x46: {  	s6 =	simm.s32 $0x2800;
	[sflag:s26] =	ssyncadd.s32 $0xFFFFE000  }
0x47: {  	[spmem:s2] =	stream.indirect.scatter.add.bf16 [tilespmem:s18], [sflag:$0x6], $0x40, s6, s17, $0xb8;
	[tilespmem:$0x1B000] =	vst v63  }
0x48: {  	_ =	swait.ge [sflag:s28], $0x2000  }
0x49: {  	[sflag:s28] =	ssyncset.done $0x0  }
0x4a: {  	s5 =	simm.s32 $0x280;
	[sflag:s28] =	ssyncadd.s32 $0xFFFFE000  }
0x4b: {  	[tilespmem:s18], [sflag:$0x1] =	stream.indirect.gather [hbm4b:s4+s17], $0x40, s5, s17, $0xb8;
	[tilespmem:$0x1B000] =	vst v63  }
0x4c: {  	_ =	swait.ge [sflag:s29], $0x2000  }
0x4d: {  	[sflag:s29] =	ssyncset.done $0x0  }
0x4e: {  	s6 =	simm.s32 $0x2880;
	[sflag:s29] =	ssyncadd.s32 $0xFFFFE000  }
0x4f: {  	[spmem:s2] =	stream.indirect.scatter.add.bf16 [tilespmem:s19], [sflag:$0x7], $0x40, s6, s17, $0xb8;
	[tilespmem:$0x1B000] =	vst v63  }
0x50: {  	_ =	swait.ge [sflag:s30], $0x2000  }
0x51: {  	[sflag:s30] =	ssyncset.done $0x0  }
0x52: {  	s5 =	simm.s32 $0x300;
	[sflag:s30] =	ssyncadd.s32 $0xFFFFE000  }
0x53: {  	[tilespmem:s19], [sflag:$0x2] =	stream.indirect.gather [hbm4b:s4+s17], $0x40, s5, s17, $0xb8;
	[tilespmem:$0x1B000] =	vst v63  }
0x54: {  	_ =	swait.ge [sflag:s31], $0x2000  }
0x55: {  	[sflag:s31] =	ssyncset.done $0x0  }
0x56: {  	s6 =	simm.s32 $0x2900;
	[sflag:s31] =	ssyncadd.s32 $0xFFFFE000  }
0x57: {  	[spmem:s2] =	stream.indirect.scatter.add.bf16 [tilespmem:s21], [sflag:$0x8], $0x40, s6, s17, $0xb8;
	[tilespmem:$0x1B000] =	vst v63  }
0x58: {  	_ =	swait.ge [sflag:s1], $0x2000  }
0x59: {  	[sflag:s1] =	ssyncset.done $0x0  }
0x5a: {  	s5 =	simm.s32 $0x380;
	[sflag:s1] =	ssyncadd.s32 $0xFFFFE000  }
0x5b: {  	[tilespmem:s21], [sflag:$0x3] =	stream.indirect.gather [hbm4b:s4+s17], $0x40, s5, s17, $0xb8;
	[tilespmem:$0x1B000] =	vst v63  }
0x5c: {  	_ =	swait.ge [sflag:s0], $0x2000  }
0x5d: {  	[sflag:s0] =	ssyncset.done $0x0  }
0x5e: {  	s6 =	simm.s32 $0x2980;
	[sflag:s0] =	ssyncadd.s32 $0xFFFFE000  }
0x5f: {  	[spmem:s2] =	stream.indirect.scatter.add.bf16 [tilespmem:s23], [sflag:$0x9], $0x40, s6, s17, $0xb8;
	[tilespmem:$0x1B000] =	vst v63  }
0x60: {  	_ =	swait.ge [sflag:s15], $0x2000  }
0x61: {  	[sflag:s15] =	ssyncset.done $0x0  }
0x62: {  	s5 =	simm.s32 $0x400;
	[sflag:s15] =	ssyncadd.s32 $0xFFFFE000  }
0x63: {  	[tilespmem:s23], [sflag:$0x4] =	stream.indirect.gather [hbm4b:s4+s17], $0x40, s5, s17, $0xb8;
	[tilespmem:$0x1B000] =	vst v63  }
0x64: {  	_ =	swait.ge [sflag:s20], $0x2000  }
0x65: {  	[sflag:s20] =	ssyncset.done $0x0  }
0x66: {  	s6 =	simm.s32 $0x2A00;
	[sflag:s20] =	ssyncadd.s32 $0xFFFFE000  }
0x67: {  	[spmem:s2] =	stream.indirect.scatter.add.bf16 [tilespmem:s25], [sflag:$0xA], $0x40, s6, s17, $0xb8;
	[tilespmem:$0x1B000] =	vst v63  }
0x68: {  	_ =	swait.ge [sflag:s22], $0x2000  }
0x69: {  	[sflag:s22] =	ssyncset.done $0x0  }
0x6a: {  	s3 =	simm.s32 $0xA00;
	s5 =	simm.s32 $0x480;
	[sflag:s22] =	ssyncadd.s32 $0xFFFFE000  }
.LBB2_4:
0x6b: {  	[tilespmem:s25], [sflag:$0x5] =	stream.indirect.gather [hbm4b:s4+s17], $0x40, s5, s17, $0xb8;
	[tilespmem:$0x1B000] =	vst v63  }
0x6c: {  	s5 =	smov.u32 s3  }
0x6d: {  	p0 =	sne.s32 s3, $0x8C00;
	s3 =	sadd.s32 $0xA00, s3;
	_ =	swait.ge [sflag:s26], $0x2000  }
0x6e: {  	s5 =	sshra.s32 s5, $0x2;
	[sflag:s26] =	ssyncset.done $0x0  }
0x6f: {  	s6 =	sadd.s32 $0x2800, s5;
	[sflag:s26] =	ssyncadd.s32 $0xFFFFE000  }
0x70: {  	[spmem:s2] =	stream.indirect.scatter.add.bf16 [tilespmem:s18], [sflag:$0x6], $0x40, s6, s17, $0xb8;
	[tilespmem:$0x1B000] =	vst v63  }
0x71: {  	_ =	swait.ge [sflag:s28], $0x2000  }
0x72: {  	[sflag:s28] =	ssyncset.done $0x0  }
0x73: {  	s6 =	sadd.s32 $0x280, s5;
	[sflag:s28] =	ssyncadd.s32 $0xFFFFE000  }
0x74: {  	[tilespmem:s18], [sflag:$0x1] =	stream.indirect.gather [hbm4b:s4+s17], $0x40, s6, s17, $0xb8;
	[tilespmem:$0x1B000] =	vst v63  }
0x75: {  	_ =	swait.ge [sflag:s29], $0x2000  }
0x76: {  	[sflag:s29] =	ssyncset.done $0x0  }
0x77: {  	s6 =	sadd.s32 $0x2880, s5;
	[sflag:s29] =	ssyncadd.s32 $0xFFFFE000  }
0x78: {  	[spmem:s2] =	stream.indirect.scatter.add.bf16 [tilespmem:s19], [sflag:$0x7], $0x40, s6, s17, $0xb8;
	[tilespmem:$0x1B000] =	vst v63  }
0x79: {  	_ =	swait.ge [sflag:s30], $0x2000  }
0x7a: {  	[sflag:s30] =	ssyncset.done $0x0  }
0x7b: {  	s6 =	sadd.s32 $0x300, s5;
	[sflag:s30] =	ssyncadd.s32 $0xFFFFE000  }
0x7c: {  	[tilespmem:s19], [sflag:$0x2] =	stream.indirect.gather [hbm4b:s4+s17], $0x40, s6, s17, $0xb8;
	[tilespmem:$0x1B000] =	vst v63  }
0x7d: {  	_ =	swait.ge [sflag:s31], $0x2000  }
0x7e: {  	[sflag:s31] =	ssyncset.done $0x0  }
0x7f: {  	s6 =	sadd.s32 $0x2900, s5;
	[sflag:s31] =	ssyncadd.s32 $0xFFFFE000  }
0x80: {  	[spmem:s2] =	stream.indirect.scatter.add.bf16 [tilespmem:s21], [sflag:$0x8], $0x40, s6, s17, $0xb8;
	[tilespmem:$0x1B000] =	vst v63  }
0x81: {  	_ =	swait.ge [sflag:s1], $0x2000  }
0x82: {  	[sflag:s1] =	ssyncset.done $0x0  }
0x83: {  	s6 =	sadd.s32 $0x380, s5;
	[sflag:s1] =	ssyncadd.s32 $0xFFFFE000  }
0x84: {  	[tilespmem:s21], [sflag:$0x3] =	stream.indirect.gather [hbm4b:s4+s17], $0x40, s6, s17, $0xb8;
	[tilespmem:$0x1B000] =	vst v63  }
0x85: {  	_ =	swait.ge [sflag:s0], $0x2000  }
0x86: {  	[sflag:s0] =	ssyncset.done $0x0  }
0x87: {  	s6 =	sadd.s32 $0x2980, s5;
	[sflag:s0] =	ssyncadd.s32 $0xFFFFE000  }
0x88: {  	[spmem:s2] =	stream.indirect.scatter.add.bf16 [tilespmem:s23], [sflag:$0x9], $0x40, s6, s17, $0xb8;
	[tilespmem:$0x1B000] =	vst v63  }
0x89: {  	_ =	swait.ge [sflag:s15], $0x2000  }
0x8a: {  	[sflag:s15] =	ssyncset.done $0x0  }
0x8b: {  	s6 =	sadd.s32 $0x400, s5;
	[sflag:s15] =	ssyncadd.s32 $0xFFFFE000  }
0x8c: {  	[tilespmem:s23], [sflag:$0x4] =	stream.indirect.gather [hbm4b:s4+s17], $0x40, s6, s17, $0xb8;
	[tilespmem:$0x1B000] =	vst v63  }
0x8d: {  	_ =	swait.ge [sflag:s20], $0x2000  }
0x8e: {  	[sflag:s20] =	ssyncset.done $0x0  }
.Ltmp1:
0x8f: {  	s6 =	sadd.s32 $0x2A00, s5;
	[sflag:s20] =	ssyncadd.s32 $0xFFFFE000;
	(pc) =	sbr.rel @p0 .LBB2_4-.Ltmp1, $4  }
0x90: {  	[spmem:s2] =	stream.indirect.scatter.add.bf16 [tilespmem:s25], [sflag:$0xA], $0x40, s6, s17, $0xb8;
	[tilespmem:$0x1B000] =	vst v63  }
0x91: {  	_ =	swait.ge [sflag:s22], $0x2000  }
0x92: {  	[sflag:s22] =	ssyncset.done $0x0  }
0x93: {  	s5 =	sadd.s32 $0x480, s5;
	[sflag:s22] =	ssyncadd.s32 $0xFFFFE000  }
0x94: {  	[tilespmem:s25], [sflag:$0x5] =	stream.indirect.gather [hbm4b:s4+s17], $0x40, s5, s17, $0xb8;
	[tilespmem:$0x1B000] =	vst v63  }
0x95: {  	_ =	swait.ge [sflag:s26], $0x2000  }
0x96: {  	[sflag:s26] =	ssyncset.done $0x0  }
0x97: {  	s3 =	simm.s32 $0x4D80;
	[sflag:s26] =	ssyncadd.s32 $0xFFFFE000  }
0x98: {  	[spmem:s2] =	stream.indirect.scatter.add.bf16 [tilespmem:s18], [sflag:$0x6], $0x40, s3, s17, $0xb8;
	[tilespmem:$0x1B000] =	vst v63  }
0x99: {  	_ =	swait.ge [sflag:s29], $0x2000  }
0x9a: {  	[sflag:s29] =	ssyncset.done $0x0  }
0x9b: {  	s5 =	simm.s32 $0x4E00;
	[sflag:s29] =	ssyncadd.s32 $0xFFFFE000  }
0x9c: {  	[spmem:s2] =	stream.indirect.scatter.add.bf16 [tilespmem:s19], [sflag:$0x7], $0x40, s5, s17, $0xb8;
	[tilespmem:$0x1B000] =	vst v63  }
0x9d: {  	_ =	swait.ge [sflag:s31], $0x2000  }
0x9e: {  	[sflag:s31] =	ssyncset.done $0x0  }
0x9f: {  	s6 =	simm.s32 $0x4E80;
	[sflag:s31] =	ssyncadd.s32 $0xFFFFE000  }
0xa0: {  	[spmem:s2] =	stream.indirect.scatter.add.bf16 [tilespmem:s21], [sflag:$0x8], $0x40, s6, s17, $0xb8;
	[tilespmem:$0x1B000] =	vst v63  }
0xa1: {  	_ =	swait.ge [sflag:s0], $0x2000  }
0xa2: {  	[sflag:s0] =	ssyncset.done $0x0  }
0xa3: {  	s5 =	simm.s32 $0x4F00;
	[sflag:s0] =	ssyncadd.s32 $0xFFFFE000  }
0xa4: {  	[spmem:s2] =	stream.indirect.scatter.add.bf16 [tilespmem:s23], [sflag:$0x9], $0x40, s5, s17, $0xb8;
	[tilespmem:$0x1B000] =	vst v63  }
0xa5: {  	_ =	swait.ge [sflag:s20], $0x2000  }
0xa6: {  	[sflag:s20] =	ssyncset.done $0x0  }
0xa7: {  	s6 =	simm.s32 $0x4F80;
	[sflag:s20] =	ssyncadd.s32 $0xFFFFE000  }
0xa8: {  	[spmem:s2] =	stream.indirect.scatter.add.bf16 [tilespmem:s25], [sflag:$0xA], $0x40, s6, s17, $0xb8;
	[tilespmem:$0x1B000] =	vst v63  }
0xa9: {  	_ =	swait.ge [sflag:s28], $0x2000  }
0xaa: {  	[sflag:s28] =	ssyncset.done $0x0  }
0xab: {  	[sflag:s28] =	ssyncadd.s32 $0xFFFFE000  }
0xac: {  	_ =	swait.ge [sflag:s30], $0x2000  }
0xad: {  	[sflag:s30] =	ssyncset.done $0x0  }
0xae: {  	[sflag:s30] =	ssyncadd.s32 $0xFFFFE000  }
0xaf: {  	_ =	swait.ge [sflag:s1], $0x2000  }
0xb0: {  	[sflag:s1] =	ssyncset.done $0x0  }
0xb1: {  	[sflag:s1] =	ssyncadd.s32 $0xFFFFE000  }
0xb2: {  	_ =	swait.ge [sflag:s15], $0x2000  }
0xb3: {  	[sflag:s15] =	ssyncset.done $0x0  }
0xb4: {  	[sflag:s15] =	ssyncadd.s32 $0xFFFFE000  }
0xb5: {  	s5 =	stileid.u32;
	_ =	swait.ge [sflag:s22], $0x2000  }
0xb6: {  	s24 =	sadd.s32 $0x1, s24;
	s3 =	sshll.u32 s5, $0x6;
	[sflag:s22] =	ssyncset.done $0x0  }
0xb7: {  	p0 =	sne.s32 s24, s13;
	s3 =	sor.u32 $0x1C0B, s3;
	[sflag:s22] =	ssyncadd.s32 $0xFFFFE000  }
.Ltmp2:
0xb8: {  	s6 =	sshrl.u32 s7, $0x3;
	[bflag:$0x0] =	sbarrier.arrive $0xFFFF;
	(pc) =	sbr.rel @p0 .LBB2_1-.Ltmp2, $4  }
0xb9: {  	[hbm:s12], [sflag:s3] =	dma.local [spmem:s6], $0x1400  }
0xba: {  	_ =	swait.ge [sflag:s14], $0x1400  }
0xbb: {  	[sflag:s14] =	ssyncset.done $0x0  }
0xbc: {  	[sflag:s14] =	ssyncadd.s32 $0xFFFFEC00  }
0xbd: {  	_ =	sfence.sel $0x180000  }
0xbe: {  	[bflag:$0x0] =	sbarrier.arrive $0xFFFF  }
0xbf: {  	_ =	strace $0x9000004A  }
0xc0: {  	s0 =	stileid.u32;
	[bflag:$0x2] =	sbarrier.arrive $0xFFFF  }
0xc1: {  	p0 =	sne.s32 s0, $0x0;
	s0 =	rddreg [dreg:$0x2]  }
0xc2: {  	s0 =	sadd.s32 @!p0 $0x100000, s0  }
0xc3: {  	[sflag:s0] =	ssyncadd.tile.s32 @!p0 $0x1;
	_ =	shalt  }
.Lfunc_end2:
_tile_overlayer_lowered:
.L_overlay_start_2:
0xc4: {  	(tag) =	ssettag $0x2  }
0xc5: {  	s0 =	rddreg [dreg:$0x0];
	s2 =	stileid.u32  }
0xc6: {  	s1 =	rddreg [dreg:$0x1];
	p0 =	sne.s32 s2, $0x0  }
0xc7: {  	s3 =	rddreg [dreg:$0x2];
	[bflag:$0x3] =	sbarrier.arrive $0xFFFF;
	s2 =	simm.s32 @!p0 $0x1C0B  }
0xc8: {  	[timem:s3], [sflag:s2] =	dma.local @!p0 [hbm:s0], s1  }
0xc9: {  	s0 =	simm.s32 @!p0 $0xB  }
0xca: {  	_ =	swait.ge @!p0 [sflag:s0], s1  }
0xcb: {  	s1 =	ssub.s32 @!p0 $0x0, s1;
	[sflag:s0] =	ssyncset.done @!p0 $0x0  }
0xcc: {  	[sflag:s0] =	ssyncadd.s32 @!p0 s1  }
0xcd: {  	[bflag:$0x3] =	sbarrier.arrive $0xFFFF  }
0xce: {  	_ =	shalt  }

// kernel: kernel.16.cloned.1.call-start
scs
__scs_entry_jumppad:
0x0: {  	(pc) =	sbr.rel $0x88, $3  }
0x1: {  	(tag) =	ssettag $0x0;
	lr =	simm.s32 $0x1  }
0x2: {  	[smem:$0x3F95] =	sst lr;
	_ =	strace $0xD0000000  }
0x3: {  	_ = 	snop  }
0x4: {  	_ = 	snop  }
0x5: {  	_ = 	snop  }
0x6: {  	_ = 	snop  }
0x7: {  	_ = 	snop  }
__scs_overlays_trampoline_lowered:
0x8: {  	[smem:$0x3FA4] =	sst s0  }
0x9: {  	[smem:$0x3FA5] =	sst s1  }
0xa: {  	[smem:$0x3FA6] =	sst s2  }
0xb: {  	[smem:$0x3FA7] =	sst s3  }
0xc: {  	[smem:$0x3FA8] =	sst s4  }
0xd: {  	[smem:$0x3FA9] =	sst s5  }
0xe: {  	[smem:$0x3FAA] =	sst s6  }
0xf: {  	[smem:$0x3FAB] =	sst s7  }
0x10: {  	[smem:$0x3FAC] =	sst s8  }
0x11: {  	[smem:$0x3FAD] =	sst s9;
	s0 =	simm.s32 @!p0 $0x0  }
0x12: {  	s1 =	sld [smem:$0x3F93];
	s0 =	simm.s32 @p0 $0x1  }
0x13: {  	[smem:$0x3FAE] =	sst s0;
	s0 =	simm.s32 @!p1 $0x0  }
0x14: {  	s2 =	sld [smem:$0x3F92];
	s0 =	simm.s32 @p1 $0x1  }
0x15: {  	[smem:$0x3FAF] =	sst s0;
	s0 =	simm.s32 @!p2 $0x0  }
0x16: {  	s3 =	sld [smem:$0x3FDB];
	s0 =	simm.s32 @p2 $0x1  }
0x17: {  	s4 =	simm.s32 $0x1BF5;
	[smem:$0x3FB1] =	sst s0  }
0x18: {  	s0 =	sld [smem:$0x3F94];
	_ =	swait.ge [sflag:s4], $0x0  }
0x19: {  	s7 =	sld [smem:$0x3F95]  }
0x1a: {  	s8 =	sadd.s32 $0xFFFFE003, lr  }
0x1b: {  	s9 =	sadd.s32 $0xFFFFFEF7, lr;
	s5 =	simm.s32 $0xFFFFFFFF;
	p2 =	slt.u32 s8, $0xFFFFF086  }
0x1c: {  	p1 =	slt.u32 s9, $0xF7A;
	s5 =	simm.s32 @!p2 $0x0  }
0x1d: {  	s5 =	simm.s32 @p1 $0x1;
	p0 =	seq.s32 s7, s2  }
0x1e: {  	s7 =	smul.u32 @!p0 $0xF7A, s2;
	p2 =	seq.s32 @!p0 s5, $0x0  }
0x1f: {  	s9 =	smul.u32 $0xF7A, s1;
	s8 =	simm.s32 @!p0 $0x1BF5;
	p2 =	por !p2, p0  }
0x20: {  	[sflag:s8] =	ssyncset.s32 @!p0 $0xFFFFF086;
	s6 =	sadd.s32 @!p0 s3, s7;
	s7 =	simm.s32 @!p0 $0x108  }
0x21: {  	s3 =	sadd.s32 s3, s9;
	s6 =	sadd.s32 @!p0 $0x88, s6;
	s7 =	simm.s32 @p2 $0x1082  }
0x22: {  	[simem:s7], [sflag:s8] =	dma.local @!p0 [hbm:s6], $0xF7A  }
0x23: {  	s9 =	sor.u32 $0xD0000000, s2;
	s6 =	simm.s32 $0x108;
	_ =	swait.ge @!p0 [sflag:s8], $0x0  }
0x24: {  	s3 =	sadd.s32 $0x88, s3;
	s6 =	simm.s32 @!p1 $0x1082;
	[sflag:s4] =	ssyncset.s32 $0xFFFFF086  }
0x25: {  	[simem:s6], [sflag:s4] =	dma.local [hbm:s3], $0xF7A  }
0x26: {  	[smem:$0x3F95] =	sst s1;
	(tag) =	ssettag s2;
	_ =	strace s9  }
0x27: {  	s1 =	sld [smem:$0x3FA5]  }
0x28: {  	s2 =	sld [smem:$0x3FA6]  }
0x29: {  	s4 =	sld [smem:$0x3FA8]  }
0x2a: {  	p0 =	seq.s32 s5, $0x0;
	s5 =	sld [smem:$0x3FA9]  }
0x2b: {  	s6 =	sld [smem:$0x3FAA]  }
0x2c: {  	s7 =	sld [smem:$0x3FAB]  }
0x2d: {  	s3 =	simm.s32 $0x108;
	s8 =	sld [smem:$0x3FAC]  }
0x2e: {  	s3 =	simm.s32 @!p0 $0x1082;
	s9 =	sld [smem:$0x3FAD]  }
0x2f: {  	lr =	sadd.s32 s0, s3;
	s0 =	sld [smem:$0x3FA4]  }
0x30: {  	s3 =	sld [smem:$0x3FA7]  }
0x31: {  	[smem:$0x3FB0] =	sst s10  }
0x32: {  	s10 =	sld [smem:$0x3FAE];
	_ =	sdelay $0x3  }
0x33: {  	p0 =	seq.s32 s10, $0x1;
	s10 =	sld [smem:$0x3FB0];
	_ =	sdelay $0x3  }
0x34: {  	[smem:$0x3FB0] =	sst s10  }
0x35: {  	s10 =	sld [smem:$0x3FAF];
	_ =	sdelay $0x3  }
0x36: {  	p1 =	seq.s32 s10, $0x1;
	s10 =	sld [smem:$0x3FB0];
	_ =	sdelay $0x3  }
0x37: {  	[smem:$0x3FB0] =	sst s10  }
0x38: {  	s10 =	sld [smem:$0x3FB1]  }
0x39: {  	_ = 	snop;
	(pc) =	sbr.ind lr, $3  }
0x3a: {  	_ = 	snop  }
0x3b: {  	_ = 	snop  }
0x3c: {  	p2 =	seq.s32 s10, $0x1;
	s10 =	sld [smem:$0x3FB0]  }
0x3d: {  	_ =	shalt  }
0x3e: {  	_ =	shalt  }
0x3f: {  	_ =	shalt  }
0x40: {  	_ =	shalt  }
0x41: {  	_ =	shalt  }
0x42: {  	_ =	shalt  }
0x43: {  	_ =	shalt  }
0x44: {  	_ =	shalt  }
0x45: {  	_ =	shalt  }
0x46: {  	_ =	shalt  }
0x47: {  	_ =	shalt  }
0x48: {  	_ =	shalt  }
0x49: {  	_ =	shalt  }
0x4a: {  	_ =	shalt  }
0x4b: {  	_ =	shalt  }
0x4c: {  	_ =	shalt  }
0x4d: {  	_ =	shalt  }
0x4e: {  	_ =	shalt  }
0x4f: {  	_ =	shalt  }
0x50: {  	_ =	shalt  }
0x51: {  	_ =	shalt  }
0x52: {  	_ =	shalt  }
0x53: {  	_ =	shalt  }
0x54: {  	_ =	shalt  }
0x55: {  	_ =	shalt  }
0x56: {  	_ =	shalt  }
0x57: {  	_ =	shalt  }
0x58: {  	_ =	shalt  }
0x59: {  	_ =	shalt  }
0x5a: {  	_ =	shalt  }
0x5b: {  	_ =	shalt  }
0x5c: {  	_ =	shalt  }
0x5d: {  	_ =	shalt  }
0x5e: {  	_ =	shalt  }
0x5f: {  	_ =	shalt  }
0x60: {  	_ =	shalt  }
0x61: {  	_ =	shalt  }
0x62: {  	_ =	shalt  }
0x63: {  	_ =	shalt  }
0x64: {  	_ =	shalt  }
0x65: {  	_ =	shalt  }
0x66: {  	_ =	shalt  }
0x67: {  	_ =	shalt  }
0x68: {  	_ =	shalt  }
0x69: {  	_ =	shalt  }
0x6a: {  	_ =	shalt  }
0x6b: {  	_ =	shalt  }
0x6c: {  	_ =	shalt  }
0x6d: {  	_ =	shalt  }
0x6e: {  	_ =	shalt  }
0x6f: {  	_ =	shalt  }
0x70: {  	_ =	shalt  }
0x71: {  	_ =	shalt  }
0x72: {  	_ =	shalt  }
0x73: {  	_ =	shalt  }
0x74: {  	_ =	shalt  }
0x75: {  	_ =	shalt  }
0x76: {  	_ =	shalt  }
0x77: {  	_ =	shalt  }
0x78: {  	_ =	shalt  }
0x79: {  	_ =	shalt  }
0x7a: {  	_ =	shalt  }
0x7b: {  	_ =	shalt  }
0x7c: {  	_ =	shalt  }
0x7d: {  	_ =	shalt  }
0x7e: {  	_ =	shalt  }
0x7f: {  	_ =	shalt  }
0x80: {  	_ =	shalt  }
0x81: {  	_ =	shalt  }
0x82: {  	_ =	shalt  }
0x83: {  	_ =	shalt  }
0x84: {  	_ =	shalt  }
0x85: {  	_ =	shalt  }
0x86: {  	_ =	shalt  }
0x87: {  	_ =	shalt  }
.Lfunc_end0:
.L_simem_size_0:
called_computation.2_lowered:
.L_overlay_start_0:
0x88: {  	s2 =	sld [smem:$0x3FD9]  }
0x89: {  	s3 =	sld [smem:$0x3FFE];
	_ =	sdelay $0x1  }
0x8a: {  	s1 =	srdreg.scid  }
0x8b: {  	s0 =	sand.u32 $0x1, s1  }
0x8c: {  	s16 =	sshll.u32 s0, $0xA;
	s2 =	sadd.s32 s3, s2  }
0x8d: {  	s2 =	sadd.s32 s2, s16  }
0x8e: {  	[smem:$0x3FBC] =	sst s2  }
0x8f: {  	_ = 	snop  }
0x90: {  	(tm) =	ssettm $0x1  }
0x91: {  	s17 =	sld [smem:$0x3FFB];
	_ =	sdelay $0x3  }
0x92: {  	_ =	strace s17  }
0x93: {  	s2 =	sld [smem:$0x3FFC];
	_ =	sdelay $0x3  }
0x94: {  	_ =	strace s2  }
0x95: {  	s2 =	sld [smem:$0x3FFD];
	_ =	sdelay $0x3  }
0x96: {  	_ =	strace s2  }
0x97: {  	_ =	strace $0x8FFFFFFF  }
0x98: {  	s18 =	sld [smem:$0x3FDB];
	_ =	sdelay $0x1  }
0x99: {  	s19 =	simm.s32 $_scs_section_size  }
0x9a: {  	s4 =	simm.s32 $_size__tile_overlayer_lowered;
	s5 =	simm.s32 $_tile_overlayer_lowered  }
0x9b: {  	s22 =	simm.s32 $0x1BFF;
	s21 =	sshll.u32 s5, $0x1;
	s2 =	sadd.s32 s19, s18  }
0x9c: {  	s6 =	simm.s32 $0x0;
	s20 =	sshll.u32 s4, $0x1;
	s4 =	sadd.s32 s21, s2  }
0x9d: {  	[timem:s6], [sflag:s22] =	dma.local [hbm:s4], s20  }
0x9e: {  	_ =	swait.ge [sflag:s22], s20  }
0x9f: {  	s3 =	ssub.s32 $0x0, s20;
	[sflag:s22] =	ssyncset.done $0x0  }
0xa0: {  	[sflag:s22] =	ssyncadd.s32 s3;
	_ =	sdelay $0x1  }
0xa1: {  	s23 =	simm.s32 $0x1B8B  }
0xa2: {  	_ =	swait.ge [sflag:s23], $0x1  }
0xa3: {  	[sflag:s23] =	ssyncset.done $0x0  }
0xa4: {  	s25 =	simm.s32 $0x1B8E;
	s24 =	sld [smem:$0x3FFE];
	[sflag:s23] =	ssyncadd.s32 $0xFFFFFFFF  }
0xa5: {  	s26 =	simm.s32 $execute0_lowered;
	[smem:$0x3FD2] =	sst s25  }
0xa6: {  	s4 =	sshll.u32 s26, $0x1;
	_ =	strace $0x8000004C;
	[dreg:$0x1] =	wrdreg $0xFFFFFFFF  }
0xa7: {  	s28 =	simm.s32 $_size_execute0_lowered;
	s2 =	sadd.s32 s2, s4;
	[dreg:$0x0] =	wrdreg $0x0  }
0xa8: {  	s4 =	sshll.u32 s28, $0x1;
	[dreg:$0x2] =	wrdreg s2  }
0xa9: {  	[dreg:$0x3] =	wrdreg s4  }
0xaa: {  	[dreg:$0x4] =	wrdreg $0xC0  }
0xab: {  	_ =	task [dreg:s6], $0x5FFFF  }
0xac: {  	[dreg:$0x1] =	wrdreg $0xFFFFFFFF  }
0xad: {  	[dreg:$0x0] =	wrdreg $0x60  }
0xae: {  	[dreg:$0x2] =	wrdreg s24  }
0xaf: {  	[dreg:$0x3] =	wrdreg $0x110000  }
0xb0: {  	[dreg:$0x4] =	wrdreg $0x9  }
0xb1: {  	_ =	task.clear_ibuf [dreg:s6], $0x5FFFF;
	_ =	strace $0x9000004C  }
0xb2: {  	s29 =	simm.s32 $0x9;
	_ =	strace $0x8000004E  }
0xb3: {  	_ =	swait.ge [sflag:s29], $0x1  }
0xb4: {  	[sflag:s29] =	ssyncadd.s32 $0xFFFFFFFF  }
0xb5: {  	_ =	strace $0x9000004E  }
0xb6: {  	_ =	sfence  }
0xb7: {  	s30 =	sld [smem:$0x0];
	_ =	sdelay $0x2  }
0xb8: {  	s31 =	sshll.u32 s1, $0xD;
	s1 =	sshrl.u32 s1, $0x2  }
0xb9: {  	s3 =	sand.u32 $0x4000, s31;
	s1 =	sadd.s32 s1, s30  }
0xba: {  	s0 =	sor.u32 s3, s0;
	s1 =	sshll.u32 s1, $0x11  }
0xbb: {  	s0 =	sor.u32 s1, s0  }
0xbc: {  	s0 =	sadd.s32 $0x8F2B, s0  }
0xbd: {  	[sflag:s0] =	ssyncadd.remote.s32 $0x1  }
0xbe: {  	_ =	sfence.sel $0xFFFF  }
0xbf: {  	[dreg:$0x0] =	wrdreg $0xFFFFFFFF;
	(pc) =	sbr.abs _section_cstart, $3  }
0xc0: {  	[dreg:$0x1] =	wrdreg $0xFFFFFFFF  }
0xc1: {  	_ =	task.clear_ibuf [dreg:s6], $0x2FFFF;
	_ =	strace $0x9FFFFFFF  }
0xc2: {  	(tm) =	ssettm $0x7FFFFFFF  }
0xc3: {  	_ =	shalt  }
tec
execute0_lowered:
.L_overlay_start_1:
0x0: {  	(tag) =	ssettag $0x1  }
0x1: {  	s0 =	srdreg.scid;
	s3 =	rddreg [dreg:$0x0]  }
0x2: {  	s7 =	stileid.u32;
	s2 =	rddreg [dreg:$0x1];
	s4 =	simm.s32 $0x0  }
0x3: {  	s14 =	simm.s32 $0xB;
	s16 =	simm.s32 $0x5000;
	s17 =	simm.s32 $0x80  }
0x4: {  	s18 =	simm.s32 $0x7000;
	s19 =	simm.s32 $0x9000;
	s21 =	simm.s32 $0xB000  }
0x5: {  	s23 =	simm.s32 $0xD000;
	s28 =	simm.s32 $0x6;
	s29 =	simm.s32 $0x2  }
0x6: {  	s30 =	simm.s32 $0x7;
	s31 =	simm.s32 $0x3;
	s15 =	simm.s32 $0x9  }
0x7: {  	s20 =	simm.s32 $0x5;
	s22 =	simm.s32 $0xA;
	s24 =	simm.s32 $0x0  }
0x8: {  	s0 =	sand.u32 $0x1, s0;
	s5 =	smul.u32 $0x14000, s7;
	[smem:$0x7FF] =	sst s4  }
0x9: {  	s4 =	sadd.s32 $0x3200, s3;
	s1 =	sshll.u32 s0, $0x4;
	s6 =	smul.u32 $0x140000, s0  }
0xa: {  	s0 =	ssub.s32 $0x2, s0;
	s1 =	sor.u32 s7, s1;
	s7 =	smul.u32 $0x28000, s7  }
0xb: {  	_ =	strace $0x8000004D;
	s8 =	sshrl.u32 s0, $0x1;
	s1 =	smul.u32 $0x2800, s1  }
0xc: {  	s6 =	sadd.s32 s5, s6;
	s0 =	ssub.s32 s0, s8;
	s5 =	sshrl.u32 s5, $0x1  }
0xd: {  	s6 =	sshrl.u32 s6, $0x4;
	s25 =	sshrl.u32 s7, $0x2;
	s7 =	sadd.s32 s5, s2  }
0xe: {  	s13 =	smax.u32 s0, $0x1;
	s0 =	simm.s32 $0x4;
	s1 =	sshrl.u32 s1, $0x3  }
0xf: {  	s11 =	sadd.s32 s25, s2;
	s25 =	simm.s32 $0xF000;
	s1 =	sadd.s32 s1, s3  }
0x10: {  	s3 =	sadd.s32 s6, s3;
	s8 =	sadd.s32 $0x2000, s11;
	s9 =	sadd.s32 $0x4000, s11  }
0x11: {  	s10 =	sadd.s32 $0x6000, s11;
	s11 =	sadd.s32 $0x8000, s11;
	s26 =	sadd.s32 $0x21200, s1  }
0x12: {  	s1 =	sadd.s32 $0x2B200, s1;
	s12 =	sadd.s32 $0x35200, s3;
	[dreg:$0x3] =	wrdreg s26  }
0x13: {  	v0 =	vimm.bf16 $0.0e+00;
	[dreg:$0x4] =	wrdreg s1;
	s26 =	simm.s32 $0x1;
	s1 =	simm.s32 $0x8  }
.LBB2_1:
0x14: {  	s3 =	simm.s32 $0x0;
	s5 =	rddreg [dreg:$0x3]  }
0x15: {  	[tilespmem:s3], [sflag:$0xB] =	stream.linear.gather [hbm4b:s5+s3], $0x2800, $0x38;
	[tilespmem:$0x1B000] =	vst v63  }
0x16: {  	_ =	swait.ge [sflag:s14], $0x2800  }
0x17: {  	[sflag:s14] =	ssyncset.done $0x0  }
0x18: {  	s6 =	simm.s32 $0x2800;
	s5 =	rddreg [dreg:$0x4];
	[sflag:s14] =	ssyncadd.s32 $0xFFFFD800  }
0x19: {  	[tilespmem:s6], [sflag:$0xB] =	stream.linear.gather [hbm4b:s5+s3], $0x2800, $0x38;
	[tilespmem:$0x1B000] =	vst v63  }
0x1a: {  	_ =	swait.ge [sflag:s14], $0x2800  }
0x1b: {  	[sflag:s14] =	ssyncset.done $0x0  }
0x1c: {  	s5 =	simm.s32 $0x100;
	s3 =	simm.s32 $0x0;
	[sflag:s14] =	ssyncadd.s32 $0xFFFFD800  }
.LBB2_2:
0x1d: {  	p0 =	sne.s32 s5, $0x7F00;
	[tilespmem:s3+$0x5030] =	vst v0;
	s6 =	smov.u32 s5;
	s5 =	sadd.s32 $0x100, s5  }
.Ltmp0:
0x1e: {  	[tilespmem:s3+$0x5020] =	vst v0;
	(pc) =	sbr.rel @p0 .LBB2_2-.Ltmp0, $3  }
0x1f: {  	[tilespmem:s3+$0x5000] =	vst v0  }
0x20: {  	[tilespmem:s3+$0x5010] =	vst v0;
	_ =	sdelay $0x1  }
0x21: {  	s3 =	sshra.s32 s6, $0x2  }
0x22: {  	[tilespmem:s3+$0x5030] =	vst v0  }
0x23: {  	[tilespmem:s3+$0x5020] =	vst v0  }
0x24: {  	[tilespmem:s3+$0x5000] =	vst v0  }
0x25: {  	[tilespmem:s3+$0x5010] =	vst v0  }
0x26: {  	[spmem:s7] =	stream.linear.scatter [tilespmem:s16], [sflag:$0xB], $0x2000, $0x38;
	[tilespmem:$0x1B000] =	vst v63  }
0x27: {  	_ =	swait.ge [sflag:s14], $0x2000  }
0x28: {  	[sflag:s14] =	ssyncset.done $0x0  }
0x29: {  	[sflag:s14] =	ssyncadd.s32 $0xFFFFE000  }
0x2a: {  	[spmem:s8] =	stream.linear.scatter [tilespmem:s16], [sflag:$0xB], $0x2000, $0x38;
	[tilespmem:$0x1B000] =	vst v63  }
0x2b: {  	_ =	swait.ge [sflag:s14], $0x2000  }
0x2c: {  	[sflag:s14] =	ssyncset.done $0x0  }
0x2d: {  	[sflag:s14] =	ssyncadd.s32 $0xFFFFE000  }
0x2e: {  	[spmem:s9] =	stream.linear.scatter [tilespmem:s16], [sflag:$0xB], $0x2000, $0x38;
	[tilespmem:$0x1B000] =	vst v63  }
0x2f: {  	_ =	swait.ge [sflag:s14], $0x2000  }
0x30: {  	[sflag:s14] =	ssyncset.done $0x0  }
0x31: {  	[sflag:s14] =	ssyncadd.s32 $0xFFFFE000  }
0x32: {  	[spmem:s10] =	stream.linear.scatter [tilespmem:s16], [sflag:$0xB], $0x2000, $0x38;
	[tilespmem:$0x1B000] =	vst v63  }
0x33: {  	_ =	swait.ge [sflag:s14], $0x2000  }
0x34: {  	[sflag:s14] =	ssyncset.done $0x0  }
0x35: {  	[sflag:s14] =	ssyncadd.s32 $0xFFFFE000  }
0x36: {  	[spmem:s11] =	stream.linear.scatter [tilespmem:s16], [sflag:$0xB], $0x2000, $0x38;
	[tilespmem:$0x1B000] =	vst v63  }
0x37: {  	_ =	swait.ge [sflag:s14], $0x2000  }
0x38: {  	[sflag:s14] =	ssyncset.done $0x0  }
0x39: {  	[sflag:s14] =	ssyncadd.s32 $0xFFFFE000  }
0x3a: {  	s6 =	simm.s32 $0x0;
	[bflag:$0x0] =	sbarrier.arrive $0xFFFF  }
0x3b: {  	[tilespmem:s18], [sflag:$0x1] =	stream.indirect.gather [hbm4b:s4+s17], $0x40, s6, s17, $0xb8;
	[tilespmem:$0x1B000] =	vst v63  }
0x3c: {  	_ = 	snop  }
0x3d: {  	[tilespmem:s19], [sflag:$0x2] =	stream.indirect.gather [hbm4b:s4+s17], $0x40, s17, s17, $0xb8;
	[tilespmem:$0x1B000] =	vst v63  }
0x3e: {  	s5 =	simm.s32 $0x100  }
0x3f: {  	[tilespmem:s21], [sflag:$0x3] =	stream.indirect.gather [hbm4b:s4+s17], $0x40, s5, s17, $0xb8;
	[tilespmem:$0x1B000] =	vst v63  }
0x40: {  	s6 =	simm.s32 $0x180  }
0x41: {  	[tilespmem:s23], [sflag:$0x4] =	stream.indirect.gather [hbm4b:s4+s17], $0x40, s6, s17, $0xb8;
	[tilespmem:$0x1B000] =	vst v63  }
0x42: {  	s5 =	simm.s32 $0x200  }
0x43: {  	[tilespmem:s25], [sflag:$0x5] =	stream.indirect.gather [hbm4b:s4+s17], $0x40, s5, s17, $0xb8;
	[tilespmem:$0x1B000] =	vst v63  }
0x44: {  	_ =	swait.ge [sflag:s26], $0x2000  }
0x45: {  	[sflag:s26] =	ssyncset.done $0x0  }
0x46: {  	s6 =	simm.s32 $0x2800;
	[sflag:s26] =	ssyncadd.s32 $0xFFFFE000  }
0x47: {  	[spmem:s2] =	stream.indirect.scatter.add.bf16 [tilespmem:s18], [sflag:$0x6], $0x40, s6, s17, $0xb8;
	[tilespmem:$0x1B000] =	vst v63  }
0x48: {  	_ =	swait.ge [sflag:s28], $0x2000  }
0x49: {  	[sflag:s28] =	ssyncset.done $0x0  }
0x4a: {  	s5 =	simm.s32 $0x280;
	[sflag:s28] =	ssyncadd.s32 $0xFFFFE000  }
0x4b: {  	[tilespmem:s18], [sflag:$0x1] =	stream.indirect.gather [hbm4b:s4+s17], $0x40, s5, s17, $0xb8;
	[tilespmem:$0x1B000] =	vst v63  }
0x4c: {  	_ =	swait.ge [sflag:s29], $0x2000  }
0x4d: {  	[sflag:s29] =	ssyncset.done $0x0  }
0x4e: {  	s6 =	simm.s32 $0x2880;
	[sflag:s29] =	ssyncadd.s32 $0xFFFFE000  }
0x4f: {  	[spmem:s2] =	stream.indirect.scatter.add.bf16 [tilespmem:s19], [sflag:$0x7], $0x40, s6, s17, $0xb8;
	[tilespmem:$0x1B000] =	vst v63  }
0x50: {  	_ =	swait.ge [sflag:s30], $0x2000  }
0x51: {  	[sflag:s30] =	ssyncset.done $0x0  }
0x52: {  	s5 =	simm.s32 $0x300;
	[sflag:s30] =	ssyncadd.s32 $0xFFFFE000  }
0x53: {  	[tilespmem:s19], [sflag:$0x2] =	stream.indirect.gather [hbm4b:s4+s17], $0x40, s5, s17, $0xb8;
	[tilespmem:$0x1B000] =	vst v63  }
0x54: {  	_ =	swait.ge [sflag:s31], $0x2000  }
0x55: {  	[sflag:s31] =	ssyncset.done $0x0  }
0x56: {  	s6 =	simm.s32 $0x2900;
	[sflag:s31] =	ssyncadd.s32 $0xFFFFE000  }
0x57: {  	[spmem:s2] =	stream.indirect.scatter.add.bf16 [tilespmem:s21], [sflag:$0x8], $0x40, s6, s17, $0xb8;
	[tilespmem:$0x1B000] =	vst v63  }
0x58: {  	_ =	swait.ge [sflag:s1], $0x2000  }
0x59: {  	[sflag:s1] =	ssyncset.done $0x0  }
0x5a: {  	s5 =	simm.s32 $0x380;
	[sflag:s1] =	ssyncadd.s32 $0xFFFFE000  }
0x5b: {  	[tilespmem:s21], [sflag:$0x3] =	stream.indirect.gather [hbm4b:s4+s17], $0x40, s5, s17, $0xb8;
	[tilespmem:$0x1B000] =	vst v63  }
0x5c: {  	_ =	swait.ge [sflag:s0], $0x2000  }
0x5d: {  	[sflag:s0] =	ssyncset.done $0x0  }
0x5e: {  	s6 =	simm.s32 $0x2980;
	[sflag:s0] =	ssyncadd.s32 $0xFFFFE000  }
0x5f: {  	[spmem:s2] =	stream.indirect.scatter.add.bf16 [tilespmem:s23], [sflag:$0x9], $0x40, s6, s17, $0xb8;
	[tilespmem:$0x1B000] =	vst v63  }
0x60: {  	_ =	swait.ge [sflag:s15], $0x2000  }
0x61: {  	[sflag:s15] =	ssyncset.done $0x0  }
0x62: {  	s5 =	simm.s32 $0x400;
	[sflag:s15] =	ssyncadd.s32 $0xFFFFE000  }
0x63: {  	[tilespmem:s23], [sflag:$0x4] =	stream.indirect.gather [hbm4b:s4+s17], $0x40, s5, s17, $0xb8;
	[tilespmem:$0x1B000] =	vst v63  }
0x64: {  	_ =	swait.ge [sflag:s20], $0x2000  }
0x65: {  	[sflag:s20] =	ssyncset.done $0x0  }
0x66: {  	s6 =	simm.s32 $0x2A00;
	[sflag:s20] =	ssyncadd.s32 $0xFFFFE000  }
0x67: {  	[spmem:s2] =	stream.indirect.scatter.add.bf16 [tilespmem:s25], [sflag:$0xA], $0x40, s6, s17, $0xb8;
	[tilespmem:$0x1B000] =	vst v63  }
0x68: {  	_ =	swait.ge [sflag:s22], $0x2000  }
0x69: {  	[sflag:s22] =	ssyncset.done $0x0  }
0x6a: {  	s3 =	simm.s32 $0xA00;
	s5 =	simm.s32 $0x480;
	[sflag:s22] =	ssyncadd.s32 $0xFFFFE000  }
.LBB2_4:
0x6b: {  	[tilespmem:s25], [sflag:$0x5] =	stream.indirect.gather [hbm4b:s4+s17], $0x40, s5, s17, $0xb8;
	[tilespmem:$0x1B000] =	vst v63  }
0x6c: {  	s5 =	smov.u32 s3  }
0x6d: {  	p0 =	sne.s32 s3, $0x8C00;
	s3 =	sadd.s32 $0xA00, s3;
	_ =	swait.ge [sflag:s26], $0x2000  }
0x6e: {  	s5 =	sshra.s32 s5, $0x2;
	[sflag:s26] =	ssyncset.done $0x0  }
0x6f: {  	s6 =	sadd.s32 $0x2800, s5;
	[sflag:s26] =	ssyncadd.s32 $0xFFFFE000  }
0x70: {  	[spmem:s2] =	stream.indirect.scatter.add.bf16 [tilespmem:s18], [sflag:$0x6], $0x40, s6, s17, $0xb8;
	[tilespmem:$0x1B000] =	vst v63  }
0x71: {  	_ =	swait.ge [sflag:s28], $0x2000  }
0x72: {  	[sflag:s28] =	ssyncset.done $0x0  }
0x73: {  	s6 =	sadd.s32 $0x280, s5;
	[sflag:s28] =	ssyncadd.s32 $0xFFFFE000  }
0x74: {  	[tilespmem:s18], [sflag:$0x1] =	stream.indirect.gather [hbm4b:s4+s17], $0x40, s6, s17, $0xb8;
	[tilespmem:$0x1B000] =	vst v63  }
0x75: {  	_ =	swait.ge [sflag:s29], $0x2000  }
0x76: {  	[sflag:s29] =	ssyncset.done $0x0  }
0x77: {  	s6 =	sadd.s32 $0x2880, s5;
	[sflag:s29] =	ssyncadd.s32 $0xFFFFE000  }
0x78: {  	[spmem:s2] =	stream.indirect.scatter.add.bf16 [tilespmem:s19], [sflag:$0x7], $0x40, s6, s17, $0xb8;
	[tilespmem:$0x1B000] =	vst v63  }
0x79: {  	_ =	swait.ge [sflag:s30], $0x2000  }
0x7a: {  	[sflag:s30] =	ssyncset.done $0x0  }
0x7b: {  	s6 =	sadd.s32 $0x300, s5;
	[sflag:s30] =	ssyncadd.s32 $0xFFFFE000  }
0x7c: {  	[tilespmem:s19], [sflag:$0x2] =	stream.indirect.gather [hbm4b:s4+s17], $0x40, s6, s17, $0xb8;
	[tilespmem:$0x1B000] =	vst v63  }
0x7d: {  	_ =	swait.ge [sflag:s31], $0x2000  }
0x7e: {  	[sflag:s31] =	ssyncset.done $0x0  }
0x7f: {  	s6 =	sadd.s32 $0x2900, s5;
	[sflag:s31] =	ssyncadd.s32 $0xFFFFE000  }
0x80: {  	[spmem:s2] =	stream.indirect.scatter.add.bf16 [tilespmem:s21], [sflag:$0x8], $0x40, s6, s17, $0xb8;
	[tilespmem:$0x1B000] =	vst v63  }
0x81: {  	_ =	swait.ge [sflag:s1], $0x2000  }
0x82: {  	[sflag:s1] =	ssyncset.done $0x0  }
0x83: {  	s6 =	sadd.s32 $0x380, s5;
	[sflag:s1] =	ssyncadd.s32 $0xFFFFE000  }
0x84: {  	[tilespmem:s21], [sflag:$0x3] =	stream.indirect.gather [hbm4b:s4+s17], $0x40, s6, s17, $0xb8;
	[tilespmem:$0x1B000] =	vst v63  }
0x85: {  	_ =	swait.ge [sflag:s0], $0x2000  }
0x86: {  	[sflag:s0] =	ssyncset.done $0x0  }
0x87: {  	s6 =	sadd.s32 $0x2980, s5;
	[sflag:s0] =	ssyncadd.s32 $0xFFFFE000  }
0x88: {  	[spmem:s2] =	stream.indirect.scatter.add.bf16 [tilespmem:s23], [sflag:$0x9], $0x40, s6, s17, $0xb8;
	[tilespmem:$0x1B000] =	vst v63  }
0x89: {  	_ =	swait.ge [sflag:s15], $0x2000  }
0x8a: {  	[sflag:s15] =	ssyncset.done $0x0  }
0x8b: {  	s6 =	sadd.s32 $0x400, s5;
	[sflag:s15] =	ssyncadd.s32 $0xFFFFE000  }
0x8c: {  	[tilespmem:s23], [sflag:$0x4] =	stream.indirect.gather [hbm4b:s4+s17], $0x40, s6, s17, $0xb8;
	[tilespmem:$0x1B000] =	vst v63  }
0x8d: {  	_ =	swait.ge [sflag:s20], $0x2000  }
0x8e: {  	[sflag:s20] =	ssyncset.done $0x0  }
.Ltmp1:
0x8f: {  	s6 =	sadd.s32 $0x2A00, s5;
	[sflag:s20] =	ssyncadd.s32 $0xFFFFE000;
	(pc) =	sbr.rel @p0 .LBB2_4-.Ltmp1, $4  }
0x90: {  	[spmem:s2] =	stream.indirect.scatter.add.bf16 [tilespmem:s25], [sflag:$0xA], $0x40, s6, s17, $0xb8;
	[tilespmem:$0x1B000] =	vst v63  }
0x91: {  	_ =	swait.ge [sflag:s22], $0x2000  }
0x92: {  	[sflag:s22] =	ssyncset.done $0x0  }
0x93: {  	s5 =	sadd.s32 $0x480, s5;
	[sflag:s22] =	ssyncadd.s32 $0xFFFFE000  }
0x94: {  	[tilespmem:s25], [sflag:$0x5] =	stream.indirect.gather [hbm4b:s4+s17], $0x40, s5, s17, $0xb8;
	[tilespmem:$0x1B000] =	vst v63  }
0x95: {  	_ =	swait.ge [sflag:s26], $0x2000  }
0x96: {  	[sflag:s26] =	ssyncset.done $0x0  }
0x97: {  	s3 =	simm.s32 $0x4D80;
	[sflag:s26] =	ssyncadd.s32 $0xFFFFE000  }
0x98: {  	[spmem:s2] =	stream.indirect.scatter.add.bf16 [tilespmem:s18], [sflag:$0x6], $0x40, s3, s17, $0xb8;
	[tilespmem:$0x1B000] =	vst v63  }
0x99: {  	_ =	swait.ge [sflag:s29], $0x2000  }
0x9a: {  	[sflag:s29] =	ssyncset.done $0x0  }
0x9b: {  	s5 =	simm.s32 $0x4E00;
	[sflag:s29] =	ssyncadd.s32 $0xFFFFE000  }
0x9c: {  	[spmem:s2] =	stream.indirect.scatter.add.bf16 [tilespmem:s19], [sflag:$0x7], $0x40, s5, s17, $0xb8;
	[tilespmem:$0x1B000] =	vst v63  }
0x9d: {  	_ =	swait.ge [sflag:s31], $0x2000  }
0x9e: {  	[sflag:s31] =	ssyncset.done $0x0  }
0x9f: {  	s6 =	simm.s32 $0x4E80;
	[sflag:s31] =	ssyncadd.s32 $0xFFFFE000  }
0xa0: {  	[spmem:s2] =	stream.indirect.scatter.add.bf16 [tilespmem:s21], [sflag:$0x8], $0x40, s6, s17, $0xb8;
	[tilespmem:$0x1B000] =	vst v63  }
0xa1: {  	_ =	swait.ge [sflag:s0], $0x2000  }
0xa2: {  	[sflag:s0] =	ssyncset.done $0x0  }
0xa3: {  	s5 =	simm.s32 $0x4F00;
	[sflag:s0] =	ssyncadd.s32 $0xFFFFE000  }
0xa4: {  	[spmem:s2] =	stream.indirect.scatter.add.bf16 [tilespmem:s23], [sflag:$0x9], $0x40, s5, s17, $0xb8;
	[tilespmem:$0x1B000] =	vst v63  }
0xa5: {  	_ =	swait.ge [sflag:s20], $0x2000  }
0xa6: {  	[sflag:s20] =	ssyncset.done $0x0  }
0xa7: {  	s6 =	simm.s32 $0x4F80;
	[sflag:s20] =	ssyncadd.s32 $0xFFFFE000  }
0xa8: {  	[spmem:s2] =	stream.indirect.scatter.add.bf16 [tilespmem:s25], [sflag:$0xA], $0x40, s6, s17, $0xb8;
	[tilespmem:$0x1B000] =	vst v63  }
0xa9: {  	_ =	swait.ge [sflag:s28], $0x2000  }
0xaa: {  	[sflag:s28] =	ssyncset.done $0x0  }
0xab: {  	[sflag:s28] =	ssyncadd.s32 $0xFFFFE000  }
0xac: {  	_ =	swait.ge [sflag:s30], $0x2000  }
0xad: {  	[sflag:s30] =	ssyncset.done $0x0  }
0xae: {  	[sflag:s30] =	ssyncadd.s32 $0xFFFFE000  }
0xaf: {  	_ =	swait.ge [sflag:s1], $0x2000  }
0xb0: {  	[sflag:s1] =	ssyncset.done $0x0  }
0xb1: {  	[sflag:s1] =	ssyncadd.s32 $0xFFFFE000  }
0xb2: {  	_ =	swait.ge [sflag:s15], $0x2000  }
0xb3: {  	[sflag:s15] =	ssyncset.done $0x0  }
0xb4: {  	[sflag:s15] =	ssyncadd.s32 $0xFFFFE000  }
0xb5: {  	s5 =	stileid.u32;
	_ =	swait.ge [sflag:s22], $0x2000  }
0xb6: {  	s24 =	sadd.s32 $0x1, s24;
	s3 =	sshll.u32 s5, $0x6;
	[sflag:s22] =	ssyncset.done $0x0  }
0xb7: {  	p0 =	sne.s32 s24, s13;
	s3 =	sor.u32 $0x1C0B, s3;
	[sflag:s22] =	ssyncadd.s32 $0xFFFFE000  }
.Ltmp2:
0xb8: {  	s6 =	sshrl.u32 s7, $0x3;
	[bflag:$0x0] =	sbarrier.arrive $0xFFFF;
	(pc) =	sbr.rel @p0 .LBB2_1-.Ltmp2, $4  }
0xb9: {  	[hbm:s12], [sflag:s3] =	dma.local [spmem:s6], $0x1400  }
0xba: {  	_ =	swait.ge [sflag:s14], $0x1400  }
0xbb: {  	[sflag:s14] =	ssyncset.done $0x0  }
0xbc: {  	[sflag:s14] =	ssyncadd.s32 $0xFFFFEC00  }
0xbd: {  	_ =	sfence.sel $0x180000  }
0xbe: {  	[bflag:$0x0] =	sbarrier.arrive $0xFFFF  }
0xbf: {  	_ =	strace $0x9000004D  }
0xc0: {  	s0 =	stileid.u32;
	[bflag:$0x2] =	sbarrier.arrive $0xFFFF  }
0xc1: {  	p0 =	sne.s32 s0, $0x0;
	s0 =	rddreg [dreg:$0x2]  }
0xc2: {  	s0 =	sadd.s32 @!p0 $0x100000, s0  }
0xc3: {  	[sflag:s0] =	ssyncadd.tile.s32 @!p0 $0x1;
	_ =	shalt  }
.Lfunc_end2:
_tile_overlayer_lowered:
.L_overlay_start_2:
0xc4: {  	(tag) =	ssettag $0x2  }
0xc5: {  	s0 =	rddreg [dreg:$0x0];
	s2 =	stileid.u32  }
0xc6: {  	s1 =	rddreg [dreg:$0x1];
	p0 =	sne.s32 s2, $0x0  }
0xc7: {  	s3 =	rddreg [dreg:$0x2];
	[bflag:$0x3] =	sbarrier.arrive $0xFFFF;
	s2 =	simm.s32 @!p0 $0x1C0B  }
0xc8: {  	[timem:s3], [sflag:s2] =	dma.local @!p0 [hbm:s0], s1  }
0xc9: {  	s0 =	simm.s32 @!p0 $0xB  }
0xca: {  	_ =	swait.ge @!p0 [sflag:s0], s1  }
0xcb: {  	s1 =	ssub.s32 @!p0 $0x0, s1;
	[sflag:s0] =	ssyncset.done @!p0 $0x0  }
0xcc: {  	[sflag:s0] =	ssyncadd.s32 @!p0 s1  }
0xcd: {  	[bflag:$0x3] =	sbarrier.arrive $0xFFFF  }
0xce: {  	_ =	shalt  }

// kernel: kernel.19.cloned.1.call-start
scs
__scs_entry_jumppad:
0x0: {  	(pc) =	sbr.rel $0x88, $3  }
0x1: {  	(tag) =	ssettag $0x0;
	lr =	simm.s32 $0x1  }
0x2: {  	[smem:$0x3F95] =	sst lr;
	_ =	strace $0xD0000000  }
0x3: {  	_ = 	snop  }
0x4: {  	_ = 	snop  }
0x5: {  	_ = 	snop  }
0x6: {  	_ = 	snop  }
0x7: {  	_ = 	snop  }
__scs_overlays_trampoline_lowered:
0x8: {  	[smem:$0x3FA4] =	sst s0  }
0x9: {  	[smem:$0x3FA5] =	sst s1  }
0xa: {  	[smem:$0x3FA6] =	sst s2  }
0xb: {  	[smem:$0x3FA7] =	sst s3  }
0xc: {  	[smem:$0x3FA8] =	sst s4  }
0xd: {  	[smem:$0x3FA9] =	sst s5  }
0xe: {  	[smem:$0x3FAA] =	sst s6  }
0xf: {  	[smem:$0x3FAB] =	sst s7  }
0x10: {  	[smem:$0x3FAC] =	sst s8  }
0x11: {  	[smem:$0x3FAD] =	sst s9;
	s0 =	simm.s32 @!p0 $0x0  }
0x12: {  	s1 =	sld [smem:$0x3F93];
	s0 =	simm.s32 @p0 $0x1  }
0x13: {  	[smem:$0x3FAE] =	sst s0;
	s0 =	simm.s32 @!p1 $0x0  }
0x14: {  	s2 =	sld [smem:$0x3F92];
	s0 =	simm.s32 @p1 $0x1  }
0x15: {  	[smem:$0x3FAF] =	sst s0;
	s0 =	simm.s32 @!p2 $0x0  }
0x16: {  	s3 =	sld [smem:$0x3FDB];
	s0 =	simm.s32 @p2 $0x1  }
0x17: {  	s4 =	simm.s32 $0x1BF5;
	[smem:$0x3FB1] =	sst s0  }
0x18: {  	s0 =	sld [smem:$0x3F94];
	_ =	swait.ge [sflag:s4], $0x0  }
0x19: {  	s7 =	sld [smem:$0x3F95]  }
0x1a: {  	s8 =	sadd.s32 $0xFFFFE003, lr  }
0x1b: {  	s9 =	sadd.s32 $0xFFFFFEF7, lr;
	s5 =	simm.s32 $0xFFFFFFFF;
	p2 =	slt.u32 s8, $0xFFFFF086  }
0x1c: {  	p1 =	slt.u32 s9, $0xF7A;
	s5 =	simm.s32 @!p2 $0x0  }
0x1d: {  	s5 =	simm.s32 @p1 $0x1;
	p0 =	seq.s32 s7, s2  }
0x1e: {  	s7 =	smul.u32 @!p0 $0xF7A, s2;
	p2 =	seq.s32 @!p0 s5, $0x0  }
0x1f: {  	s9 =	smul.u32 $0xF7A, s1;
	s8 =	simm.s32 @!p0 $0x1BF5;
	p2 =	por !p2, p0  }
0x20: {  	[sflag:s8] =	ssyncset.s32 @!p0 $0xFFFFF086;
	s6 =	sadd.s32 @!p0 s3, s7;
	s7 =	simm.s32 @!p0 $0x108  }
0x21: {  	s3 =	sadd.s32 s3, s9;
	s6 =	sadd.s32 @!p0 $0x88, s6;
	s7 =	simm.s32 @p2 $0x1082  }
0x22: {  	[simem:s7], [sflag:s8] =	dma.local @!p0 [hbm:s6], $0xF7A  }
0x23: {  	s9 =	sor.u32 $0xD0000000, s2;
	s6 =	simm.s32 $0x108;
	_ =	swait.ge @!p0 [sflag:s8], $0x0  }
0x24: {  	s3 =	sadd.s32 $0x88, s3;
	s6 =	simm.s32 @!p1 $0x1082;
	[sflag:s4] =	ssyncset.s32 $0xFFFFF086  }
0x25: {  	[simem:s6], [sflag:s4] =	dma.local [hbm:s3], $0xF7A  }
0x26: {  	[smem:$0x3F95] =	sst s1;
	(tag) =	ssettag s2;
	_ =	strace s9  }
0x27: {  	s1 =	sld [smem:$0x3FA5]  }
0x28: {  	s2 =	sld [smem:$0x3FA6]  }
0x29: {  	s4 =	sld [smem:$0x3FA8]  }
0x2a: {  	p0 =	seq.s32 s5, $0x0;
	s5 =	sld [smem:$0x3FA9]  }
0x2b: {  	s6 =	sld [smem:$0x3FAA]  }
0x2c: {  	s7 =	sld [smem:$0x3FAB]  }
0x2d: {  	s3 =	simm.s32 $0x108;
	s8 =	sld [smem:$0x3FAC]  }
0x2e: {  	s3 =	simm.s32 @!p0 $0x1082;
	s9 =	sld [smem:$0x3FAD]  }
0x2f: {  	lr =	sadd.s32 s0, s3;
	s0 =	sld [smem:$0x3FA4]  }
0x30: {  	s3 =	sld [smem:$0x3FA7]  }
0x31: {  	[smem:$0x3FB0] =	sst s10  }
0x32: {  	s10 =	sld [smem:$0x3FAE];
	_ =	sdelay $0x3  }
0x33: {  	p0 =	seq.s32 s10, $0x1;
	s10 =	sld [smem:$0x3FB0];
	_ =	sdelay $0x3  }
0x34: {  	[smem:$0x3FB0] =	sst s10  }
0x35: {  	s10 =	sld [smem:$0x3FAF];
	_ =	sdelay $0x3  }
0x36: {  	p1 =	seq.s32 s10, $0x1;
	s10 =	sld [smem:$0x3FB0];
	_ =	sdelay $0x3  }
0x37: {  	[smem:$0x3FB0] =	sst s10  }
0x38: {  	s10 =	sld [smem:$0x3FB1]  }
0x39: {  	_ = 	snop;
	(pc) =	sbr.ind lr, $3  }
0x3a: {  	_ = 	snop  }
0x3b: {  	_ = 	snop  }
0x3c: {  	p2 =	seq.s32 s10, $0x1;
	s10 =	sld [smem:$0x3FB0]  }
0x3d: {  	_ =	shalt  }
0x3e: {  	_ =	shalt  }
0x3f: {  	_ =	shalt  }
0x40: {  	_ =	shalt  }
0x41: {  	_ =	shalt  }
0x42: {  	_ =	shalt  }
0x43: {  	_ =	shalt  }
0x44: {  	_ =	shalt  }
0x45: {  	_ =	shalt  }
0x46: {  	_ =	shalt  }
0x47: {  	_ =	shalt  }
0x48: {  	_ =	shalt  }
0x49: {  	_ =	shalt  }
0x4a: {  	_ =	shalt  }
0x4b: {  	_ =	shalt  }
0x4c: {  	_ =	shalt  }
0x4d: {  	_ =	shalt  }
0x4e: {  	_ =	shalt  }
0x4f: {  	_ =	shalt  }
0x50: {  	_ =	shalt  }
0x51: {  	_ =	shalt  }
0x52: {  	_ =	shalt  }
0x53: {  	_ =	shalt  }
0x54: {  	_ =	shalt  }
0x55: {  	_ =	shalt  }
0x56: {  	_ =	shalt  }
0x57: {  	_ =	shalt  }
0x58: {  	_ =	shalt  }
0x59: {  	_ =	shalt  }
0x5a: {  	_ =	shalt  }
0x5b: {  	_ =	shalt  }
0x5c: {  	_ =	shalt  }
0x5d: {  	_ =	shalt  }
0x5e: {  	_ =	shalt  }
0x5f: {  	_ =	shalt  }
0x60: {  	_ =	shalt  }
0x61: {  	_ =	shalt  }
0x62: {  	_ =	shalt  }
0x63: {  	_ =	shalt  }
0x64: {  	_ =	shalt  }
0x65: {  	_ =	shalt  }
0x66: {  	_ =	shalt  }
0x67: {  	_ =	shalt  }
0x68: {  	_ =	shalt  }
0x69: {  	_ =	shalt  }
0x6a: {  	_ =	shalt  }
0x6b: {  	_ =	shalt  }
0x6c: {  	_ =	shalt  }
0x6d: {  	_ =	shalt  }
0x6e: {  	_ =	shalt  }
0x6f: {  	_ =	shalt  }
0x70: {  	_ =	shalt  }
0x71: {  	_ =	shalt  }
0x72: {  	_ =	shalt  }
0x73: {  	_ =	shalt  }
0x74: {  	_ =	shalt  }
0x75: {  	_ =	shalt  }
0x76: {  	_ =	shalt  }
0x77: {  	_ =	shalt  }
0x78: {  	_ =	shalt  }
0x79: {  	_ =	shalt  }
0x7a: {  	_ =	shalt  }
0x7b: {  	_ =	shalt  }
0x7c: {  	_ =	shalt  }
0x7d: {  	_ =	shalt  }
0x7e: {  	_ =	shalt  }
0x7f: {  	_ =	shalt  }
0x80: {  	_ =	shalt  }
0x81: {  	_ =	shalt  }
0x82: {  	_ =	shalt  }
0x83: {  	_ =	shalt  }
0x84: {  	_ =	shalt  }
0x85: {  	_ =	shalt  }
0x86: {  	_ =	shalt  }
0x87: {  	_ =	shalt  }
.Lfunc_end0:
.L_simem_size_0:
called_computation.3_lowered:
.L_overlay_start_0:
0x88: {  	s2 =	sld [smem:$0x3FD9]  }
0x89: {  	s3 =	sld [smem:$0x3FFE];
	_ =	sdelay $0x1  }
0x8a: {  	s1 =	srdreg.scid  }
0x8b: {  	s0 =	sand.u32 $0x1, s1  }
0x8c: {  	s16 =	sshll.u32 s0, $0xA;
	s2 =	sadd.s32 s3, s2  }
0x8d: {  	s2 =	sadd.s32 s2, s16  }
0x8e: {  	[smem:$0x3FBC] =	sst s2  }
0x8f: {  	_ = 	snop  }
0x90: {  	(tm) =	ssettm $0x1  }
0x91: {  	s17 =	sld [smem:$0x3FFB];
	_ =	sdelay $0x3  }
0x92: {  	_ =	strace s17  }
0x93: {  	s2 =	sld [smem:$0x3FFC];
	_ =	sdelay $0x3  }
0x94: {  	_ =	strace s2  }
0x95: {  	s2 =	sld [smem:$0x3FFD];
	_ =	sdelay $0x3  }
0x96: {  	_ =	strace s2  }
0x97: {  	_ =	strace $0x8FFFFFFF  }
0x98: {  	s18 =	sld [smem:$0x3FDB];
	_ =	sdelay $0x1  }
0x99: {  	s19 =	simm.s32 $_scs_section_size  }
0x9a: {  	s4 =	simm.s32 $_size__tile_overlayer_lowered;
	s5 =	simm.s32 $_tile_overlayer_lowered  }
0x9b: {  	s22 =	simm.s32 $0x1BFF;
	s21 =	sshll.u32 s5, $0x1;
	s2 =	sadd.s32 s19, s18  }
0x9c: {  	s6 =	simm.s32 $0x0;
	s20 =	sshll.u32 s4, $0x1;
	s4 =	sadd.s32 s21, s2  }
0x9d: {  	[timem:s6], [sflag:s22] =	dma.local [hbm:s4], s20  }
0x9e: {  	_ =	swait.ge [sflag:s22], s20  }
0x9f: {  	s3 =	ssub.s32 $0x0, s20;
	[sflag:s22] =	ssyncset.done $0x0  }
0xa0: {  	[sflag:s22] =	ssyncadd.s32 s3;
	_ =	sdelay $0x1  }
0xa1: {  	s23 =	simm.s32 $0x1B8B  }
0xa2: {  	_ =	swait.ge [sflag:s23], $0x1  }
0xa3: {  	[sflag:s23] =	ssyncset.done $0x0  }
0xa4: {  	s25 =	simm.s32 $0x1B8E;
	s24 =	sld [smem:$0x3FFE];
	[sflag:s23] =	ssyncadd.s32 $0xFFFFFFFF  }
0xa5: {  	s26 =	simm.s32 $execute0_lowered;
	[smem:$0x3FD2] =	sst s25  }
0xa6: {  	s4 =	sshll.u32 s26, $0x1;
	_ =	strace $0x8000004F;
	[dreg:$0x1] =	wrdreg $0xFFFFFFFF  }
0xa7: {  	s28 =	simm.s32 $_size_execute0_lowered;
	s2 =	sadd.s32 s2, s4;
	[dreg:$0x0] =	wrdreg $0x0  }
0xa8: {  	s4 =	sshll.u32 s28, $0x1;
	[dreg:$0x2] =	wrdreg s2  }
0xa9: {  	[dreg:$0x3] =	wrdreg s4  }
0xaa: {  	[dreg:$0x4] =	wrdreg $0xC0  }
0xab: {  	_ =	task [dreg:s6], $0x5FFFF  }
0xac: {  	[dreg:$0x1] =	wrdreg $0xFFFFFFFF  }
0xad: {  	[dreg:$0x0] =	wrdreg $0x60  }
0xae: {  	[dreg:$0x2] =	wrdreg s24  }
0xaf: {  	[dreg:$0x3] =	wrdreg $0x110000  }
0xb0: {  	[dreg:$0x4] =	wrdreg $0x9  }
0xb1: {  	_ =	task.clear_ibuf [dreg:s6], $0x5FFFF;
	_ =	strace $0x9000004F  }
0xb2: {  	s29 =	simm.s32 $0x9;
	_ =	strace $0x80000051  }
0xb3: {  	_ =	swait.ge [sflag:s29], $0x1  }
0xb4: {  	[sflag:s29] =	ssyncadd.s32 $0xFFFFFFFF  }
0xb5: {  	_ =	strace $0x90000051  }
0xb6: {  	_ =	sfence  }
0xb7: {  	s30 =	sld [smem:$0x0];
	_ =	sdelay $0x2  }
0xb8: {  	s31 =	sshll.u32 s1, $0xD;
	s1 =	sshrl.u32 s1, $0x2  }
0xb9: {  	s3 =	sand.u32 $0x4000, s31;
	s1 =	sadd.s32 s1, s30  }
0xba: {  	s0 =	sor.u32 s3, s0;
	s1 =	sshll.u32 s1, $0x11  }
0xbb: {  	s0 =	sor.u32 s1, s0  }
0xbc: {  	s0 =	sadd.s32 $0x8F2B, s0  }
0xbd: {  	[sflag:s0] =	ssyncadd.remote.s32 $0x1  }
0xbe: {  	_ =	sfence.sel $0xFFFF  }
0xbf: {  	[dreg:$0x0] =	wrdreg $0xFFFFFFFF;
	(pc) =	sbr.abs _section_cstart, $3  }
0xc0: {  	[dreg:$0x1] =	wrdreg $0xFFFFFFFF  }
0xc1: {  	_ =	task.clear_ibuf [dreg:s6], $0x2FFFF;
	_ =	strace $0x9FFFFFFF  }
0xc2: {  	(tm) =	ssettm $0x7FFFFFFF  }
0xc3: {  	_ =	shalt  }
tec
execute0_lowered:
.L_overlay_start_1:
0x0: {  	(tag) =	ssettag $0x1  }
0x1: {  	s0 =	srdreg.scid;
	s3 =	rddreg [dreg:$0x0]  }
0x2: {  	s7 =	stileid.u32;
	s2 =	rddreg [dreg:$0x1];
	s4 =	simm.s32 $0x0  }
0x3: {  	s14 =	simm.s32 $0xB;
	s16 =	simm.s32 $0x5000;
	s17 =	simm.s32 $0x80  }
0x4: {  	s18 =	simm.s32 $0x7000;
	s19 =	simm.s32 $0x9000;
	s21 =	simm.s32 $0xB000  }
0x5: {  	s23 =	simm.s32 $0xD000;
	s28 =	simm.s32 $0x6;
	s29 =	simm.s32 $0x2  }
0x6: {  	s30 =	simm.s32 $0x7;
	s31 =	simm.s32 $0x3;
	s15 =	simm.s32 $0x9  }
0x7: {  	s20 =	simm.s32 $0x5;
	s22 =	simm.s32 $0xA;
	s24 =	simm.s32 $0x0  }
0x8: {  	s0 =	sand.u32 $0x1, s0;
	s5 =	smul.u32 $0x14000, s7;
	[smem:$0x7FF] =	sst s4  }
0x9: {  	s4 =	sadd.s32 $0x3200, s3;
	s1 =	sshll.u32 s0, $0x4;
	s6 =	smul.u32 $0x140000, s0  }
0xa: {  	s0 =	ssub.s32 $0x2, s0;
	s1 =	sor.u32 s7, s1;
	s7 =	smul.u32 $0x28000, s7  }
0xb: {  	_ =	strace $0x80000050;
	s8 =	sshrl.u32 s0, $0x1;
	s1 =	smul.u32 $0x2800, s1  }
0xc: {  	s6 =	sadd.s32 s5, s6;
	s0 =	ssub.s32 s0, s8;
	s5 =	sshrl.u32 s5, $0x1  }
0xd: {  	s6 =	sshrl.u32 s6, $0x4;
	s25 =	sshrl.u32 s7, $0x2;
	s7 =	sadd.s32 s5, s2  }
0xe: {  	s13 =	smax.u32 s0, $0x1;
	s0 =	simm.s32 $0x4;
	s1 =	sshrl.u32 s1, $0x3  }
0xf: {  	s11 =	sadd.s32 s25, s2;
	s25 =	simm.s32 $0xF000;
	s1 =	sadd.s32 s1, s3  }
0x10: {  	s3 =	sadd.s32 s6, s3;
	s8 =	sadd.s32 $0x2000, s11;
	s9 =	sadd.s32 $0x4000, s11  }
0x11: {  	s10 =	sadd.s32 $0x6000, s11;
	s11 =	sadd.s32 $0x8000, s11;
	s26 =	sadd.s32 $0x21200, s1  }
0x12: {  	s1 =	sadd.s32 $0x2B200, s1;
	s12 =	sadd.s32 $0x35200, s3;
	[dreg:$0x3] =	wrdreg s26  }
0x13: {  	v0 =	vimm.bf16 $0.0e+00;
	[dreg:$0x4] =	wrdreg s1;
	s26 =	simm.s32 $0x1;
	s1 =	simm.s32 $0x8  }
.LBB2_1:
0x14: {  	s3 =	simm.s32 $0x0;
	s5 =	rddreg [dreg:$0x3]  }
0x15: {  	[tilespmem:s3], [sflag:$0xB] =	stream.linear.gather [hbm4b:s5+s3], $0x2800, $0x38;
	[tilespmem:$0x1B000] =	vst v63  }
0x16: {  	_ =	swait.ge [sflag:s14], $0x2800  }
0x17: {  	[sflag:s14] =	ssyncset.done $0x0  }
0x18: {  	s6 =	simm.s32 $0x2800;
	s5 =	rddreg [dreg:$0x4];
	[sflag:s14] =	ssyncadd.s32 $0xFFFFD800  }
0x19: {  	[tilespmem:s6], [sflag:$0xB] =	stream.linear.gather [hbm4b:s5+s3], $0x2800, $0x38;
	[tilespmem:$0x1B000] =	vst v63  }
0x1a: {  	_ =	swait.ge [sflag:s14], $0x2800  }
0x1b: {  	[sflag:s14] =	ssyncset.done $0x0  }
0x1c: {  	s5 =	simm.s32 $0x100;
	s3 =	simm.s32 $0x0;
	[sflag:s14] =	ssyncadd.s32 $0xFFFFD800  }
.LBB2_2:
0x1d: {  	p0 =	sne.s32 s5, $0x7F00;
	[tilespmem:s3+$0x5030] =	vst v0;
	s6 =	smov.u32 s5;
	s5 =	sadd.s32 $0x100, s5  }
.Ltmp0:
0x1e: {  	[tilespmem:s3+$0x5020] =	vst v0;
	(pc) =	sbr.rel @p0 .LBB2_2-.Ltmp0, $3  }
0x1f: {  	[tilespmem:s3+$0x5000] =	vst v0  }
0x20: {  	[tilespmem:s3+$0x5010] =	vst v0;
	_ =	sdelay $0x1  }
0x21: {  	s3 =	sshra.s32 s6, $0x2  }
0x22: {  	[tilespmem:s3+$0x5030] =	vst v0  }
0x23: {  	[tilespmem:s3+$0x5020] =	vst v0  }
0x24: {  	[tilespmem:s3+$0x5000] =	vst v0  }
0x25: {  	[tilespmem:s3+$0x5010] =	vst v0  }
0x26: {  	[spmem:s7] =	stream.linear.scatter [tilespmem:s16], [sflag:$0xB], $0x2000, $0x38;
	[tilespmem:$0x1B000] =	vst v63  }
0x27: {  	_ =	swait.ge [sflag:s14], $0x2000  }
0x28: {  	[sflag:s14] =	ssyncset.done $0x0  }
0x29: {  	[sflag:s14] =	ssyncadd.s32 $0xFFFFE000  }
0x2a: {  	[spmem:s8] =	stream.linear.scatter [tilespmem:s16], [sflag:$0xB], $0x2000, $0x38;
	[tilespmem:$0x1B000] =	vst v63  }
0x2b: {  	_ =	swait.ge [sflag:s14], $0x2000  }
0x2c: {  	[sflag:s14] =	ssyncset.done $0x0  }
0x2d: {  	[sflag:s14] =	ssyncadd.s32 $0xFFFFE000  }
0x2e: {  	[spmem:s9] =	stream.linear.scatter [tilespmem:s16], [sflag:$0xB], $0x2000, $0x38;
	[tilespmem:$0x1B000] =	vst v63  }
0x2f: {  	_ =	swait.ge [sflag:s14], $0x2000  }
0x30: {  	[sflag:s14] =	ssyncset.done $0x0  }
0x31: {  	[sflag:s14] =	ssyncadd.s32 $0xFFFFE000  }
0x32: {  	[spmem:s10] =	stream.linear.scatter [tilespmem:s16], [sflag:$0xB], $0x2000, $0x38;
	[tilespmem:$0x1B000] =	vst v63  }
0x33: {  	_ =	swait.ge [sflag:s14], $0x2000  }
0x34: {  	[sflag:s14] =	ssyncset.done $0x0  }
0x35: {  	[sflag:s14] =	ssyncadd.s32 $0xFFFFE000  }
0x36: {  	[spmem:s11] =	stream.linear.scatter [tilespmem:s16], [sflag:$0xB], $0x2000, $0x38;
	[tilespmem:$0x1B000] =	vst v63  }
0x37: {  	_ =	swait.ge [sflag:s14], $0x2000  }
0x38: {  	[sflag:s14] =	ssyncset.done $0x0  }
0x39: {  	[sflag:s14] =	ssyncadd.s32 $0xFFFFE000  }
0x3a: {  	s6 =	simm.s32 $0x0;
	[bflag:$0x0] =	sbarrier.arrive $0xFFFF  }
0x3b: {  	[tilespmem:s18], [sflag:$0x1] =	stream.indirect.gather [hbm4b:s4+s17], $0x40, s6, s17, $0xb8;
	[tilespmem:$0x1B000] =	vst v63  }
0x3c: {  	_ = 	snop  }
0x3d: {  	[tilespmem:s19], [sflag:$0x2] =	stream.indirect.gather [hbm4b:s4+s17], $0x40, s17, s17, $0xb8;
	[tilespmem:$0x1B000] =	vst v63  }
0x3e: {  	s5 =	simm.s32 $0x100  }
0x3f: {  	[tilespmem:s21], [sflag:$0x3] =	stream.indirect.gather [hbm4b:s4+s17], $0x40, s5, s17, $0xb8;
	[tilespmem:$0x1B000] =	vst v63  }
0x40: {  	s6 =	simm.s32 $0x180  }
0x41: {  	[tilespmem:s23], [sflag:$0x4] =	stream.indirect.gather [hbm4b:s4+s17], $0x40, s6, s17, $0xb8;
	[tilespmem:$0x1B000] =	vst v63  }
0x42: {  	s5 =	simm.s32 $0x200  }
0x43: {  	[tilespmem:s25], [sflag:$0x5] =	stream.indirect.gather [hbm4b:s4+s17], $0x40, s5, s17, $0xb8;
	[tilespmem:$0x1B000] =	vst v63  }
0x44: {  	_ =	swait.ge [sflag:s26], $0x2000  }
0x45: {  	[sflag:s26] =	ssyncset.done $0x0  }
0x46: {  	s6 =	simm.s32 $0x2800;
	[sflag:s26] =	ssyncadd.s32 $0xFFFFE000  }
0x47: {  	[spmem:s2] =	stream.indirect.scatter.add.bf16 [tilespmem:s18], [sflag:$0x6], $0x40, s6, s17, $0xb8;
	[tilespmem:$0x1B000] =	vst v63  }
0x48: {  	_ =	swait.ge [sflag:s28], $0x2000  }
0x49: {  	[sflag:s28] =	ssyncset.done $0x0  }
0x4a: {  	s5 =	simm.s32 $0x280;
	[sflag:s28] =	ssyncadd.s32 $0xFFFFE000  }
0x4b: {  	[tilespmem:s18], [sflag:$0x1] =	stream.indirect.gather [hbm4b:s4+s17], $0x40, s5, s17, $0xb8;
	[tilespmem:$0x1B000] =	vst v63  }
0x4c: {  	_ =	swait.ge [sflag:s29], $0x2000  }
0x4d: {  	[sflag:s29] =	ssyncset.done $0x0  }
0x4e: {  	s6 =	simm.s32 $0x2880;
	[sflag:s29] =	ssyncadd.s32 $0xFFFFE000  }
0x4f: {  	[spmem:s2] =	stream.indirect.scatter.add.bf16 [tilespmem:s19], [sflag:$0x7], $0x40, s6, s17, $0xb8;
	[tilespmem:$0x1B000] =	vst v63  }
0x50: {  	_ =	swait.ge [sflag:s30], $0x2000  }
0x51: {  	[sflag:s30] =	ssyncset.done $0x0  }
0x52: {  	s5 =	simm.s32 $0x300;
	[sflag:s30] =	ssyncadd.s32 $0xFFFFE000  }
0x53: {  	[tilespmem:s19], [sflag:$0x2] =	stream.indirect.gather [hbm4b:s4+s17], $0x40, s5, s17, $0xb8;
	[tilespmem:$0x1B000] =	vst v63  }
0x54: {  	_ =	swait.ge [sflag:s31], $0x2000  }
0x55: {  	[sflag:s31] =	ssyncset.done $0x0  }
0x56: {  	s6 =	simm.s32 $0x2900;
	[sflag:s31] =	ssyncadd.s32 $0xFFFFE000  }
0x57: {  	[spmem:s2] =	stream.indirect.scatter.add.bf16 [tilespmem:s21], [sflag:$0x8], $0x40, s6, s17, $0xb8;
	[tilespmem:$0x1B000] =	vst v63  }
0x58: {  	_ =	swait.ge [sflag:s1], $0x2000  }
0x59: {  	[sflag:s1] =	ssyncset.done $0x0  }
0x5a: {  	s5 =	simm.s32 $0x380;
	[sflag:s1] =	ssyncadd.s32 $0xFFFFE000  }
0x5b: {  	[tilespmem:s21], [sflag:$0x3] =	stream.indirect.gather [hbm4b:s4+s17], $0x40, s5, s17, $0xb8;
	[tilespmem:$0x1B000] =	vst v63  }
0x5c: {  	_ =	swait.ge [sflag:s0], $0x2000  }
0x5d: {  	[sflag:s0] =	ssyncset.done $0x0  }
0x5e: {  	s6 =	simm.s32 $0x2980;
	[sflag:s0] =	ssyncadd.s32 $0xFFFFE000  }
0x5f: {  	[spmem:s2] =	stream.indirect.scatter.add.bf16 [tilespmem:s23], [sflag:$0x9], $0x40, s6, s17, $0xb8;
	[tilespmem:$0x1B000] =	vst v63  }
0x60: {  	_ =	swait.ge [sflag:s15], $0x2000  }
0x61: {  	[sflag:s15] =	ssyncset.done $0x0  }
0x62: {  	s5 =	simm.s32 $0x400;
	[sflag:s15] =	ssyncadd.s32 $0xFFFFE000  }
0x63: {  	[tilespmem:s23], [sflag:$0x4] =	stream.indirect.gather [hbm4b:s4+s17], $0x40, s5, s17, $0xb8;
	[tilespmem:$0x1B000] =	vst v63  }
0x64: {  	_ =	swait.ge [sflag:s20], $0x2000  }
0x65: {  	[sflag:s20] =	ssyncset.done $0x0  }
0x66: {  	s6 =	simm.s32 $0x2A00;
	[sflag:s20] =	ssyncadd.s32 $0xFFFFE000  }
0x67: {  	[spmem:s2] =	stream.indirect.scatter.add.bf16 [tilespmem:s25], [sflag:$0xA], $0x40, s6, s17, $0xb8;
	[tilespmem:$0x1B000] =	vst v63  }
0x68: {  	_ =	swait.ge [sflag:s22], $0x2000  }
0x69: {  	[sflag:s22] =	ssyncset.done $0x0  }
0x6a: {  	s3 =	simm.s32 $0xA00;
	s5 =	simm.s32 $0x480;
	[sflag:s22] =	ssyncadd.s32 $0xFFFFE000  }
.LBB2_4:
0x6b: {  	[tilespmem:s25], [sflag:$0x5] =	stream.indirect.gather [hbm4b:s4+s17], $0x40, s5, s17, $0xb8;
	[tilespmem:$0x1B000] =	vst v63  }
0x6c: {  	s5 =	smov.u32 s3  }
0x6d: {  	p0 =	sne.s32 s3, $0x8C00;
	s3 =	sadd.s32 $0xA00, s3;
	_ =	swait.ge [sflag:s26], $0x2000  }
0x6e: {  	s5 =	sshra.s32 s5, $0x2;
	[sflag:s26] =	ssyncset.done $0x0  }
0x6f: {  	s6 =	sadd.s32 $0x2800, s5;
	[sflag:s26] =	ssyncadd.s32 $0xFFFFE000  }
0x70: {  	[spmem:s2] =	stream.indirect.scatter.add.bf16 [tilespmem:s18], [sflag:$0x6], $0x40, s6, s17, $0xb8;
	[tilespmem:$0x1B000] =	vst v63  }
0x71: {  	_ =	swait.ge [sflag:s28], $0x2000  }
0x72: {  	[sflag:s28] =	ssyncset.done $0x0  }
0x73: {  	s6 =	sadd.s32 $0x280, s5;
	[sflag:s28] =	ssyncadd.s32 $0xFFFFE000  }
0x74: {  	[tilespmem:s18], [sflag:$0x1] =	stream.indirect.gather [hbm4b:s4+s17], $0x40, s6, s17, $0xb8;
	[tilespmem:$0x1B000] =	vst v63  }
0x75: {  	_ =	swait.ge [sflag:s29], $0x2000  }
0x76: {  	[sflag:s29] =	ssyncset.done $0x0  }
0x77: {  	s6 =	sadd.s32 $0x2880, s5;
	[sflag:s29] =	ssyncadd.s32 $0xFFFFE000  }
0x78: {  	[spmem:s2] =	stream.indirect.scatter.add.bf16 [tilespmem:s19], [sflag:$0x7], $0x40, s6, s17, $0xb8;
	[tilespmem:$0x1B000] =	vst v63  }
0x79: {  	_ =	swait.ge [sflag:s30], $0x2000  }
0x7a: {  	[sflag:s30] =	ssyncset.done $0x0  }
0x7b: {  	s6 =	sadd.s32 $0x300, s5;
	[sflag:s30] =	ssyncadd.s32 $0xFFFFE000  }
0x7c: {  	[tilespmem:s19], [sflag:$0x2] =	stream.indirect.gather [hbm4b:s4+s17], $0x40, s6, s17, $0xb8;
	[tilespmem:$0x1B000] =	vst v63  }
0x7d: {  	_ =	swait.ge [sflag:s31], $0x2000  }
0x7e: {  	[sflag:s31] =	ssyncset.done $0x0  }
0x7f: {  	s6 =	sadd.s32 $0x2900, s5;
	[sflag:s31] =	ssyncadd.s32 $0xFFFFE000  }
0x80: {  	[spmem:s2] =	stream.indirect.scatter.add.bf16 [tilespmem:s21], [sflag:$0x8], $0x40, s6, s17, $0xb8;
	[tilespmem:$0x1B000] =	vst v63  }
0x81: {  	_ =	swait.ge [sflag:s1], $0x2000  }
0x82: {  	[sflag:s1] =	ssyncset.done $0x0  }
0x83: {  	s6 =	sadd.s32 $0x380, s5;
	[sflag:s1] =	ssyncadd.s32 $0xFFFFE000  }
0x84: {  	[tilespmem:s21], [sflag:$0x3] =	stream.indirect.gather [hbm4b:s4+s17], $0x40, s6, s17, $0xb8;
	[tilespmem:$0x1B000] =	vst v63  }
0x85: {  	_ =	swait.ge [sflag:s0], $0x2000  }
0x86: {  	[sflag:s0] =	ssyncset.done $0x0  }
0x87: {  	s6 =	sadd.s32 $0x2980, s5;
	[sflag:s0] =	ssyncadd.s32 $0xFFFFE000  }
0x88: {  	[spmem:s2] =	stream.indirect.scatter.add.bf16 [tilespmem:s23], [sflag:$0x9], $0x40, s6, s17, $0xb8;
	[tilespmem:$0x1B000] =	vst v63  }
0x89: {  	_ =	swait.ge [sflag:s15], $0x2000  }
0x8a: {  	[sflag:s15] =	ssyncset.done $0x0  }
0x8b: {  	s6 =	sadd.s32 $0x400, s5;
	[sflag:s15] =	ssyncadd.s32 $0xFFFFE000  }
0x8c: {  	[tilespmem:s23], [sflag:$0x4] =	stream.indirect.gather [hbm4b:s4+s17], $0x40, s6, s17, $0xb8;
	[tilespmem:$0x1B000] =	vst v63  }
0x8d: {  	_ =	swait.ge [sflag:s20], $0x2000  }
0x8e: {  	[sflag:s20] =	ssyncset.done $0x0  }
.Ltmp1:
0x8f: {  	s6 =	sadd.s32 $0x2A00, s5;
	[sflag:s20] =	ssyncadd.s32 $0xFFFFE000;
	(pc) =	sbr.rel @p0 .LBB2_4-.Ltmp1, $4  }
0x90: {  	[spmem:s2] =	stream.indirect.scatter.add.bf16 [tilespmem:s25], [sflag:$0xA], $0x40, s6, s17, $0xb8;
	[tilespmem:$0x1B000] =	vst v63  }
0x91: {  	_ =	swait.ge [sflag:s22], $0x2000  }
0x92: {  	[sflag:s22] =	ssyncset.done $0x0  }
0x93: {  	s5 =	sadd.s32 $0x480, s5;
	[sflag:s22] =	ssyncadd.s32 $0xFFFFE000  }
0x94: {  	[tilespmem:s25], [sflag:$0x5] =	stream.indirect.gather [hbm4b:s4+s17], $0x40, s5, s17, $0xb8;
	[tilespmem:$0x1B000] =	vst v63  }
0x95: {  	_ =	swait.ge [sflag:s26], $0x2000  }
0x96: {  	[sflag:s26] =	ssyncset.done $0x0  }
0x97: {  	s3 =	simm.s32 $0x4D80;
	[sflag:s26] =	ssyncadd.s32 $0xFFFFE000  }
0x98: {  	[spmem:s2] =	stream.indirect.scatter.add.bf16 [tilespmem:s18], [sflag:$0x6], $0x40, s3, s17, $0xb8;
	[tilespmem:$0x1B000] =	vst v63  }
0x99: {  	_ =	swait.ge [sflag:s29], $0x2000  }
0x9a: {  	[sflag:s29] =	ssyncset.done $0x0  }
0x9b: {  	s5 =	simm.s32 $0x4E00;
	[sflag:s29] =	ssyncadd.s32 $0xFFFFE000  }
0x9c: {  	[spmem:s2] =	stream.indirect.scatter.add.bf16 [tilespmem:s19], [sflag:$0x7], $0x40, s5, s17, $0xb8;
	[tilespmem:$0x1B000] =	vst v63  }
0x9d: {  	_ =	swait.ge [sflag:s31], $0x2000  }
0x9e: {  	[sflag:s31] =	ssyncset.done $0x0  }
0x9f: {  	s6 =	simm.s32 $0x4E80;
	[sflag:s31] =	ssyncadd.s32 $0xFFFFE000  }
0xa0: {  	[spmem:s2] =	stream.indirect.scatter.add.bf16 [tilespmem:s21], [sflag:$0x8], $0x40, s6, s17, $0xb8;
	[tilespmem:$0x1B000] =	vst v63  }
0xa1: {  	_ =	swait.ge [sflag:s0], $0x2000  }
0xa2: {  	[sflag:s0] =	ssyncset.done $0x0  }
0xa3: {  	s5 =	simm.s32 $0x4F00;
	[sflag:s0] =	ssyncadd.s32 $0xFFFFE000  }
0xa4: {  	[spmem:s2] =	stream.indirect.scatter.add.bf16 [tilespmem:s23], [sflag:$0x9], $0x40, s5, s17, $0xb8;
	[tilespmem:$0x1B000] =	vst v63  }
0xa5: {  	_ =	swait.ge [sflag:s20], $0x2000  }
0xa6: {  	[sflag:s20] =	ssyncset.done $0x0  }
0xa7: {  	s6 =	simm.s32 $0x4F80;
	[sflag:s20] =	ssyncadd.s32 $0xFFFFE000  }
0xa8: {  	[spmem:s2] =	stream.indirect.scatter.add.bf16 [tilespmem:s25], [sflag:$0xA], $0x40, s6, s17, $0xb8;
	[tilespmem:$0x1B000] =	vst v63  }
0xa9: {  	_ =	swait.ge [sflag:s28], $0x2000  }
0xaa: {  	[sflag:s28] =	ssyncset.done $0x0  }
0xab: {  	[sflag:s28] =	ssyncadd.s32 $0xFFFFE000  }
0xac: {  	_ =	swait.ge [sflag:s30], $0x2000  }
0xad: {  	[sflag:s30] =	ssyncset.done $0x0  }
0xae: {  	[sflag:s30] =	ssyncadd.s32 $0xFFFFE000  }
0xaf: {  	_ =	swait.ge [sflag:s1], $0x2000  }
0xb0: {  	[sflag:s1] =	ssyncset.done $0x0  }
0xb1: {  	[sflag:s1] =	ssyncadd.s32 $0xFFFFE000  }
0xb2: {  	_ =	swait.ge [sflag:s15], $0x2000  }
0xb3: {  	[sflag:s15] =	ssyncset.done $0x0  }
0xb4: {  	[sflag:s15] =	ssyncadd.s32 $0xFFFFE000  }
0xb5: {  	s5 =	stileid.u32;
	_ =	swait.ge [sflag:s22], $0x2000  }
0xb6: {  	s24 =	sadd.s32 $0x1, s24;
	s3 =	sshll.u32 s5, $0x6;
	[sflag:s22] =	ssyncset.done $0x0  }
0xb7: {  	p0 =	sne.s32 s24, s13;
	s3 =	sor.u32 $0x1C0B, s3;
	[sflag:s22] =	ssyncadd.s32 $0xFFFFE000  }
.Ltmp2:
0xb8: {  	s6 =	sshrl.u32 s7, $0x3;
	[bflag:$0x0] =	sbarrier.arrive $0xFFFF;
	(pc) =	sbr.rel @p0 .LBB2_1-.Ltmp2, $4  }
0xb9: {  	[hbm:s12], [sflag:s3] =	dma.local [spmem:s6], $0x1400  }
0xba: {  	_ =	swait.ge [sflag:s14], $0x1400  }
0xbb: {  	[sflag:s14] =	ssyncset.done $0x0  }
0xbc: {  	[sflag:s14] =	ssyncadd.s32 $0xFFFFEC00  }
0xbd: {  	_ =	sfence.sel $0x180000  }
0xbe: {  	[bflag:$0x0] =	sbarrier.arrive $0xFFFF  }
0xbf: {  	_ =	strace $0x90000050  }
0xc0: {  	s0 =	stileid.u32;
	[bflag:$0x2] =	sbarrier.arrive $0xFFFF  }
0xc1: {  	p0 =	sne.s32 s0, $0x0;
	s0 =	rddreg [dreg:$0x2]  }
0xc2: {  	s0 =	sadd.s32 @!p0 $0x100000, s0  }
0xc3: {  	[sflag:s0] =	ssyncadd.tile.s32 @!p0 $0x1;
	_ =	shalt  }
.Lfunc_end2:
_tile_overlayer_lowered:
.L_overlay_start_2:
0xc4: {  	(tag) =	ssettag $0x2  }
0xc5: {  	s0 =	rddreg [dreg:$0x0];
	s2 =	stileid.u32  }
0xc6: {  	s1 =	rddreg [dreg:$0x1];
	p0 =	sne.s32 s2, $0x0  }
0xc7: {  	s3 =	rddreg [dreg:$0x2];
	[bflag:$0x3] =	sbarrier.arrive $0xFFFF;
	s2 =	simm.s32 @!p0 $0x1C0B  }
0xc8: {  	[timem:s3], [sflag:s2] =	dma.local @!p0 [hbm:s0], s1  }
0xc9: {  	s0 =	simm.s32 @!p0 $0xB  }
0xca: {  	_ =	swait.ge @!p0 [sflag:s0], s1  }
0xcb: {  	s1 =	ssub.s32 @!p0 $0x0, s1;
	[sflag:s0] =	ssyncset.done @!p0 $0x0  }
0xcc: {  	[sflag:s0] =	ssyncadd.s32 @!p0 s1  }
0xcd: {  	[bflag:$0x3] =	sbarrier.arrive $0xFFFF  }
0xce: {  	_ =	shalt  }

</sc_bundles>
